<compile_context>
chip_gen: v7x
topology: tpu7x:2x2x1
jax: 0.10.2.dev20260603
libtpu: 0.0.44.dev20260713+nightly
codegen_flags: <defaults>
</compile_context>

<pallas_src>
import jax
import jax.numpy as jnp
from jax import lax
from jax.experimental import pallas as pl
from jax.experimental.pallas import tpu as pltpu
from jax.experimental.pallas import tpu_sc as plsc

_B = 16384
_D = 64
_N = 512
_NKEY = 20
_NCOL = 21
_CAM_COL = 11
_NBITS = 10
_T = 1 << _NBITS

_NC = 2
_NS = 16
_NW = _NC * _NS
_LPW = _B // _NW
_CH = 32
_NCHUNK = _LPW // _CH
_NPAIR = _NCHUNK // 2


def _bf16_bits(x):
    u = lax.bitcast_convert_type(x, jnp.int32)
    return ((u + 0x7FFF + ((u >> 16) & 1)) >> 16) & 0xFFFF


def _pack_pair(xe, xo):
    return _bf16_bits(xe) | (_bf16_bits(xo) << 16)


def _fold_body(e0_ref, e1_ref, wc8_ref, bc_ref, a_ref, wf_ref, bf_ref,
               t0_ref, t1_ref, m_ref, idx_ref):
    _H = _N // 2
    accs = [bf_ref[0:1, 0:_H], bf_ref[0:1, _H:_N]]
    rows0 = [[], []]
    rows1 = [[], []]
    ms = [None, None]
    for c in range(_NCOL):
        fullblk = wf_ref[pl.ds(c * _D, _D), :]
        for p in range(2):
            blk = fullblk[:, p * _H:(p + 1) * _H]
            if c == _CAM_COL:
                ms[p] = jnp.dot(wc8_ref[...], blk,
                                preferred_element_type=jnp.float32)
                accs[p] = accs[p] + jnp.dot(bc_ref[...], blk,
                                            preferred_element_type=jnp.float32)
            else:
                k = c if c < _CAM_COL else c - 1
                e0 = e0_ref[pl.ds(k, 1), :]
                de = e1_ref[pl.ds(k, 1), :] - e0
                accs[p] = accs[p] + jnp.dot(e0, blk,
                                            preferred_element_type=jnp.float32)
                row = jnp.dot(de, blk, preferred_element_type=jnp.float32)
                (rows0[p] if k < _NBITS else rows1[p]).append(row)
    pad = jnp.zeros((16 - _NBITS, _H), jnp.float32)
    m_i = lax.broadcasted_iota(jnp.int32, (_T, 16), 0)
    j_i = lax.broadcasted_iota(jnp.int32, (_T, 16), 1)
    bits = ((m_i >> j_i) & 1).astype(jnp.float32)
    t0s = [jnp.dot(bits, jnp.concatenate(rows0[p] + [pad], axis=0),
                   preferred_element_type=jnp.float32) + accs[p]
           for p in range(2)]
    t1s = [jnp.dot(bits, jnp.concatenate(rows1[p] + [pad], axis=0),
                   preferred_element_type=jnp.float32)
           for p in range(2)]
    t0_ref[...] = _pack_pair(t0s[0], t0s[1])
    t1_ref[...] = _pack_pair(t1s[0], t1s[1])
    m_ref[...] = _pack_pair(ms[0], ms[1])
    r_i = lax.broadcasted_iota(jnp.int32, (8, _NKEY), 0)
    k_i = lax.broadcasted_iota(jnp.int32, (8, _NKEY), 1)
    sel = ((r_i == 0) & (k_i < _NBITS)) | ((r_i == 1) & (k_i >= _NBITS))
    sh = jnp.where(sel, jnp.where(r_i == 0, k_i, k_i - _NBITS), 0)
    pw = jnp.where(sel, jnp.left_shift(jnp.int32(1), sh), 0).astype(jnp.float32)
    idxf = jnp.dot(pw, a_ref[...], preferred_element_type=jnp.float32)
    idx_ref[...] = idxf.astype(jnp.int32)


_fold = pl.pallas_call(
    _fold_body,
    out_shape=(
        jax.ShapeDtypeStruct((_T, _N // 2), jnp.int32),
        jax.ShapeDtypeStruct((_T, _N // 2), jnp.int32),
        jax.ShapeDtypeStruct((8, _N // 2), jnp.int32),
        jax.ShapeDtypeStruct((8, _B), jnp.int32),
    ),
)


def _sc_body(t0_hbm, t1_hbm, m_hbm, idx_hbm, cam_hbm, out_hbm,
             idx0_all, idx1_all, camx_all, camy_all, m_v,
             b0a, b1a, b0b, b1b, obufa, obufb,
             gsem_a, gsem_b, osem_a, osem_b):
    cid = lax.axis_index("c")
    sid = lax.axis_index("s")
    base = (sid * _NC + cid) * _LPW
    pltpu.sync_copy(m_hbm.at[pl.ds(0, 2)], m_v)
    pltpu.sync_copy(idx_hbm.at[0, pl.ds(base, _LPW)], idx0_all)
    pltpu.sync_copy(idx_hbm.at[1, pl.ds(base, _LPW)], idx1_all)
    pltpu.sync_copy(cam_hbm.at[0, pl.ds(base, _LPW)], camx_all)
    pltpu.sync_copy(cam_hbm.at[1, pl.ds(base, _LPW)], camy_all)

    def issue_gathers(g, b0, b1, gs):
        pltpu.async_copy(t0_hbm.at[idx0_all.at[pl.ds(g * _CH, _CH)]], b0, gs)
        pltpu.async_copy(t1_hbm.at[idx1_all.at[pl.ds(g * _CH, _CH)]], b1, gs)

    def wait_gathers(b0, b1, gs):
        pltpu.make_async_copy(
            t0_hbm.at[idx0_all.at[pl.ds(0, _CH)]], b0, gs).wait()
        pltpu.make_async_copy(
            t1_hbm.at[idx1_all.at[pl.ds(0, _CH)]], b1, gs).wait()

    def issue_out(g, obuf, osem):
        pltpu.async_copy(obuf, out_hbm.at[pl.ds(base + g * _CH, _CH)], osem)

    def wait_out(obuf, osem):
        pltpu.make_async_copy(obuf, out_hbm.at[pl.ds(base, _CH)], osem).wait()

    def compute(g, b0, b1, obuf):
        _HW = _N // 4
        for half in range(2):
            wbase = half * _HW
            mb = [(plsc.bitcast(m_v[0, pl.ds(wbase + cc * 16, 16)],
                                jnp.bfloat16),
                   plsc.bitcast(m_v[1, pl.ds(wbase + cc * 16, 16)],
                                jnp.bfloat16)) for cc in range(8)]

            def row(r, carry):
                gr16 = jnp.full((16,), g * _CH + r, jnp.int32)
                r16 = jnp.full((16,), r, jnp.int32)
                cx = plsc.load_gather(camx_all, [gr16])
                cy = plsc.load_gather(camy_all, [gr16])
                cxb = plsc.pack(cx, cx, format=plsc.PackFormat.INTERLEAVED)
                cyb = plsc.pack(cy, cy, format=plsc.PackFormat.INTERLEAVED)
                for grp in range(2):
                    ccs = [grp * 4 + j for j in range(4)]
                    woffs = [wbase + cc * 16 for cc in ccs]
                    v0s = [plsc.bitcast(b0[r, pl.ds(o, 16)], jnp.bfloat16)
                           for o in woffs]
                    v1s = [plsc.bitcast(b1[r, pl.ds(o, 16)], jnp.bfloat16)
                           for o in woffs]
                    for j, cc in enumerate(ccs):
                        m0b, m1b = mb[cc]
                        t = (v0s[j] + v1s[j]) + (cxb * m0b + cyb * m1b)
                        ev, od = plsc.unpack(
                            t, format=plsc.PackFormat.INTERLEAVED)
                        co = wbase + cc * 16
                        obuf[r, pl.ds(co, 16)] = ev
                        obuf[r, pl.ds(_N // 2 + co, 16)] = od
                return carry

            lax.fori_loop(0, _CH, row, 0)

    issue_gathers(0, b0a, b1a, gsem_a)
    issue_gathers(1, b0b, b1b, gsem_b)

    def pair(h, carry):
        e = 2 * h

        @pl.when(h > 0)
        def _():
            wait_out(obufa, osem_a)
        wait_gathers(b0a, b1a, gsem_a)
        compute(e, b0a, b1a, obufa)

        @pl.when(h < _NPAIR - 1)
        def _():
            issue_gathers(e + 2, b0a, b1a, gsem_a)
        issue_out(e, obufa, osem_a)

        @pl.when(h > 0)
        def _():
            wait_out(obufb, osem_b)
        wait_gathers(b0b, b1b, gsem_b)
        compute(e + 1, b0b, b1b, obufb)

        @pl.when(h < _NPAIR - 1)
        def _():
            issue_gathers(e + 3, b0b, b1b, gsem_b)
        issue_out(e + 1, obufb, osem_b)
        return carry

    lax.fori_loop(0, _NPAIR, pair, 0)
    wait_out(obufa, osem_a)
    wait_out(obufb, osem_b)


_lookup = pl.kernel(
    _sc_body,
    out_type=jax.ShapeDtypeStruct((_B, _N), jnp.float32),
    mesh=plsc.VectorSubcoreMesh(core_axis_name="c", subcore_axis_name="s"),
    compiler_params=pltpu.CompilerParams(needs_layout_passes=False),
    scratch_types=[
        pltpu.VMEM((_LPW,), jnp.int32),
        pltpu.VMEM((_LPW,), jnp.int32),
        pltpu.VMEM((_LPW,), jnp.float32),
        pltpu.VMEM((_LPW,), jnp.float32),
        pltpu.VMEM((2, _N // 2), jnp.int32),
        pltpu.VMEM((_CH, _N // 2), jnp.int32),
        pltpu.VMEM((_CH, _N // 2), jnp.int32),
        pltpu.VMEM((_CH, _N // 2), jnp.int32),
        pltpu.VMEM((_CH, _N // 2), jnp.int32),
        pltpu.VMEM((_CH, _N), jnp.float32),
        pltpu.VMEM((_CH, _N), jnp.float32),
        pltpu.SemaphoreType.DMA,
        pltpu.SemaphoreType.DMA,
        pltpu.SemaphoreType.DMA,
        pltpu.SemaphoreType.DMA,
    ],
)


def kernel(act_forward, emb_forward, act_back, emb_back, act_left, emb_left,
           act_right, emb_right, act_jump, emb_jump, act_sneak, emb_sneak,
           act_sprint, emb_sprint, act_attack, emb_attack, act_use, emb_use,
           act_drop, emb_drop, act_inventory, emb_inventory,
           act_hotbar_1, emb_hotbar_1, act_hotbar_2, emb_hotbar_2,
           act_hotbar_3, emb_hotbar_3, act_hotbar_4, emb_hotbar_4,
           act_hotbar_5, emb_hotbar_5, act_hotbar_6, emb_hotbar_6,
           act_hotbar_7, emb_hotbar_7, act_hotbar_8, emb_hotbar_8,
           act_hotbar_9, emb_hotbar_9, camera, W_cam, b_cam, W_final, b_final):
    acts = [act_forward, act_back, act_left, act_right, act_jump, act_sneak,
            act_sprint, act_attack, act_use, act_drop, act_inventory,
            act_hotbar_1, act_hotbar_2, act_hotbar_3, act_hotbar_4,
            act_hotbar_5, act_hotbar_6, act_hotbar_7, act_hotbar_8,
            act_hotbar_9]
    embs = [emb_forward, emb_back, emb_left, emb_right, emb_jump, emb_sneak,
            emb_sprint, emb_attack, emb_use, emb_drop, emb_inventory,
            emb_hotbar_1, emb_hotbar_2, emb_hotbar_3, emb_hotbar_4,
            emb_hotbar_5, emb_hotbar_6, emb_hotbar_7, emb_hotbar_8,
            emb_hotbar_9]
    a = jnp.stack(acts, axis=0).astype(jnp.float32)
    e = jnp.stack(embs, axis=0)
    e0 = e[:, 0, :]
    e1 = e[:, 1, :]
    wc8 = jnp.zeros((8, _D), jnp.float32).at[0:2, :].set(W_cam)
    bc = b_cam.reshape(1, _D)
    bf = b_final.reshape(1, _N)
    t0, t1, m8, idx = _fold(e0, e1, wc8, bc, a, W_final, bf)
    return _lookup(t0, t1, m8, idx, jnp.transpose(camera))

# --- scband reference (transcript-rebuilt; emitter-appended) ---
"""Pipeline reference for scband-action-embedding-6133213299272 (READ-ONLY COPY).

The authoritative reference and input builder live on the scoring server;
editing this copy changes nothing except your own understanding.
"""

import jax, jax.numpy as jnp
import numpy as np

B = 16384
IDIM = 64
NCH = 512
ONE_HOT_KEYS = ['forward','back','left','right','jump','sneak','sprint','attack','use','drop','inventory','hotbar_1','hotbar_2','hotbar_3','hotbar_4','hotbar_5','hotbar_6','hotbar_7','hotbar_8','hotbar_9']
ORDER = ['forward','back','left','right','jump','sneak','sprint','attack','use','drop','inventory','camera','hotbar_1','hotbar_2','hotbar_3','hotbar_4','hotbar_5','hotbar_6','hotbar_7','hotbar_8','hotbar_9']

def setup_inputs(seed: int = 0):
    key = jax.random.key(seed)
    inp = {}
    i = 0
    for k in ONE_HOT_KEYS:
        inp['act_' + k] = jax.random.randint(jax.random.fold_in(key, i), (B,), 0, 2, dtype=jnp.int32)
        i += 1
        inp['emb_' + k] = jax.random.normal(jax.random.fold_in(key, i), (2, IDIM), dtype=jnp.float32) * 0.02
        i += 1
    inp['camera'] = jax.random.normal(jax.random.fold_in(key, i), (B, 2), dtype=jnp.float32); i += 1
    inp['W_cam'] = jax.random.normal(jax.random.fold_in(key, i), (2, IDIM), dtype=jnp.float32) * 0.5; i += 1
    inp['b_cam'] = jnp.zeros((IDIM,), dtype=jnp.float32)
    inp['W_final'] = jax.random.normal(jax.random.fold_in(key, i), (len(ORDER) * IDIM, NCH), dtype=jnp.float32) * 0.02; i += 1
    inp['b_final'] = jnp.zeros((NCH,), dtype=jnp.float32)
    return inp

def reference(act_forward, emb_forward, act_back, emb_back, act_left, emb_left,
              act_right, emb_right, act_jump, emb_jump, act_sneak, emb_sneak,
              act_sprint, emb_sprint, act_attack, emb_attack, act_use, emb_use,
              act_drop, emb_drop, act_inventory, emb_inventory,
              act_hotbar_1, emb_hotbar_1, act_hotbar_2, emb_hotbar_2,
              act_hotbar_3, emb_hotbar_3, act_hotbar_4, emb_hotbar_4,
              act_hotbar_5, emb_hotbar_5, act_hotbar_6, emb_hotbar_6,
              act_hotbar_7, emb_hotbar_7, act_hotbar_8, emb_hotbar_8,
              act_hotbar_9, emb_hotbar_9, camera, W_cam, b_cam, W_final, b_final):
    inp = dict(locals())
    feats = []
    for k in ORDER:
        if k == 'camera':
            feats.append(inp['camera'] @ inp['W_cam'] + inp['b_cam'])
        else:
            feats.append(jnp.take(inp['emb_' + k], inp['act_' + k], axis=0))
    h = jnp.concatenate(feats, axis=-1)
    return h @ inp['W_final'] + inp['b_final']

if __name__ == "__main__":
    import jax
    _d = setup_inputs()
    print(jax.jit(kernel)(*tuple(_d.values())))

</pallas_src>

<mosaic_0001>
#map = affine_map<(d0, d1) -> (0, 0)>
module attributes {stable_mosaic.version = 14 : i64} {
  func.func @_sc_body(%arg0: i32, %arg1: i32, %arg2: memref<1024x256xi32, #tpu.memory_space<hbm>>, %arg3: memref<1024x256xi32, #tpu.memory_space<hbm>>, %arg4: memref<8x256xi32, #tpu.memory_space<hbm>>, %arg5: memref<8x16384xi32, #tpu.memory_space<hbm>>, %arg6: memref<2x16384xf32, #tpu.memory_space<hbm>>, %arg7: memref<16384x512xf32, #tpu.memory_space<hbm>>, %arg8: memref<512xi32, #tpu.memory_space<vmem>>, %arg9: memref<512xi32, #tpu.memory_space<vmem>>, %arg10: memref<512xf32, #tpu.memory_space<vmem>>, %arg11: memref<512xf32, #tpu.memory_space<vmem>>, %arg12: memref<2x256xi32, #tpu.memory_space<vmem>>, %arg13: memref<32x256xi32, #tpu.memory_space<vmem>>, %arg14: memref<32x256xi32, #tpu.memory_space<vmem>>, %arg15: memref<32x256xi32, #tpu.memory_space<vmem>>, %arg16: memref<32x256xi32, #tpu.memory_space<vmem>>, %arg17: memref<32x512xf32, #tpu.memory_space<vmem>>, %arg18: memref<32x512xf32, #tpu.memory_space<vmem>>, %arg19: memref<!tpu.dma_semaphore, #tpu.memory_space<semaphore_mem>>, %arg20: memref<!tpu.dma_semaphore, #tpu.memory_space<semaphore_mem>>, %arg21: memref<!tpu.dma_semaphore, #tpu.memory_space<semaphore_mem>>, %arg22: memref<!tpu.dma_semaphore, #tpu.memory_space<semaphore_mem>>) attributes {dimension_semantics = [#tpu.dimension_semantics<core_parallel>, #tpu.dimension_semantics<subcore_parallel>], iteration_bounds = array<i64: 2, 16>, scalar_prefetch = 0 : i64, scratch_operands = 15 : i64, tpu.core_type = #tpu.core_type<sc_vector_subcore>, window_params = [{transform_indices = #map}, {transform_indices = #map}, {transform_indices = #map}, {transform_indices = #map}, {transform_indices = #map}, {transform_indices = #map}]} {
    %mul3A = arith.constant 2 : i32
    %mul3A_0 = arith.muli %arg1, %mul3A : i32
    %add3A = arith.addi %mul3A_0, %arg0 : i32
    %mul3A_1 = arith.constant 512 : i32
    %mul3A_2 = arith.muli %add3A, %mul3A_1 : i32
    "tpu.region"() ({
      %run_scoped3A_37 = tpu.sem_alloc : memref<!tpu.dma_semaphore, #tpu.memory_space<semaphore_mem>>
      %dma_start3A_38 = arith.constant 0 : i32
      %dma_start3A_39 = arith.constant 0 : i32
      %dma_start3A_40 = tpu.memref_slice %arg4[%dma_start3A_38, %dma_start3A_39] : memref<8x256xi32, #tpu.memory_space<hbm>> -> memref<2x256xi32, #tpu.memory_space<hbm>>
      %dma_start3A_41 = arith.constant 0 : i32
      %dma_start3A_42 = arith.constant 0 : i32
      %dma_start3A_43 = tpu.memref_slice %arg4[%dma_start3A_41, %dma_start3A_42] : memref<8x256xi32, #tpu.memory_space<hbm>> -> memref<2x256xi32, #tpu.memory_space<hbm>>
      tpu.enqueue_dma source(%dma_start3A_43 : memref<2x256xi32, #tpu.memory_space<hbm>>) target(%arg12 : memref<2x256xi32, #tpu.memory_space<vmem>>) target_semaphore(%run_scoped3A_37 : memref<!tpu.dma_semaphore, #tpu.memory_space<semaphore_mem>>)
      %dma_wait3A_44 = arith.constant 0 : i32
      %dma_wait3A_45 = arith.constant 0 : i32
      %dma_wait3A_46 = tpu.memref_slice %arg4[%dma_wait3A_44, %dma_wait3A_45] : memref<8x256xi32, #tpu.memory_space<hbm>> -> memref<2x256xi32, #tpu.memory_space<hbm>>
      %dma_wait3A_47 = arith.constant 0 : i32
      %dma_wait3A_48 = arith.constant 0 : i32
      %dma_wait3A_49 = tpu.memref_slice %arg4[%dma_wait3A_47, %dma_wait3A_48] : memref<8x256xi32, #tpu.memory_space<hbm>> -> memref<2x256xi32, #tpu.memory_space<hbm>>
      tpu.wait_dma2 semaphore(%run_scoped3A_37 : memref<!tpu.dma_semaphore, #tpu.memory_space<semaphore_mem>>) src(%dma_wait3A_49 : memref<2x256xi32, #tpu.memory_space<hbm>>) dst(%arg12 : memref<2x256xi32, #tpu.memory_space<vmem>>)
      tpu.yield
    }) : () -> ()
    %run_scoped3A = arith.constant 0 : i32
    "tpu.region"() ({
      %run_scoped3A_37 = tpu.sem_alloc : memref<!tpu.dma_semaphore, #tpu.memory_space<semaphore_mem>>
      %dma_start3A_38 = tpu.memref_slice %arg5[%run_scoped3A, %mul3A_2] : memref<8x16384xi32, #tpu.memory_space<hbm>> -> memref<1x512xi32, #tpu.memory_space<hbm>>
      %dma_start3A_39 = tpu.memref_squeeze %dma_start3A_38 : memref<1x512xi32, #tpu.memory_space<hbm>> -> memref<512xi32, #tpu.memory_space<hbm>>
      %dma_start3A_40 = tpu.memref_slice %arg5[%run_scoped3A, %mul3A_2] : memref<8x16384xi32, #tpu.memory_space<hbm>> -> memref<1x512xi32, #tpu.memory_space<hbm>>
      %dma_start3A_41 = tpu.memref_squeeze %dma_start3A_40 : memref<1x512xi32, #tpu.memory_space<hbm>> -> memref<512xi32, #tpu.memory_space<hbm>>
      tpu.enqueue_dma source(%dma_start3A_41 : memref<512xi32, #tpu.memory_space<hbm>>) target(%arg8 : memref<512xi32, #tpu.memory_space<vmem>>) target_semaphore(%run_scoped3A_37 : memref<!tpu.dma_semaphore, #tpu.memory_space<semaphore_mem>>)
      %dma_wait3A_42 = tpu.memref_slice %arg5[%run_scoped3A, %mul3A_2] : memref<8x16384xi32, #tpu.memory_space<hbm>> -> memref<1x512xi32, #tpu.memory_space<hbm>>
      %dma_wait3A_43 = tpu.memref_squeeze %dma_wait3A_42 : memref<1x512xi32, #tpu.memory_space<hbm>> -> memref<512xi32, #tpu.memory_space<hbm>>
      %dma_wait3A_44 = tpu.memref_slice %arg5[%run_scoped3A, %mul3A_2] : memref<8x16384xi32, #tpu.memory_space<hbm>> -> memref<1x512xi32, #tpu.memory_space<hbm>>
      %dma_wait3A_45 = tpu.memref_squeeze %dma_wait3A_44 : memref<1x512xi32, #tpu.memory_space<hbm>> -> memref<512xi32, #tpu.memory_space<hbm>>
      tpu.wait_dma2 semaphore(%run_scoped3A_37 : memref<!tpu.dma_semaphore, #tpu.memory_space<semaphore_mem>>) src(%dma_wait3A_45 : memref<512xi32, #tpu.memory_space<hbm>>) dst(%arg8 : memref<512xi32, #tpu.memory_space<vmem>>)
      tpu.yield
    }) : () -> ()
    %run_scoped3A_3 = arith.constant 1 : i32
    "tpu.region"() ({
      %run_scoped3A_37 = tpu.sem_alloc : memref<!tpu.dma_semaphore, #tpu.memory_space<semaphore_mem>>
      %dma_start3A_38 = tpu.memref_slice %arg5[%run_scoped3A_3, %mul3A_2] : memref<8x16384xi32, #tpu.memory_space<hbm>> -> memref<1x512xi32, #tpu.memory_space<hbm>>
      %dma_start3A_39 = tpu.memref_squeeze %dma_start3A_38 : memref<1x512xi32, #tpu.memory_space<hbm>> -> memref<512xi32, #tpu.memory_space<hbm>>
      %dma_start3A_40 = tpu.memref_slice %arg5[%run_scoped3A_3, %mul3A_2] : memref<8x16384xi32, #tpu.memory_space<hbm>> -> memref<1x512xi32, #tpu.memory_space<hbm>>
      %dma_start3A_41 = tpu.memref_squeeze %dma_start3A_40 : memref<1x512xi32, #tpu.memory_space<hbm>> -> memref<512xi32, #tpu.memory_space<hbm>>
      tpu.enqueue_dma source(%dma_start3A_41 : memref<512xi32, #tpu.memory_space<hbm>>) target(%arg9 : memref<512xi32, #tpu.memory_space<vmem>>) target_semaphore(%run_scoped3A_37 : memref<!tpu.dma_semaphore, #tpu.memory_space<semaphore_mem>>)
      %dma_wait3A_42 = tpu.memref_slice %arg5[%run_scoped3A_3, %mul3A_2] : memref<8x16384xi32, #tpu.memory_space<hbm>> -> memref<1x512xi32, #tpu.memory_space<hbm>>
      %dma_wait3A_43 = tpu.memref_squeeze %dma_wait3A_42 : memref<1x512xi32, #tpu.memory_space<hbm>> -> memref<512xi32, #tpu.memory_space<hbm>>
      %dma_wait3A_44 = tpu.memref_slice %arg5[%run_scoped3A_3, %mul3A_2] : memref<8x16384xi32, #tpu.memory_space<hbm>> -> memref<1x512xi32, #tpu.memory_space<hbm>>
      %dma_wait3A_45 = tpu.memref_squeeze %dma_wait3A_44 : memref<1x512xi32, #tpu.memory_space<hbm>> -> memref<512xi32, #tpu.memory_space<hbm>>
      tpu.wait_dma2 semaphore(%run_scoped3A_37 : memref<!tpu.dma_semaphore, #tpu.memory_space<semaphore_mem>>) src(%dma_wait3A_45 : memref<512xi32, #tpu.memory_space<hbm>>) dst(%arg9 : memref<512xi32, #tpu.memory_space<vmem>>)
      tpu.yield
    }) : () -> ()
    %run_scoped3A_4 = arith.constant 0 : i32
    "tpu.region"() ({
      %run_scoped3A_37 = tpu.sem_alloc : memref<!tpu.dma_semaphore, #tpu.memory_space<semaphore_mem>>
      %dma_start3A_38 = tpu.memref_slice %arg6[%run_scoped3A_4, %mul3A_2] : memref<2x16384xf32, #tpu.memory_space<hbm>> -> memref<1x512xf32, #tpu.memory_space<hbm>>
      %dma_start3A_39 = tpu.memref_squeeze %dma_start3A_38 : memref<1x512xf32, #tpu.memory_space<hbm>> -> memref<512xf32, #tpu.memory_space<hbm>>
      %dma_start3A_40 = tpu.memref_slice %arg6[%run_scoped3A_4, %mul3A_2] : memref<2x16384xf32, #tpu.memory_space<hbm>> -> memref<1x512xf32, #tpu.memory_space<hbm>>
      %dma_start3A_41 = tpu.memref_squeeze %dma_start3A_40 : memref<1x512xf32, #tpu.memory_space<hbm>> -> memref<512xf32, #tpu.memory_space<hbm>>
      tpu.enqueue_dma source(%dma_start3A_41 : memref<512xf32, #tpu.memory_space<hbm>>) target(%arg10 : memref<512xf32, #tpu.memory_space<vmem>>) target_semaphore(%run_scoped3A_37 : memref<!tpu.dma_semaphore, #tpu.memory_space<semaphore_mem>>)
      %dma_wait3A_42 = tpu.memref_slice %arg6[%run_scoped3A_4, %mul3A_2] : memref<2x16384xf32, #tpu.memory_space<hbm>> -> memref<1x512xf32, #tpu.memory_space<hbm>>
      %dma_wait3A_43 = tpu.memref_squeeze %dma_wait3A_42 : memref<1x512xf32, #tpu.memory_space<hbm>> -> memref<512xf32, #tpu.memory_space<hbm>>
      %dma_wait3A_44 = tpu.memref_slice %arg6[%run_scoped3A_4, %mul3A_2] : memref<2x16384xf32, #tpu.memory_space<hbm>> -> memref<1x512xf32, #tpu.memory_space<hbm>>
      %dma_wait3A_45 = tpu.memref_squeeze %dma_wait3A_44 : memref<1x512xf32, #tpu.memory_space<hbm>> -> memref<512xf32, #tpu.memory_space<hbm>>
      tpu.wait_dma2 semaphore(%run_scoped3A_37 : memref<!tpu.dma_semaphore, #tpu.memory_space<semaphore_mem>>) src(%dma_wait3A_45 : memref<512xf32, #tpu.memory_space<hbm>>) dst(%arg10 : memref<512xf32, #tpu.memory_space<vmem>>)
      tpu.yield
    }) : () -> ()
    %run_scoped3A_5 = arith.constant 1 : i32
    "tpu.region"() ({
      %run_scoped3A_37 = tpu.sem_alloc : memref<!tpu.dma_semaphore, #tpu.memory_space<semaphore_mem>>
      %dma_start3A_38 = tpu.memref_slice %arg6[%run_scoped3A_5, %mul3A_2] : memref<2x16384xf32, #tpu.memory_space<hbm>> -> memref<1x512xf32, #tpu.memory_space<hbm>>
      %dma_start3A_39 = tpu.memref_squeeze %dma_start3A_38 : memref<1x512xf32, #tpu.memory_space<hbm>> -> memref<512xf32, #tpu.memory_space<hbm>>
      %dma_start3A_40 = tpu.memref_slice %arg6[%run_scoped3A_5, %mul3A_2] : memref<2x16384xf32, #tpu.memory_space<hbm>> -> memref<1x512xf32, #tpu.memory_space<hbm>>
      %dma_start3A_41 = tpu.memref_squeeze %dma_start3A_40 : memref<1x512xf32, #tpu.memory_space<hbm>> -> memref<512xf32, #tpu.memory_space<hbm>>
      tpu.enqueue_dma source(%dma_start3A_41 : memref<512xf32, #tpu.memory_space<hbm>>) target(%arg11 : memref<512xf32, #tpu.memory_space<vmem>>) target_semaphore(%run_scoped3A_37 : memref<!tpu.dma_semaphore, #tpu.memory_space<semaphore_mem>>)
      %dma_wait3A_42 = tpu.memref_slice %arg6[%run_scoped3A_5, %mul3A_2] : memref<2x16384xf32, #tpu.memory_space<hbm>> -> memref<1x512xf32, #tpu.memory_space<hbm>>
      %dma_wait3A_43 = tpu.memref_squeeze %dma_wait3A_42 : memref<1x512xf32, #tpu.memory_space<hbm>> -> memref<512xf32, #tpu.memory_space<hbm>>
      %dma_wait3A_44 = tpu.memref_slice %arg6[%run_scoped3A_5, %mul3A_2] : memref<2x16384xf32, #tpu.memory_space<hbm>> -> memref<1x512xf32, #tpu.memory_space<hbm>>
      %dma_wait3A_45 = tpu.memref_squeeze %dma_wait3A_44 : memref<1x512xf32, #tpu.memory_space<hbm>> -> memref<512xf32, #tpu.memory_space<hbm>>
      tpu.wait_dma2 semaphore(%run_scoped3A_37 : memref<!tpu.dma_semaphore, #tpu.memory_space<semaphore_mem>>) src(%dma_wait3A_45 : memref<512xf32, #tpu.memory_space<hbm>>) dst(%arg11 : memref<512xf32, #tpu.memory_space<vmem>>)
      tpu.yield
    }) : () -> ()
    %dma_start3A = arith.constant 0 : i32
    %dma_start3A_6 = tpu.memref_slice %arg8[%dma_start3A] : memref<512xi32, #tpu.memory_space<vmem>> -> memref<32xi32, #tpu.memory_space<vmem>>
    %dma_start3A_7 = arith.constant 0 : i32
    %dma_start3A_8 = arith.constant 0 : i32
    %dma_start3A_9 = tpu.memref_slice %arg2[%dma_start3A_7, %dma_start3A_8] : memref<1024x256xi32, #tpu.memory_space<hbm>> -> memref<1024x256xi32, #tpu.memory_space<hbm>>
    tpu.enqueue_indirect_dma source(%dma_start3A_9 : memref<1024x256xi32, #tpu.memory_space<hbm>>) target(%arg13 : memref<32x256xi32, #tpu.memory_space<vmem>>) offsets(%dma_start3A_6 : memref<32xi32, #tpu.memory_space<vmem>>) semaphore(%arg19 : memref<!tpu.dma_semaphore, #tpu.memory_space<semaphore_mem>>)
    %dma_start3A_10 = arith.constant 0 : i32
    %dma_start3A_11 = tpu.memref_slice %arg9[%dma_start3A_10] : memref<512xi32, #tpu.memory_space<vmem>> -> memref<32xi32, #tpu.memory_space<vmem>>
    %dma_start3A_12 = arith.constant 0 : i32
    %dma_start3A_13 = arith.constant 0 : i32
    %dma_start3A_14 = tpu.memref_slice %arg3[%dma_start3A_12, %dma_start3A_13] : memref<1024x256xi32, #tpu.memory_space<hbm>> -> memref<1024x256xi32, #tpu.memory_space<hbm>>
    tpu.enqueue_indirect_dma source(%dma_start3A_14 : memref<1024x256xi32, #tpu.memory_space<hbm>>) target(%arg14 : memref<32x256xi32, #tpu.memory_space<vmem>>) offsets(%dma_start3A_11 : memref<32xi32, #tpu.memory_space<vmem>>) semaphore(%arg19 : memref<!tpu.dma_semaphore, #tpu.memory_space<semaphore_mem>>)
    %dma_start3A_15 = arith.constant 32 : i32
    %dma_start3A_16 = tpu.memref_slice %arg8[%dma_start3A_15] : memref<512xi32, #tpu.memory_space<vmem>> -> memref<32xi32, #tpu.memory_space<vmem>>
    %dma_start3A_17 = arith.constant 0 : i32
    %dma_start3A_18 = arith.constant 0 : i32
    %dma_start3A_19 = tpu.memref_slice %arg2[%dma_start3A_17, %dma_start3A_18] : memref<1024x256xi32, #tpu.memory_space<hbm>> -> memref<1024x256xi32, #tpu.memory_space<hbm>>
    tpu.enqueue_indirect_dma source(%dma_start3A_19 : memref<1024x256xi32, #tpu.memory_space<hbm>>) target(%arg15 : memref<32x256xi32, #tpu.memory_space<vmem>>) offsets(%dma_start3A_16 : memref<32xi32, #tpu.memory_space<vmem>>) semaphore(%arg20 : memref<!tpu.dma_semaphore, #tpu.memory_space<semaphore_mem>>)
    %dma_start3A_20 = arith.constant 32 : i32
    %dma_start3A_21 = tpu.memref_slice %arg9[%dma_start3A_20] : memref<512xi32, #tpu.memory_space<vmem>> -> memref<32xi32, #tpu.memory_space<vmem>>
    %dma_start3A_22 = arith.constant 0 : i32
    %dma_start3A_23 = arith.constant 0 : i32
    %dma_start3A_24 = tpu.memref_slice %arg3[%dma_start3A_22, %dma_start3A_23] : memref<1024x256xi32, #tpu.memory_space<hbm>> -> memref<1024x256xi32, #tpu.memory_space<hbm>>
    tpu.enqueue_indirect_dma source(%dma_start3A_24 : memref<1024x256xi32, #tpu.memory_space<hbm>>) target(%arg16 : memref<32x256xi32, #tpu.memory_space<vmem>>) offsets(%dma_start3A_21 : memref<32xi32, #tpu.memory_space<vmem>>) semaphore(%arg20 : memref<!tpu.dma_semaphore, #tpu.memory_space<semaphore_mem>>)
    %scan3A = arith.constant 0 : i32
    %scan3A_25 = arith.constant 0 : i32
    %scan3A_26 = arith.constant 8 : i32
    %scan3A_27 = arith.addi %scan3A_25, %scan3A_26 : i32
    %scan3A_28 = arith.constant 1 : i32
    scf.for %scan3A_37 = %scan3A_25 to %scan3A_27 step %scan3A_28  : i32 {
      %mul3A_38 = arith.constant 2 : i32
      %mul3A_39 = arith.muli %mul3A_38, %scan3A_37 : i32
      %gt3A = arith.constant 0 : i32
      %gt3A_40 = arith.cmpi sgt, %scan3A_37, %gt3A : i32
      %convert_element_type3A = arith.extui %gt3A_40 : i1 to i32
      %cond3A = arith.constant 0 : i32
      %cond3A_41 = arith.cmpi ne, %convert_element_type3A, %cond3A : i32
      scf.if %cond3A_41 {
        %dma_wait3A_436 = arith.constant 0 : i32
        %dma_wait3A_437 = tpu.memref_slice %arg7[%mul3A_2, %dma_wait3A_436] : memref<16384x512xf32, #tpu.memory_space<hbm>> -> memref<32x512xf32, #tpu.memory_space<hbm>>
        %dma_wait3A_438 = arith.constant 0 : i32
        %dma_wait3A_439 = tpu.memref_slice %arg7[%mul3A_2, %dma_wait3A_438] : memref<16384x512xf32, #tpu.memory_space<hbm>> -> memref<32x512xf32, #tpu.memory_space<hbm>>
        tpu.wait_dma2 semaphore(%arg21 : memref<!tpu.dma_semaphore, #tpu.memory_space<semaphore_mem>>) src(%arg17 : memref<32x512xf32, #tpu.memory_space<vmem>>) dst(%dma_wait3A_439 : memref<32x512xf32, #tpu.memory_space<hbm>>)
      } else {
      }
      %dma_wait3A_42 = arith.constant 0 : i32
      %dma_wait3A_43 = tpu.memref_slice %arg8[%dma_wait3A_42] : memref<512xi32, #tpu.memory_space<vmem>> -> memref<32xi32, #tpu.memory_space<vmem>>
      %dma_wait3A_44 = arith.constant 0 : i32
      %dma_wait3A_45 = arith.constant 0 : i32
      %dma_wait3A_46 = tpu.memref_slice %arg2[%dma_wait3A_44, %dma_wait3A_45] : memref<1024x256xi32, #tpu.memory_space<hbm>> -> memref<1024x256xi32, #tpu.memory_space<hbm>>
      tpu.wait_indirect_dma semaphore(%arg19 : memref<!tpu.dma_semaphore, #tpu.memory_space<semaphore_mem>>) src(%dma_wait3A_46 : memref<1024x256xi32, #tpu.memory_space<hbm>>) dst(%arg13 : memref<32x256xi32, #tpu.memory_space<vmem>>)
      %dma_wait3A_47 = arith.constant 0 : i32
      %dma_wait3A_48 = tpu.memref_slice %arg9[%dma_wait3A_47] : memref<512xi32, #tpu.memory_space<vmem>> -> memref<32xi32, #tpu.memory_space<vmem>>
      %dma_wait3A_49 = arith.constant 0 : i32
      %dma_wait3A_50 = arith.constant 0 : i32
      %dma_wait3A_51 = tpu.memref_slice %arg3[%dma_wait3A_49, %dma_wait3A_50] : memref<1024x256xi32, #tpu.memory_space<hbm>> -> memref<1024x256xi32, #tpu.memory_space<hbm>>
      tpu.wait_indirect_dma semaphore(%arg19 : memref<!tpu.dma_semaphore, #tpu.memory_space<semaphore_mem>>) src(%dma_wait3A_51 : memref<1024x256xi32, #tpu.memory_space<hbm>>) dst(%arg14 : memref<32x256xi32, #tpu.memory_space<vmem>>)
      %get3A = arith.constant 0 : i32
      %get3A_52 = arith.index_cast %get3A : i32 to index
      %get3A_53 = arith.constant 0 : index
      %get3A_54 = tpu.vector_load %arg12[%get3A_52, %get3A_53] {strides = array<i32>} : memref<2x256xi32, #tpu.memory_space<vmem>>, vector<16xi32>,
      %bitcast3A = vector.bitcast %get3A_54 : vector<16xi32> to vector<32xbf16>
      %get3A_55 = arith.constant 1 : i32
      %get3A_56 = arith.index_cast %get3A_55 : i32 to index
      %get3A_57 = arith.constant 0 : index
      %get3A_58 = tpu.vector_load %arg12[%get3A_56, %get3A_57] {strides = array<i32>} : memref<2x256xi32, #tpu.memory_space<vmem>>, vector<16xi32>,
      %bitcast3A_59 = vector.bitcast %get3A_58 : vector<16xi32> to vector<32xbf16>
      %get3A_60 = arith.constant 0 : i32
      %get3A_61 = arith.index_cast %get3A_60 : i32 to index
      %get3A_62 = arith.constant 16 : index
      %get3A_63 = tpu.vector_load %arg12[%get3A_61, %get3A_62] {strides = array<i32>} : memref<2x256xi32, #tpu.memory_space<vmem>>, vector<16xi32>,
      %bitcast3A_64 = vector.bitcast %get3A_63 : vector<16xi32> to vector<32xbf16>
      %get3A_65 = arith.constant 1 : i32
      %get3A_66 = arith.index_cast %get3A_65 : i32 to index
      %get3A_67 = arith.constant 16 : index
      %get3A_68 = tpu.vector_load %arg12[%get3A_66, %get3A_67] {strides = array<i32>} : memref<2x256xi32, #tpu.memory_space<vmem>>, vector<16xi32>,
      %bitcast3A_69 = vector.bitcast %get3A_68 : vector<16xi32> to vector<32xbf16>
      %get3A_70 = arith.constant 0 : i32
      %get3A_71 = arith.index_cast %get3A_70 : i32 to index
      %get3A_72 = arith.constant 32 : index
      %get3A_73 = tpu.vector_load %arg12[%get3A_71, %get3A_72] {strides = array<i32>} : memref<2x256xi32, #tpu.memory_space<vmem>>, vector<16xi32>,
      %bitcast3A_74 = vector.bitcast %get3A_73 : vector<16xi32> to vector<32xbf16>
      %get3A_75 = arith.constant 1 : i32
      %get3A_76 = arith.index_cast %get3A_75 : i32 to index
      %get3A_77 = arith.constant 32 : index
      %get3A_78 = tpu.vector_load %arg12[%get3A_76, %get3A_77] {strides = array<i32>} : memref<2x256xi32, #tpu.memory_space<vmem>>, vector<16xi32>,
      %bitcast3A_79 = vector.bitcast %get3A_78 : vector<16xi32> to vector<32xbf16>
      %get3A_80 = arith.constant 0 : i32
      %get3A_81 = arith.index_cast %get3A_80 : i32 to index
      %get3A_82 = arith.constant 48 : index
      %get3A_83 = tpu.vector_load %arg12[%get3A_81, %get3A_82] {strides = array<i32>} : memref<2x256xi32, #tpu.memory_space<vmem>>, vector<16xi32>,
      %bitcast3A_84 = vector.bitcast %get3A_83 : vector<16xi32> to vector<32xbf16>
      %get3A_85 = arith.constant 1 : i32
      %get3A_86 = arith.index_cast %get3A_85 : i32 to index
      %get3A_87 = arith.constant 48 : index
      %get3A_88 = tpu.vector_load %arg12[%get3A_86, %get3A_87] {strides = array<i32>} : memref<2x256xi32, #tpu.memory_space<vmem>>, vector<16xi32>,
      %bitcast3A_89 = vector.bitcast %get3A_88 : vector<16xi32> to vector<32xbf16>
      %get3A_90 = arith.constant 0 : i32
      %get3A_91 = arith.index_cast %get3A_90 : i32 to index
      %get3A_92 = arith.constant 64 : index
      %get3A_93 = tpu.vector_load %arg12[%get3A_91, %get3A_92] {strides = array<i32>} : memref<2x256xi32, #tpu.memory_space<vmem>>, vector<16xi32>,
      %bitcast3A_94 = vector.bitcast %get3A_93 : vector<16xi32> to vector<32xbf16>
      %get3A_95 = arith.constant 1 : i32
      %get3A_96 = arith.index_cast %get3A_95 : i32 to index
      %get3A_97 = arith.constant 64 : index
      %get3A_98 = tpu.vector_load %arg12[%get3A_96, %get3A_97] {strides = array<i32>} : memref<2x256xi32, #tpu.memory_space<vmem>>, vector<16xi32>,
      %bitcast3A_99 = vector.bitcast %get3A_98 : vector<16xi32> to vector<32xbf16>
      %get3A_100 = arith.constant 0 : i32
      %get3A_101 = arith.index_cast %get3A_100 : i32 to index
      %get3A_102 = arith.constant 80 : index
      %get3A_103 = tpu.vector_load %arg12[%get3A_101, %get3A_102] {strides = array<i32>} : memref<2x256xi32, #tpu.memory_space<vmem>>, vector<16xi32>,
      %bitcast3A_104 = vector.bitcast %get3A_103 : vector<16xi32> to vector<32xbf16>
      %get3A_105 = arith.constant 1 : i32
      %get3A_106 = arith.index_cast %get3A_105 : i32 to index
      %get3A_107 = arith.constant 80 : index
      %get3A_108 = tpu.vector_load %arg12[%get3A_106, %get3A_107] {strides = array<i32>} : memref<2x256xi32, #tpu.memory_space<vmem>>, vector<16xi32>,
      %bitcast3A_109 = vector.bitcast %get3A_108 : vector<16xi32> to vector<32xbf16>
      %get3A_110 = arith.constant 0 : i32
      %get3A_111 = arith.index_cast %get3A_110 : i32 to index
      %get3A_112 = arith.constant 96 : index
      %get3A_113 = tpu.vector_load %arg12[%get3A_111, %get3A_112] {strides = array<i32>} : memref<2x256xi32, #tpu.memory_space<vmem>>, vector<16xi32>,
      %bitcast3A_114 = vector.bitcast %get3A_113 : vector<16xi32> to vector<32xbf16>
      %get3A_115 = arith.constant 1 : i32
      %get3A_116 = arith.index_cast %get3A_115 : i32 to index
      %get3A_117 = arith.constant 96 : index
      %get3A_118 = tpu.vector_load %arg12[%get3A_116, %get3A_117] {strides = array<i32>} : memref<2x256xi32, #tpu.memory_space<vmem>>, vector<16xi32>,
      %bitcast3A_119 = vector.bitcast %get3A_118 : vector<16xi32> to vector<32xbf16>
      %get3A_120 = arith.constant 0 : i32
      %get3A_121 = arith.index_cast %get3A_120 : i32 to index
      %get3A_122 = arith.constant 112 : index
      %get3A_123 = tpu.vector_load %arg12[%get3A_121, %get3A_122] {strides = array<i32>} : memref<2x256xi32, #tpu.memory_space<vmem>>, vector<16xi32>,
      %bitcast3A_124 = vector.bitcast %get3A_123 : vector<16xi32> to vector<32xbf16>
      %get3A_125 = arith.constant 1 : i32
      %get3A_126 = arith.index_cast %get3A_125 : i32 to index
      %get3A_127 = arith.constant 112 : index
      %get3A_128 = tpu.vector_load %arg12[%get3A_126, %get3A_127] {strides = array<i32>} : memref<2x256xi32, #tpu.memory_space<vmem>>, vector<16xi32>,
      %bitcast3A_129 = vector.bitcast %get3A_128 : vector<16xi32> to vector<32xbf16>
      %scan3A_130 = arith.constant 0 : i32
      %scan3A_131 = arith.constant 0 : i32
      %scan3A_132 = arith.constant 32 : i32
      %scan3A_133 = arith.addi %scan3A_131, %scan3A_132 : i32
      %scan3A_134 = arith.constant 1 : i32
      scf.for %scan3A_436 = %scan3A_131 to %scan3A_133 step %scan3A_134  : i32 {
        %mul3A_437 = arith.constant 32 : i32
        %mul3A_438 = arith.muli %mul3A_39, %mul3A_437 : i32
        %add3A_439 = arith.addi %mul3A_438, %scan3A_436 : i32
        %broadcast_in_dim3A = vector.broadcast %add3A_439 : i32 to vector<16xi32>
        %broadcast_in_dim3A_440 = vector.broadcast %scan3A_436 : i32 to vector<16xi32>
        %gather3A = tpu.vector_load_idx %arg10[%broadcast_in_dim3A] : memref<512xf32, #tpu.memory_space<vmem>>[vector<16xi32>], vector<16xf32>,
        %gather3A_441 = tpu.vector_load_idx %arg11[%broadcast_in_dim3A] : memref<512xf32, #tpu.memory_space<vmem>>[vector<16xi32>], vector<16xf32>,
        %pack3A = tpu.pack_subelements %gather3A, %gather3A {pack_format = #tpu.pack_format<interleaved>, positions = array<i32: 0, 1>} : vector<16xf32>, vector<16xf32> -> vector<32xbf16>
        %pack3A_442 = tpu.pack_subelements %gather3A_441, %gather3A_441 {pack_format = #tpu.pack_format<interleaved>, positions = array<i32: 0, 1>} : vector<16xf32>, vector<16xf32> -> vector<32xbf16>
        %get3A_443 = arith.index_cast %scan3A_436 : i32 to index
        %get3A_444 = arith.constant 0 : index
        %get3A_445 = tpu.vector_load %arg13[%get3A_443, %get3A_444] {strides = array<i32>} : memref<32x256xi32, #tpu.memory_space<vmem>>, vector<16xi32>,
        %bitcast3A_446 = vector.bitcast %get3A_445 : vector<16xi32> to vector<32xbf16>
        %get3A_447 = arith.index_cast %scan3A_436 : i32 to index
        %get3A_448 = arith.constant 16 : index
        %get3A_449 = tpu.vector_load %arg13[%get3A_447, %get3A_448] {strides = array<i32>} : memref<32x256xi32, #tpu.memory_space<vmem>>, vector<16xi32>,
        %bitcast3A_450 = vector.bitcast %get3A_449 : vector<16xi32> to vector<32xbf16>
        %get3A_451 = arith.index_cast %scan3A_436 : i32 to index
        %get3A_452 = arith.constant 32 : index
        %get3A_453 = tpu.vector_load %arg13[%get3A_451, %get3A_452] {strides = array<i32>} : memref<32x256xi32, #tpu.memory_space<vmem>>, vector<16xi32>,
        %bitcast3A_454 = vector.bitcast %get3A_453 : vector<16xi32> to vector<32xbf16>
        %get3A_455 = arith.index_cast %scan3A_436 : i32 to index
        %get3A_456 = arith.constant 48 : index
        %get3A_457 = tpu.vector_load %arg13[%get3A_455, %get3A_456] {strides = array<i32>} : memref<32x256xi32, #tpu.memory_space<vmem>>, vector<16xi32>,
        %bitcast3A_458 = vector.bitcast %get3A_457 : vector<16xi32> to vector<32xbf16>
        %get3A_459 = arith.index_cast %scan3A_436 : i32 to index
        %get3A_460 = arith.constant 0 : index
        %get3A_461 = tpu.vector_load %arg14[%get3A_459, %get3A_460] {strides = array<i32>} : memref<32x256xi32, #tpu.memory_space<vmem>>, vector<16xi32>,
        %bitcast3A_462 = vector.bitcast %get3A_461 : vector<16xi32> to vector<32xbf16>
        %get3A_463 = arith.index_cast %scan3A_436 : i32 to index
        %get3A_464 = arith.constant 16 : index
        %get3A_465 = tpu.vector_load %arg14[%get3A_463, %get3A_464] {strides = array<i32>} : memref<32x256xi32, #tpu.memory_space<vmem>>, vector<16xi32>,
        %bitcast3A_466 = vector.bitcast %get3A_465 : vector<16xi32> to vector<32xbf16>
        %get3A_467 = arith.index_cast %scan3A_436 : i32 to index
        %get3A_468 = arith.constant 32 : index
        %get3A_469 = tpu.vector_load %arg14[%get3A_467, %get3A_468] {strides = array<i32>} : memref<32x256xi32, #tpu.memory_space<vmem>>, vector<16xi32>,
        %bitcast3A_470 = vector.bitcast %get3A_469 : vector<16xi32> to vector<32xbf16>
        %get3A_471 = arith.index_cast %scan3A_436 : i32 to index
        %get3A_472 = arith.constant 48 : index
        %get3A_473 = tpu.vector_load %arg14[%get3A_471, %get3A_472] {strides = array<i32>} : memref<32x256xi32, #tpu.memory_space<vmem>>, vector<16xi32>,
        %bitcast3A_474 = vector.bitcast %get3A_473 : vector<16xi32> to vector<32xbf16>
        %add3A_475 = arith.addf %bitcast3A_446, %bitcast3A_462 : vector<32xbf16>
        %mul3A_476 = arith.mulf %pack3A, %bitcast3A : vector<32xbf16>
        %mul3A_477 = arith.mulf %pack3A_442, %bitcast3A_59 : vector<32xbf16>
        %add3A_478 = arith.addf %mul3A_476, %mul3A_477 : vector<32xbf16>
        %add3A_479 = arith.addf %add3A_475, %add3A_478 : vector<32xbf16>
        %unpack3A = tpu.unpack_subelements %add3A_479, 0 {pack_format = #tpu.pack_format<interleaved>} : vector<32xbf16> -> vector<16xf32>
        %unpack3A_480 = tpu.unpack_subelements %add3A_479, 1 {pack_format = #tpu.pack_format<interleaved>} : vector<32xbf16> -> vector<16xf32>
        %swap3A = arith.index_cast %scan3A_436 : i32 to index
        %swap3A_481 = arith.constant 0 : index
        %swap3A_482 = tpu.vector_load %arg17[%swap3A, %swap3A_481] {strides = array<i32>} : memref<32x512xf32, #tpu.memory_space<vmem>>, vector<16xf32>,
        tpu.vector_store %arg17[%swap3A, %swap3A_481], %unpack3A {strides = array<i32>} : memref<32x512xf32, #tpu.memory_space<vmem>>, vector<16xf32>,
        %swap3A_483 = arith.index_cast %scan3A_436 : i32 to index
        %swap3A_484 = arith.constant 256 : index
        %swap3A_485 = tpu.vector_load %arg17[%swap3A_483, %swap3A_484] {strides = array<i32>} : memref<32x512xf32, #tpu.memory_space<vmem>>, vector<16xf32>,
        tpu.vector_store %arg17[%swap3A_483, %swap3A_484], %unpack3A_480 {strides = array<i32>} : memref<32x512xf32, #tpu.memory_space<vmem>>, vector<16xf32>,
        %add3A_486 = arith.addf %bitcast3A_450, %bitcast3A_466 : vector<32xbf16>
        %mul3A_487 = arith.mulf %pack3A, %bitcast3A_64 : vector<32xbf16>
        %mul3A_488 = arith.mulf %pack3A_442, %bitcast3A_69 : vector<32xbf16>
        %add3A_489 = arith.addf %mul3A_487, %mul3A_488 : vector<32xbf16>
        %add3A_490 = arith.addf %add3A_486, %add3A_489 : vector<32xbf16>
        %unpack3A_491 = tpu.unpack_subelements %add3A_490, 0 {pack_format = #tpu.pack_format<interleaved>} : vector<32xbf16> -> vector<16xf32>
        %unpack3A_492 = tpu.unpack_subelements %add3A_490, 1 {pack_format = #tpu.pack_format<interleaved>} : vector<32xbf16> -> vector<16xf32>
        %swap3A_493 = arith.index_cast %scan3A_436 : i32 to index
        %swap3A_494 = arith.constant 16 : index
        %swap3A_495 = tpu.vector_load %arg17[%swap3A_493, %swap3A_494] {strides = array<i32>} : memref<32x512xf32, #tpu.memory_space<vmem>>, vector<16xf32>,
        tpu.vector_store %arg17[%swap3A_493, %swap3A_494], %unpack3A_491 {strides = array<i32>} : memref<32x512xf32, #tpu.memory_space<vmem>>, vector<16xf32>,
        %swap3A_496 = arith.index_cast %scan3A_436 : i32 to index
        %swap3A_497 = arith.constant 272 : index
        %swap3A_498 = tpu.vector_load %arg17[%swap3A_496, %swap3A_497] {strides = array<i32>} : memref<32x512xf32, #tpu.memory_space<vmem>>, vector<16xf32>,
        tpu.vector_store %arg17[%swap3A_496, %swap3A_497], %unpack3A_492 {strides = array<i32>} : memref<32x512xf32, #tpu.memory_space<vmem>>, vector<16xf32>,
        %add3A_499 = arith.addf %bitcast3A_454, %bitcast3A_470 : vector<32xbf16>
        %mul3A_500 = arith.mulf %pack3A, %bitcast3A_74 : vector<32xbf16>
        %mul3A_501 = arith.mulf %pack3A_442, %bitcast3A_79 : vector<32xbf16>
        %add3A_502 = arith.addf %mul3A_500, %mul3A_501 : vector<32xbf16>
        %add3A_503 = arith.addf %add3A_499, %add3A_502 : vector<32xbf16>
        %unpack3A_504 = tpu.unpack_subelements %add3A_503, 0 {pack_format = #tpu.pack_format<interleaved>} : vector<32xbf16> -> vector<16xf32>
        %unpack3A_505 = tpu.unpack_subelements %add3A_503, 1 {pack_format = #tpu.pack_format<interleaved>} : vector<32xbf16> -> vector<16xf32>
        %swap3A_506 = arith.index_cast %scan3A_436 : i32 to index
        %swap3A_507 = arith.constant 32 : index
        %swap3A_508 = tpu.vector_load %arg17[%swap3A_506, %swap3A_507] {strides = array<i32>} : memref<32x512xf32, #tpu.memory_space<vmem>>, vector<16xf32>,
        tpu.vector_store %arg17[%swap3A_506, %swap3A_507], %unpack3A_504 {strides = array<i32>} : memref<32x512xf32, #tpu.memory_space<vmem>>, vector<16xf32>,
        %swap3A_509 = arith.index_cast %scan3A_436 : i32 to index
        %swap3A_510 = arith.constant 288 : index
        %swap3A_511 = tpu.vector_load %arg17[%swap3A_509, %swap3A_510] {strides = array<i32>} : memref<32x512xf32, #tpu.memory_space<vmem>>, vector<16xf32>,
        tpu.vector_store %arg17[%swap3A_509, %swap3A_510], %unpack3A_505 {strides = array<i32>} : memref<32x512xf32, #tpu.memory_space<vmem>>, vector<16xf32>,
        %add3A_512 = arith.addf %bitcast3A_458, %bitcast3A_474 : vector<32xbf16>
        %mul3A_513 = arith.mulf %pack3A, %bitcast3A_84 : vector<32xbf16>
        %mul3A_514 = arith.mulf %pack3A_442, %bitcast3A_89 : vector<32xbf16>
        %add3A_515 = arith.addf %mul3A_513, %mul3A_514 : vector<32xbf16>
        %add3A_516 = arith.addf %add3A_512, %add3A_515 : vector<32xbf16>
        %unpack3A_517 = tpu.unpack_subelements %add3A_516, 0 {pack_format = #tpu.pack_format<interleaved>} : vector<32xbf16> -> vector<16xf32>
        %unpack3A_518 = tpu.unpack_subelements %add3A_516, 1 {pack_format = #tpu.pack_format<interleaved>} : vector<32xbf16> -> vector<16xf32>
        %swap3A_519 = arith.index_cast %scan3A_436 : i32 to index
        %swap3A_520 = arith.constant 48 : index
        %swap3A_521 = tpu.vector_load %arg17[%swap3A_519, %swap3A_520] {strides = array<i32>} : memref<32x512xf32, #tpu.memory_space<vmem>>, vector<16xf32>,
        tpu.vector_store %arg17[%swap3A_519, %swap3A_520], %unpack3A_517 {strides = array<i32>} : memref<32x512xf32, #tpu.memory_space<vmem>>, vector<16xf32>,
        %swap3A_522 = arith.index_cast %scan3A_436 : i32 to index
        %swap3A_523 = arith.constant 304 : index
        %swap3A_524 = tpu.vector_load %arg17[%swap3A_522, %swap3A_523] {strides = array<i32>} : memref<32x512xf32, #tpu.memory_space<vmem>>, vector<16xf32>,
        tpu.vector_store %arg17[%swap3A_522, %swap3A_523], %unpack3A_518 {strides = array<i32>} : memref<32x512xf32, #tpu.memory_space<vmem>>, vector<16xf32>,
        %get3A_525 = arith.index_cast %scan3A_436 : i32 to index
        %get3A_526 = arith.constant 64 : index
        %get3A_527 = tpu.vector_load %arg13[%get3A_525, %get3A_526] {strides = array<i32>} : memref<32x256xi32, #tpu.memory_space<vmem>>, vector<16xi32>,
        %bitcast3A_528 = vector.bitcast %get3A_527 : vector<16xi32> to vector<32xbf16>
        %get3A_529 = arith.index_cast %scan3A_436 : i32 to index
        %get3A_530 = arith.constant 80 : index
        %get3A_531 = tpu.vector_load %arg13[%get3A_529, %get3A_530] {strides = array<i32>} : memref<32x256xi32, #tpu.memory_space<vmem>>, vector<16xi32>,
        %bitcast3A_532 = vector.bitcast %get3A_531 : vector<16xi32> to vector<32xbf16>
        %get3A_533 = arith.index_cast %scan3A_436 : i32 to index
        %get3A_534 = arith.constant 96 : index
        %get3A_535 = tpu.vector_load %arg13[%get3A_533, %get3A_534] {strides = array<i32>} : memref<32x256xi32, #tpu.memory_space<vmem>>, vector<16xi32>,
        %bitcast3A_536 = vector.bitcast %get3A_535 : vector<16xi32> to vector<32xbf16>
        %get3A_537 = arith.index_cast %scan3A_436 : i32 to index
        %get3A_538 = arith.constant 112 : index
        %get3A_539 = tpu.vector_load %arg13[%get3A_537, %get3A_538] {strides = array<i32>} : memref<32x256xi32, #tpu.memory_space<vmem>>, vector<16xi32>,
        %bitcast3A_540 = vector.bitcast %get3A_539 : vector<16xi32> to vector<32xbf16>
        %get3A_541 = arith.index_cast %scan3A_436 : i32 to index
        %get3A_542 = arith.constant 64 : index
        %get3A_543 = tpu.vector_load %arg14[%get3A_541, %get3A_542] {strides = array<i32>} : memref<32x256xi32, #tpu.memory_space<vmem>>, vector<16xi32>,
        %bitcast3A_544 = vector.bitcast %get3A_543 : vector<16xi32> to vector<32xbf16>
        %get3A_545 = arith.index_cast %scan3A_436 : i32 to index
        %get3A_546 = arith.constant 80 : index
        %get3A_547 = tpu.vector_load %arg14[%get3A_545, %get3A_546] {strides = array<i32>} : memref<32x256xi32, #tpu.memory_space<vmem>>, vector<16xi32>,
        %bitcast3A_548 = vector.bitcast %get3A_547 : vector<16xi32> to vector<32xbf16>
        %get3A_549 = arith.index_cast %scan3A_436 : i32 to index
        %get3A_550 = arith.constant 96 : index
        %get3A_551 = tpu.vector_load %arg14[%get3A_549, %get3A_550] {strides = array<i32>} : memref<32x256xi32, #tpu.memory_space<vmem>>, vector<16xi32>,
        %bitcast3A_552 = vector.bitcast %get3A_551 : vector<16xi32> to vector<32xbf16>
        %get3A_553 = arith.index_cast %scan3A_436 : i32 to index
        %get3A_554 = arith.constant 112 : index
        %get3A_555 = tpu.vector_load %arg14[%get3A_553, %get3A_554] {strides = array<i32>} : memref<32x256xi32, #tpu.memory_space<vmem>>, vector<16xi32>,
        %bitcast3A_556 = vector.bitcast %get3A_555 : vector<16xi32> to vector<32xbf16>
        %add3A_557 = arith.addf %bitcast3A_528, %bitcast3A_544 : vector<32xbf16>
        %mul3A_558 = arith.mulf %pack3A, %bitcast3A_94 : vector<32xbf16>
        %mul3A_559 = arith.mulf %pack3A_442, %bitcast3A_99 : vector<32xbf16>
        %add3A_560 = arith.addf %mul3A_558, %mul3A_559 : vector<32xbf16>
        %add3A_561 = arith.addf %add3A_557, %add3A_560 : vector<32xbf16>
        %unpack3A_562 = tpu.unpack_subelements %add3A_561, 0 {pack_format = #tpu.pack_format<interleaved>} : vector<32xbf16> -> vector<16xf32>
        %unpack3A_563 = tpu.unpack_subelements %add3A_561, 1 {pack_format = #tpu.pack_format<interleaved>} : vector<32xbf16> -> vector<16xf32>
        %swap3A_564 = arith.index_cast %scan3A_436 : i32 to index
        %swap3A_565 = arith.constant 64 : index
        %swap3A_566 = tpu.vector_load %arg17[%swap3A_564, %swap3A_565] {strides = array<i32>} : memref<32x512xf32, #tpu.memory_space<vmem>>, vector<16xf32>,
        tpu.vector_store %arg17[%swap3A_564, %swap3A_565], %unpack3A_562 {strides = array<i32>} : memref<32x512xf32, #tpu.memory_space<vmem>>, vector<16xf32>,
        %swap3A_567 = arith.index_cast %scan3A_436 : i32 to index
        %swap3A_568 = arith.constant 320 : index
        %swap3A_569 = tpu.vector_load %arg17[%swap3A_567, %swap3A_568] {strides = array<i32>} : memref<32x512xf32, #tpu.memory_space<vmem>>, vector<16xf32>,
        tpu.vector_store %arg17[%swap3A_567, %swap3A_568], %unpack3A_563 {strides = array<i32>} : memref<32x512xf32, #tpu.memory_space<vmem>>, vector<16xf32>,
        %add3A_570 = arith.addf %bitcast3A_532, %bitcast3A_548 : vector<32xbf16>
        %mul3A_571 = arith.mulf %pack3A, %bitcast3A_104 : vector<32xbf16>
        %mul3A_572 = arith.mulf %pack3A_442, %bitcast3A_109 : vector<32xbf16>
        %add3A_573 = arith.addf %mul3A_571, %mul3A_572 : vector<32xbf16>
        %add3A_574 = arith.addf %add3A_570, %add3A_573 : vector<32xbf16>
        %unpack3A_575 = tpu.unpack_subelements %add3A_574, 0 {pack_format = #tpu.pack_format<interleaved>} : vector<32xbf16> -> vector<16xf32>
        %unpack3A_576 = tpu.unpack_subelements %add3A_574, 1 {pack_format = #tpu.pack_format<interleaved>} : vector<32xbf16> -> vector<16xf32>
        %swap3A_577 = arith.index_cast %scan3A_436 : i32 to index
        %swap3A_578 = arith.constant 80 : index
        %swap3A_579 = tpu.vector_load %arg17[%swap3A_577, %swap3A_578] {strides = array<i32>} : memref<32x512xf32, #tpu.memory_space<vmem>>, vector<16xf32>,
        tpu.vector_store %arg17[%swap3A_577, %swap3A_578], %unpack3A_575 {strides = array<i32>} : memref<32x512xf32, #tpu.memory_space<vmem>>, vector<16xf32>,
        %swap3A_580 = arith.index_cast %scan3A_436 : i32 to index
        %swap3A_581 = arith.constant 336 : index
        %swap3A_582 = tpu.vector_load %arg17[%swap3A_580, %swap3A_581] {strides = array<i32>} : memref<32x512xf32, #tpu.memory_space<vmem>>, vector<16xf32>,
        tpu.vector_store %arg17[%swap3A_580, %swap3A_581], %unpack3A_576 {strides = array<i32>} : memref<32x512xf32, #tpu.memory_space<vmem>>, vector<16xf32>,
        %add3A_583 = arith.addf %bitcast3A_536, %bitcast3A_552 : vector<32xbf16>
        %mul3A_584 = arith.mulf %pack3A, %bitcast3A_114 : vector<32xbf16>
        %mul3A_585 = arith.mulf %pack3A_442, %bitcast3A_119 : vector<32xbf16>
        %add3A_586 = arith.addf %mul3A_584, %mul3A_585 : vector<32xbf16>
        %add3A_587 = arith.addf %add3A_583, %add3A_586 : vector<32xbf16>
        %unpack3A_588 = tpu.unpack_subelements %add3A_587, 0 {pack_format = #tpu.pack_format<interleaved>} : vector<32xbf16> -> vector<16xf32>
        %unpack3A_589 = tpu.unpack_subelements %add3A_587, 1 {pack_format = #tpu.pack_format<interleaved>} : vector<32xbf16> -> vector<16xf32>
        %swap3A_590 = arith.index_cast %scan3A_436 : i32 to index
        %swap3A_591 = arith.constant 96 : index
        %swap3A_592 = tpu.vector_load %arg17[%swap3A_590, %swap3A_591] {strides = array<i32>} : memref<32x512xf32, #tpu.memory_space<vmem>>, vector<16xf32>,
        tpu.vector_store %arg17[%swap3A_590, %swap3A_591], %unpack3A_588 {strides = array<i32>} : memref<32x512xf32, #tpu.memory_space<vmem>>, vector<16xf32>,
        %swap3A_593 = arith.index_cast %scan3A_436 : i32 to index
        %swap3A_594 = arith.constant 352 : index
        %swap3A_595 = tpu.vector_load %arg17[%swap3A_593, %swap3A_594] {strides = array<i32>} : memref<32x512xf32, #tpu.memory_space<vmem>>, vector<16xf32>,
        tpu.vector_store %arg17[%swap3A_593, %swap3A_594], %unpack3A_589 {strides = array<i32>} : memref<32x512xf32, #tpu.memory_space<vmem>>, vector<16xf32>,
        %add3A_596 = arith.addf %bitcast3A_540, %bitcast3A_556 : vector<32xbf16>
        %mul3A_597 = arith.mulf %pack3A, %bitcast3A_124 : vector<32xbf16>
        %mul3A_598 = arith.mulf %pack3A_442, %bitcast3A_129 : vector<32xbf16>
        %add3A_599 = arith.addf %mul3A_597, %mul3A_598 : vector<32xbf16>
        %add3A_600 = arith.addf %add3A_596, %add3A_599 : vector<32xbf16>
        %unpack3A_601 = tpu.unpack_subelements %add3A_600, 0 {pack_format = #tpu.pack_format<interleaved>} : vector<32xbf16> -> vector<16xf32>
        %unpack3A_602 = tpu.unpack_subelements %add3A_600, 1 {pack_format = #tpu.pack_format<interleaved>} : vector<32xbf16> -> vector<16xf32>
        %swap3A_603 = arith.index_cast %scan3A_436 : i32 to index
        %swap3A_604 = arith.constant 112 : index
        %swap3A_605 = tpu.vector_load %arg17[%swap3A_603, %swap3A_604] {strides = array<i32>} : memref<32x512xf32, #tpu.memory_space<vmem>>, vector<16xf32>,
        tpu.vector_store %arg17[%swap3A_603, %swap3A_604], %unpack3A_601 {strides = array<i32>} : memref<32x512xf32, #tpu.memory_space<vmem>>, vector<16xf32>,
        %swap3A_606 = arith.index_cast %scan3A_436 : i32 to index
        %swap3A_607 = arith.constant 368 : index
        %swap3A_608 = tpu.vector_load %arg17[%swap3A_606, %swap3A_607] {strides = array<i32>} : memref<32x512xf32, #tpu.memory_space<vmem>>, vector<16xf32>,
        tpu.vector_store %arg17[%swap3A_606, %swap3A_607], %unpack3A_602 {strides = array<i32>} : memref<32x512xf32, #tpu.memory_space<vmem>>, vector<16xf32>,
      }
      %scan3A_135 = arith.constant 32 : i32
      %get3A_136 = arith.constant 0 : i32
      %get3A_137 = arith.index_cast %get3A_136 : i32 to index
      %get3A_138 = arith.constant 128 : index
      %get3A_139 = tpu.vector_load %arg12[%get3A_137, %get3A_138] {strides = array<i32>} : memref<2x256xi32, #tpu.memory_space<vmem>>, vector<16xi32>,
      %bitcast3A_140 = vector.bitcast %get3A_139 : vector<16xi32> to vector<32xbf16>
      %get3A_141 = arith.constant 1 : i32
      %get3A_142 = arith.index_cast %get3A_141 : i32 to index
      %get3A_143 = arith.constant 128 : index
      %get3A_144 = tpu.vector_load %arg12[%get3A_142, %get3A_143] {strides = array<i32>} : memref<2x256xi32, #tpu.memory_space<vmem>>, vector<16xi32>,
      %bitcast3A_145 = vector.bitcast %get3A_144 : vector<16xi32> to vector<32xbf16>
      %get3A_146 = arith.constant 0 : i32
      %get3A_147 = arith.index_cast %get3A_146 : i32 to index
      %get3A_148 = arith.constant 144 : index
      %get3A_149 = tpu.vector_load %arg12[%get3A_147, %get3A_148] {strides = array<i32>} : memref<2x256xi32, #tpu.memory_space<vmem>>, vector<16xi32>,
      %bitcast3A_150 = vector.bitcast %get3A_149 : vector<16xi32> to vector<32xbf16>
      %get3A_151 = arith.constant 1 : i32
      %get3A_152 = arith.index_cast %get3A_151 : i32 to index
      %get3A_153 = arith.constant 144 : index
      %get3A_154 = tpu.vector_load %arg12[%get3A_152, %get3A_153] {strides = array<i32>} : memref<2x256xi32, #tpu.memory_space<vmem>>, vector<16xi32>,
      %bitcast3A_155 = vector.bitcast %get3A_154 : vector<16xi32> to vector<32xbf16>
      %get3A_156 = arith.constant 0 : i32
      %get3A_157 = arith.index_cast %get3A_156 : i32 to index
      %get3A_158 = arith.constant 160 : index
      %get3A_159 = tpu.vector_load %arg12[%get3A_157, %get3A_158] {strides = array<i32>} : memref<2x256xi32, #tpu.memory_space<vmem>>, vector<16xi32>,
      %bitcast3A_160 = vector.bitcast %get3A_159 : vector<16xi32> to vector<32xbf16>
      %get3A_161 = arith.constant 1 : i32
      %get3A_162 = arith.index_cast %get3A_161 : i32 to index
      %get3A_163 = arith.constant 160 : index
      %get3A_164 = tpu.vector_load %arg12[%get3A_162, %get3A_163] {strides = array<i32>} : memref<2x256xi32, #tpu.memory_space<vmem>>, vector<16xi32>,
      %bitcast3A_165 = vector.bitcast %get3A_164 : vector<16xi32> to vector<32xbf16>
      %get3A_166 = arith.constant 0 : i32
      %get3A_167 = arith.index_cast %get3A_166 : i32 to index
      %get3A_168 = arith.constant 176 : index
      %get3A_169 = tpu.vector_load %arg12[%get3A_167, %get3A_168] {strides = array<i32>} : memref<2x256xi32, #tpu.memory_space<vmem>>, vector<16xi32>,
      %bitcast3A_170 = vector.bitcast %get3A_169 : vector<16xi32> to vector<32xbf16>
      %get3A_171 = arith.constant 1 : i32
      %get3A_172 = arith.index_cast %get3A_171 : i32 to index
      %get3A_173 = arith.constant 176 : index
      %get3A_174 = tpu.vector_load %arg12[%get3A_172, %get3A_173] {strides = array<i32>} : memref<2x256xi32, #tpu.memory_space<vmem>>, vector<16xi32>,
      %bitcast3A_175 = vector.bitcast %get3A_174 : vector<16xi32> to vector<32xbf16>
      %get3A_176 = arith.constant 0 : i32
      %get3A_177 = arith.index_cast %get3A_176 : i32 to index
      %get3A_178 = arith.constant 192 : index
      %get3A_179 = tpu.vector_load %arg12[%get3A_177, %get3A_178] {strides = array<i32>} : memref<2x256xi32, #tpu.memory_space<vmem>>, vector<16xi32>,
      %bitcast3A_180 = vector.bitcast %get3A_179 : vector<16xi32> to vector<32xbf16>
      %get3A_181 = arith.constant 1 : i32
      %get3A_182 = arith.index_cast %get3A_181 : i32 to index
      %get3A_183 = arith.constant 192 : index
      %get3A_184 = tpu.vector_load %arg12[%get3A_182, %get3A_183] {strides = array<i32>} : memref<2x256xi32, #tpu.memory_space<vmem>>, vector<16xi32>,
      %bitcast3A_185 = vector.bitcast %get3A_184 : vector<16xi32> to vector<32xbf16>
      %get3A_186 = arith.constant 0 : i32
      %get3A_187 = arith.index_cast %get3A_186 : i32 to index
      %get3A_188 = arith.constant 208 : index
      %get3A_189 = tpu.vector_load %arg12[%get3A_187, %get3A_188] {strides = array<i32>} : memref<2x256xi32, #tpu.memory_space<vmem>>, vector<16xi32>,
      %bitcast3A_190 = vector.bitcast %get3A_189 : vector<16xi32> to vector<32xbf16>
      %get3A_191 = arith.constant 1 : i32
      %get3A_192 = arith.index_cast %get3A_191 : i32 to index
      %get3A_193 = arith.constant 208 : index
      %get3A_194 = tpu.vector_load %arg12[%get3A_192, %get3A_193] {strides = array<i32>} : memref<2x256xi32, #tpu.memory_space<vmem>>, vector<16xi32>,
      %bitcast3A_195 = vector.bitcast %get3A_194 : vector<16xi32> to vector<32xbf16>
      %get3A_196 = arith.constant 0 : i32
      %get3A_197 = arith.index_cast %get3A_196 : i32 to index
      %get3A_198 = arith.constant 224 : index
      %get3A_199 = tpu.vector_load %arg12[%get3A_197, %get3A_198] {strides = array<i32>} : memref<2x256xi32, #tpu.memory_space<vmem>>, vector<16xi32>,
      %bitcast3A_200 = vector.bitcast %get3A_199 : vector<16xi32> to vector<32xbf16>
      %get3A_201 = arith.constant 1 : i32
      %get3A_202 = arith.index_cast %get3A_201 : i32 to index
      %get3A_203 = arith.constant 224 : index
      %get3A_204 = tpu.vector_load %arg12[%get3A_202, %get3A_203] {strides = array<i32>} : memref<2x256xi32, #tpu.memory_space<vmem>>, vector<16xi32>,
      %bitcast3A_205 = vector.bitcast %get3A_204 : vector<16xi32> to vector<32xbf16>
      %get3A_206 = arith.constant 0 : i32
      %get3A_207 = arith.index_cast %get3A_206 : i32 to index
      %get3A_208 = arith.constant 240 : index
      %get3A_209 = tpu.vector_load %arg12[%get3A_207, %get3A_208] {strides = array<i32>} : memref<2x256xi32, #tpu.memory_space<vmem>>, vector<16xi32>,
      %bitcast3A_210 = vector.bitcast %get3A_209 : vector<16xi32> to vector<32xbf16>
      %get3A_211 = arith.constant 1 : i32
      %get3A_212 = arith.index_cast %get3A_211 : i32 to index
      %get3A_213 = arith.constant 240 : index
      %get3A_214 = tpu.vector_load %arg12[%get3A_212, %get3A_213] {strides = array<i32>} : memref<2x256xi32, #tpu.memory_space<vmem>>, vector<16xi32>,
      %bitcast3A_215 = vector.bitcast %get3A_214 : vector<16xi32> to vector<32xbf16>
      %scan3A_216 = arith.constant 0 : i32
      %scan3A_217 = arith.constant 0 : i32
      %scan3A_218 = arith.constant 32 : i32
      %scan3A_219 = arith.addi %scan3A_217, %scan3A_218 : i32
      %scan3A_220 = arith.constant 1 : i32
      scf.for %scan3A_436 = %scan3A_217 to %scan3A_219 step %scan3A_220  : i32 {
        %mul3A_437 = arith.constant 32 : i32
        %mul3A_438 = arith.muli %mul3A_39, %mul3A_437 : i32
        %add3A_439 = arith.addi %mul3A_438, %scan3A_436 : i32
        %broadcast_in_dim3A = vector.broadcast %add3A_439 : i32 to vector<16xi32>
        %broadcast_in_dim3A_440 = vector.broadcast %scan3A_436 : i32 to vector<16xi32>
        %gather3A = tpu.vector_load_idx %arg10[%broadcast_in_dim3A] : memref<512xf32, #tpu.memory_space<vmem>>[vector<16xi32>], vector<16xf32>,
        %gather3A_441 = tpu.vector_load_idx %arg11[%broadcast_in_dim3A] : memref<512xf32, #tpu.memory_space<vmem>>[vector<16xi32>], vector<16xf32>,
        %pack3A = tpu.pack_subelements %gather3A, %gather3A {pack_format = #tpu.pack_format<interleaved>, positions = array<i32: 0, 1>} : vector<16xf32>, vector<16xf32> -> vector<32xbf16>
        %pack3A_442 = tpu.pack_subelements %gather3A_441, %gather3A_441 {pack_format = #tpu.pack_format<interleaved>, positions = array<i32: 0, 1>} : vector<16xf32>, vector<16xf32> -> vector<32xbf16>
        %get3A_443 = arith.index_cast %scan3A_436 : i32 to index
        %get3A_444 = arith.constant 128 : index
        %get3A_445 = tpu.vector_load %arg13[%get3A_443, %get3A_444] {strides = array<i32>} : memref<32x256xi32, #tpu.memory_space<vmem>>, vector<16xi32>,
        %bitcast3A_446 = vector.bitcast %get3A_445 : vector<16xi32> to vector<32xbf16>
        %get3A_447 = arith.index_cast %scan3A_436 : i32 to index
        %get3A_448 = arith.constant 144 : index
        %get3A_449 = tpu.vector_load %arg13[%get3A_447, %get3A_448] {strides = array<i32>} : memref<32x256xi32, #tpu.memory_space<vmem>>, vector<16xi32>,
        %bitcast3A_450 = vector.bitcast %get3A_449 : vector<16xi32> to vector<32xbf16>
        %get3A_451 = arith.index_cast %scan3A_436 : i32 to index
        %get3A_452 = arith.constant 160 : index
        %get3A_453 = tpu.vector_load %arg13[%get3A_451, %get3A_452] {strides = array<i32>} : memref<32x256xi32, #tpu.memory_space<vmem>>, vector<16xi32>,
        %bitcast3A_454 = vector.bitcast %get3A_453 : vector<16xi32> to vector<32xbf16>
        %get3A_455 = arith.index_cast %scan3A_436 : i32 to index
        %get3A_456 = arith.constant 176 : index
        %get3A_457 = tpu.vector_load %arg13[%get3A_455, %get3A_456] {strides = array<i32>} : memref<32x256xi32, #tpu.memory_space<vmem>>, vector<16xi32>,
        %bitcast3A_458 = vector.bitcast %get3A_457 : vector<16xi32> to vector<32xbf16>
        %get3A_459 = arith.index_cast %scan3A_436 : i32 to index
        %get3A_460 = arith.constant 128 : index
        %get3A_461 = tpu.vector_load %arg14[%get3A_459, %get3A_460] {strides = array<i32>} : memref<32x256xi32, #tpu.memory_space<vmem>>, vector<16xi32>,
        %bitcast3A_462 = vector.bitcast %get3A_461 : vector<16xi32> to vector<32xbf16>
        %get3A_463 = arith.index_cast %scan3A_436 : i32 to index
        %get3A_464 = arith.constant 144 : index
        %get3A_465 = tpu.vector_load %arg14[%get3A_463, %get3A_464] {strides = array<i32>} : memref<32x256xi32, #tpu.memory_space<vmem>>, vector<16xi32>,
        %bitcast3A_466 = vector.bitcast %get3A_465 : vector<16xi32> to vector<32xbf16>
        %get3A_467 = arith.index_cast %scan3A_436 : i32 to index
        %get3A_468 = arith.constant 160 : index
        %get3A_469 = tpu.vector_load %arg14[%get3A_467, %get3A_468] {strides = array<i32>} : memref<32x256xi32, #tpu.memory_space<vmem>>, vector<16xi32>,
        %bitcast3A_470 = vector.bitcast %get3A_469 : vector<16xi32> to vector<32xbf16>
        %get3A_471 = arith.index_cast %scan3A_436 : i32 to index
        %get3A_472 = arith.constant 176 : index
        %get3A_473 = tpu.vector_load %arg14[%get3A_471, %get3A_472] {strides = array<i32>} : memref<32x256xi32, #tpu.memory_space<vmem>>, vector<16xi32>,
        %bitcast3A_474 = vector.bitcast %get3A_473 : vector<16xi32> to vector<32xbf16>
        %add3A_475 = arith.addf %bitcast3A_446, %bitcast3A_462 : vector<32xbf16>
        %mul3A_476 = arith.mulf %pack3A, %bitcast3A_140 : vector<32xbf16>
        %mul3A_477 = arith.mulf %pack3A_442, %bitcast3A_145 : vector<32xbf16>
        %add3A_478 = arith.addf %mul3A_476, %mul3A_477 : vector<32xbf16>
        %add3A_479 = arith.addf %add3A_475, %add3A_478 : vector<32xbf16>
        %unpack3A = tpu.unpack_subelements %add3A_479, 0 {pack_format = #tpu.pack_format<interleaved>} : vector<32xbf16> -> vector<16xf32>
        %unpack3A_480 = tpu.unpack_subelements %add3A_479, 1 {pack_format = #tpu.pack_format<interleaved>} : vector<32xbf16> -> vector<16xf32>
        %swap3A = arith.index_cast %scan3A_436 : i32 to index
        %swap3A_481 = arith.constant 128 : index
        %swap3A_482 = tpu.vector_load %arg17[%swap3A, %swap3A_481] {strides = array<i32>} : memref<32x512xf32, #tpu.memory_space<vmem>>, vector<16xf32>,
        tpu.vector_store %arg17[%swap3A, %swap3A_481], %unpack3A {strides = array<i32>} : memref<32x512xf32, #tpu.memory_space<vmem>>, vector<16xf32>,
        %swap3A_483 = arith.index_cast %scan3A_436 : i32 to index
        %swap3A_484 = arith.constant 384 : index
        %swap3A_485 = tpu.vector_load %arg17[%swap3A_483, %swap3A_484] {strides = array<i32>} : memref<32x512xf32, #tpu.memory_space<vmem>>, vector<16xf32>,
        tpu.vector_store %arg17[%swap3A_483, %swap3A_484], %unpack3A_480 {strides = array<i32>} : memref<32x512xf32, #tpu.memory_space<vmem>>, vector<16xf32>,
        %add3A_486 = arith.addf %bitcast3A_450, %bitcast3A_466 : vector<32xbf16>
        %mul3A_487 = arith.mulf %pack3A, %bitcast3A_150 : vector<32xbf16>
        %mul3A_488 = arith.mulf %pack3A_442, %bitcast3A_155 : vector<32xbf16>
        %add3A_489 = arith.addf %mul3A_487, %mul3A_488 : vector<32xbf16>
        %add3A_490 = arith.addf %add3A_486, %add3A_489 : vector<32xbf16>
        %unpack3A_491 = tpu.unpack_subelements %add3A_490, 0 {pack_format = #tpu.pack_format<interleaved>} : vector<32xbf16> -> vector<16xf32>
        %unpack3A_492 = tpu.unpack_subelements %add3A_490, 1 {pack_format = #tpu.pack_format<interleaved>} : vector<32xbf16> -> vector<16xf32>
        %swap3A_493 = arith.index_cast %scan3A_436 : i32 to index
        %swap3A_494 = arith.constant 144 : index
        %swap3A_495 = tpu.vector_load %arg17[%swap3A_493, %swap3A_494] {strides = array<i32>} : memref<32x512xf32, #tpu.memory_space<vmem>>, vector<16xf32>,
        tpu.vector_store %arg17[%swap3A_493, %swap3A_494], %unpack3A_491 {strides = array<i32>} : memref<32x512xf32, #tpu.memory_space<vmem>>, vector<16xf32>,
        %swap3A_496 = arith.index_cast %scan3A_436 : i32 to index
        %swap3A_497 = arith.constant 400 : index
        %swap3A_498 = tpu.vector_load %arg17[%swap3A_496, %swap3A_497] {strides = array<i32>} : memref<32x512xf32, #tpu.memory_space<vmem>>, vector<16xf32>,
        tpu.vector_store %arg17[%swap3A_496, %swap3A_497], %unpack3A_492 {strides = array<i32>} : memref<32x512xf32, #tpu.memory_space<vmem>>, vector<16xf32>,
        %add3A_499 = arith.addf %bitcast3A_454, %bitcast3A_470 : vector<32xbf16>
        %mul3A_500 = arith.mulf %pack3A, %bitcast3A_160 : vector<32xbf16>
        %mul3A_501 = arith.mulf %pack3A_442, %bitcast3A_165 : vector<32xbf16>
        %add3A_502 = arith.addf %mul3A_500, %mul3A_501 : vector<32xbf16>
        %add3A_503 = arith.addf %add3A_499, %add3A_502 : vector<32xbf16>
        %unpack3A_504 = tpu.unpack_subelements %add3A_503, 0 {pack_format = #tpu.pack_format<interleaved>} : vector<32xbf16> -> vector<16xf32>
        %unpack3A_505 = tpu.unpack_subelements %add3A_503, 1 {pack_format = #tpu.pack_format<interleaved>} : vector<32xbf16> -> vector<16xf32>
        %swap3A_506 = arith.index_cast %scan3A_436 : i32 to index
        %swap3A_507 = arith.constant 160 : index
        %swap3A_508 = tpu.vector_load %arg17[%swap3A_506, %swap3A_507] {strides = array<i32>} : memref<32x512xf32, #tpu.memory_space<vmem>>, vector<16xf32>,
        tpu.vector_store %arg17[%swap3A_506, %swap3A_507], %unpack3A_504 {strides = array<i32>} : memref<32x512xf32, #tpu.memory_space<vmem>>, vector<16xf32>,
        %swap3A_509 = arith.index_cast %scan3A_436 : i32 to index
        %swap3A_510 = arith.constant 416 : index
        %swap3A_511 = tpu.vector_load %arg17[%swap3A_509, %swap3A_510] {strides = array<i32>} : memref<32x512xf32, #tpu.memory_space<vmem>>, vector<16xf32>,
        tpu.vector_store %arg17[%swap3A_509, %swap3A_510], %unpack3A_505 {strides = array<i32>} : memref<32x512xf32, #tpu.memory_space<vmem>>, vector<16xf32>,
        %add3A_512 = arith.addf %bitcast3A_458, %bitcast3A_474 : vector<32xbf16>
        %mul3A_513 = arith.mulf %pack3A, %bitcast3A_170 : vector<32xbf16>
        %mul3A_514 = arith.mulf %pack3A_442, %bitcast3A_175 : vector<32xbf16>
        %add3A_515 = arith.addf %mul3A_513, %mul3A_514 : vector<32xbf16>
        %add3A_516 = arith.addf %add3A_512, %add3A_515 : vector<32xbf16>
        %unpack3A_517 = tpu.unpack_subelements %add3A_516, 0 {pack_format = #tpu.pack_format<interleaved>} : vector<32xbf16> -> vector<16xf32>
        %unpack3A_518 = tpu.unpack_subelements %add3A_516, 1 {pack_format = #tpu.pack_format<interleaved>} : vector<32xbf16> -> vector<16xf32>
        %swap3A_519 = arith.index_cast %scan3A_436 : i32 to index
        %swap3A_520 = arith.constant 176 : index
        %swap3A_521 = tpu.vector_load %arg17[%swap3A_519, %swap3A_520] {strides = array<i32>} : memref<32x512xf32, #tpu.memory_space<vmem>>, vector<16xf32>,
        tpu.vector_store %arg17[%swap3A_519, %swap3A_520], %unpack3A_517 {strides = array<i32>} : memref<32x512xf32, #tpu.memory_space<vmem>>, vector<16xf32>,
        %swap3A_522 = arith.index_cast %scan3A_436 : i32 to index
        %swap3A_523 = arith.constant 432 : index
        %swap3A_524 = tpu.vector_load %arg17[%swap3A_522, %swap3A_523] {strides = array<i32>} : memref<32x512xf32, #tpu.memory_space<vmem>>, vector<16xf32>,
        tpu.vector_store %arg17[%swap3A_522, %swap3A_523], %unpack3A_518 {strides = array<i32>} : memref<32x512xf32, #tpu.memory_space<vmem>>, vector<16xf32>,
        %get3A_525 = arith.index_cast %scan3A_436 : i32 to index
        %get3A_526 = arith.constant 192 : index
        %get3A_527 = tpu.vector_load %arg13[%get3A_525, %get3A_526] {strides = array<i32>} : memref<32x256xi32, #tpu.memory_space<vmem>>, vector<16xi32>,
        %bitcast3A_528 = vector.bitcast %get3A_527 : vector<16xi32> to vector<32xbf16>
        %get3A_529 = arith.index_cast %scan3A_436 : i32 to index
        %get3A_530 = arith.constant 208 : index
        %get3A_531 = tpu.vector_load %arg13[%get3A_529, %get3A_530] {strides = array<i32>} : memref<32x256xi32, #tpu.memory_space<vmem>>, vector<16xi32>,
        %bitcast3A_532 = vector.bitcast %get3A_531 : vector<16xi32> to vector<32xbf16>
        %get3A_533 = arith.index_cast %scan3A_436 : i32 to index
        %get3A_534 = arith.constant 224 : index
        %get3A_535 = tpu.vector_load %arg13[%get3A_533, %get3A_534] {strides = array<i32>} : memref<32x256xi32, #tpu.memory_space<vmem>>, vector<16xi32>,
        %bitcast3A_536 = vector.bitcast %get3A_535 : vector<16xi32> to vector<32xbf16>
        %get3A_537 = arith.index_cast %scan3A_436 : i32 to index
        %get3A_538 = arith.constant 240 : index
        %get3A_539 = tpu.vector_load %arg13[%get3A_537, %get3A_538] {strides = array<i32>} : memref<32x256xi32, #tpu.memory_space<vmem>>, vector<16xi32>,
        %bitcast3A_540 = vector.bitcast %get3A_539 : vector<16xi32> to vector<32xbf16>
        %get3A_541 = arith.index_cast %scan3A_436 : i32 to index
        %get3A_542 = arith.constant 192 : index
        %get3A_543 = tpu.vector_load %arg14[%get3A_541, %get3A_542] {strides = array<i32>} : memref<32x256xi32, #tpu.memory_space<vmem>>, vector<16xi32>,
        %bitcast3A_544 = vector.bitcast %get3A_543 : vector<16xi32> to vector<32xbf16>
        %get3A_545 = arith.index_cast %scan3A_436 : i32 to index
        %get3A_546 = arith.constant 208 : index
        %get3A_547 = tpu.vector_load %arg14[%get3A_545, %get3A_546] {strides = array<i32>} : memref<32x256xi32, #tpu.memory_space<vmem>>, vector<16xi32>,
        %bitcast3A_548 = vector.bitcast %get3A_547 : vector<16xi32> to vector<32xbf16>
        %get3A_549 = arith.index_cast %scan3A_436 : i32 to index
        %get3A_550 = arith.constant 224 : index
        %get3A_551 = tpu.vector_load %arg14[%get3A_549, %get3A_550] {strides = array<i32>} : memref<32x256xi32, #tpu.memory_space<vmem>>, vector<16xi32>,
        %bitcast3A_552 = vector.bitcast %get3A_551 : vector<16xi32> to vector<32xbf16>
        %get3A_553 = arith.index_cast %scan3A_436 : i32 to index
        %get3A_554 = arith.constant 240 : index
        %get3A_555 = tpu.vector_load %arg14[%get3A_553, %get3A_554] {strides = array<i32>} : memref<32x256xi32, #tpu.memory_space<vmem>>, vector<16xi32>,
        %bitcast3A_556 = vector.bitcast %get3A_555 : vector<16xi32> to vector<32xbf16>
        %add3A_557 = arith.addf %bitcast3A_528, %bitcast3A_544 : vector<32xbf16>
        %mul3A_558 = arith.mulf %pack3A, %bitcast3A_180 : vector<32xbf16>
        %mul3A_559 = arith.mulf %pack3A_442, %bitcast3A_185 : vector<32xbf16>
        %add3A_560 = arith.addf %mul3A_558, %mul3A_559 : vector<32xbf16>
        %add3A_561 = arith.addf %add3A_557, %add3A_560 : vector<32xbf16>
        %unpack3A_562 = tpu.unpack_subelements %add3A_561, 0 {pack_format = #tpu.pack_format<interleaved>} : vector<32xbf16> -> vector<16xf32>
        %unpack3A_563 = tpu.unpack_subelements %add3A_561, 1 {pack_format = #tpu.pack_format<interleaved>} : vector<32xbf16> -> vector<16xf32>
        %swap3A_564 = arith.index_cast %scan3A_436 : i32 to index
        %swap3A_565 = arith.constant 192 : index
        %swap3A_566 = tpu.vector_load %arg17[%swap3A_564, %swap3A_565] {strides = array<i32>} : memref<32x512xf32, #tpu.memory_space<vmem>>, vector<16xf32>,
        tpu.vector_store %arg17[%swap3A_564, %swap3A_565], %unpack3A_562 {strides = array<i32>} : memref<32x512xf32, #tpu.memory_space<vmem>>, vector<16xf32>,
        %swap3A_567 = arith.index_cast %scan3A_436 : i32 to index
        %swap3A_568 = arith.constant 448 : index
        %swap3A_569 = tpu.vector_load %arg17[%swap3A_567, %swap3A_568] {strides = array<i32>} : memref<32x512xf32, #tpu.memory_space<vmem>>, vector<16xf32>,
        tpu.vector_store %arg17[%swap3A_567, %swap3A_568], %unpack3A_563 {strides = array<i32>} : memref<32x512xf32, #tpu.memory_space<vmem>>, vector<16xf32>,
        %add3A_570 = arith.addf %bitcast3A_532, %bitcast3A_548 : vector<32xbf16>
        %mul3A_571 = arith.mulf %pack3A, %bitcast3A_190 : vector<32xbf16>
        %mul3A_572 = arith.mulf %pack3A_442, %bitcast3A_195 : vector<32xbf16>
        %add3A_573 = arith.addf %mul3A_571, %mul3A_572 : vector<32xbf16>
        %add3A_574 = arith.addf %add3A_570, %add3A_573 : vector<32xbf16>
        %unpack3A_575 = tpu.unpack_subelements %add3A_574, 0 {pack_format = #tpu.pack_format<interleaved>} : vector<32xbf16> -> vector<16xf32>
        %unpack3A_576 = tpu.unpack_subelements %add3A_574, 1 {pack_format = #tpu.pack_format<interleaved>} : vector<32xbf16> -> vector<16xf32>
        %swap3A_577 = arith.index_cast %scan3A_436 : i32 to index
        %swap3A_578 = arith.constant 208 : index
        %swap3A_579 = tpu.vector_load %arg17[%swap3A_577, %swap3A_578] {strides = array<i32>} : memref<32x512xf32, #tpu.memory_space<vmem>>, vector<16xf32>,
        tpu.vector_store %arg17[%swap3A_577, %swap3A_578], %unpack3A_575 {strides = array<i32>} : memref<32x512xf32, #tpu.memory_space<vmem>>, vector<16xf32>,
        %swap3A_580 = arith.index_cast %scan3A_436 : i32 to index
        %swap3A_581 = arith.constant 464 : index
        %swap3A_582 = tpu.vector_load %arg17[%swap3A_580, %swap3A_581] {strides = array<i32>} : memref<32x512xf32, #tpu.memory_space<vmem>>, vector<16xf32>,
        tpu.vector_store %arg17[%swap3A_580, %swap3A_581], %unpack3A_576 {strides = array<i32>} : memref<32x512xf32, #tpu.memory_space<vmem>>, vector<16xf32>,
        %add3A_583 = arith.addf %bitcast3A_536, %bitcast3A_552 : vector<32xbf16>
        %mul3A_584 = arith.mulf %pack3A, %bitcast3A_200 : vector<32xbf16>
        %mul3A_585 = arith.mulf %pack3A_442, %bitcast3A_205 : vector<32xbf16>
        %add3A_586 = arith.addf %mul3A_584, %mul3A_585 : vector<32xbf16>
        %add3A_587 = arith.addf %add3A_583, %add3A_586 : vector<32xbf16>
        %unpack3A_588 = tpu.unpack_subelements %add3A_587, 0 {pack_format = #tpu.pack_format<interleaved>} : vector<32xbf16> -> vector<16xf32>
        %unpack3A_589 = tpu.unpack_subelements %add3A_587, 1 {pack_format = #tpu.pack_format<interleaved>} : vector<32xbf16> -> vector<16xf32>
        %swap3A_590 = arith.index_cast %scan3A_436 : i32 to index
        %swap3A_591 = arith.constant 224 : index
        %swap3A_592 = tpu.vector_load %arg17[%swap3A_590, %swap3A_591] {strides = array<i32>} : memref<32x512xf32, #tpu.memory_space<vmem>>, vector<16xf32>,
        tpu.vector_store %arg17[%swap3A_590, %swap3A_591], %unpack3A_588 {strides = array<i32>} : memref<32x512xf32, #tpu.memory_space<vmem>>, vector<16xf32>,
        %swap3A_593 = arith.index_cast %scan3A_436 : i32 to index
        %swap3A_594 = arith.constant 480 : index
        %swap3A_595 = tpu.vector_load %arg17[%swap3A_593, %swap3A_594] {strides = array<i32>} : memref<32x512xf32, #tpu.memory_space<vmem>>, vector<16xf32>,
        tpu.vector_store %arg17[%swap3A_593, %swap3A_594], %unpack3A_589 {strides = array<i32>} : memref<32x512xf32, #tpu.memory_space<vmem>>, vector<16xf32>,
        %add3A_596 = arith.addf %bitcast3A_540, %bitcast3A_556 : vector<32xbf16>
        %mul3A_597 = arith.mulf %pack3A, %bitcast3A_210 : vector<32xbf16>
        %mul3A_598 = arith.mulf %pack3A_442, %bitcast3A_215 : vector<32xbf16>
        %add3A_599 = arith.addf %mul3A_597, %mul3A_598 : vector<32xbf16>
        %add3A_600 = arith.addf %add3A_596, %add3A_599 : vector<32xbf16>
        %unpack3A_601 = tpu.unpack_subelements %add3A_600, 0 {pack_format = #tpu.pack_format<interleaved>} : vector<32xbf16> -> vector<16xf32>
        %unpack3A_602 = tpu.unpack_subelements %add3A_600, 1 {pack_format = #tpu.pack_format<interleaved>} : vector<32xbf16> -> vector<16xf32>
        %swap3A_603 = arith.index_cast %scan3A_436 : i32 to index
        %swap3A_604 = arith.constant 240 : index
        %swap3A_605 = tpu.vector_load %arg17[%swap3A_603, %swap3A_604] {strides = array<i32>} : memref<32x512xf32, #tpu.memory_space<vmem>>, vector<16xf32>,
        tpu.vector_store %arg17[%swap3A_603, %swap3A_604], %unpack3A_601 {strides = array<i32>} : memref<32x512xf32, #tpu.memory_space<vmem>>, vector<16xf32>,
        %swap3A_606 = arith.index_cast %scan3A_436 : i32 to index
        %swap3A_607 = arith.constant 496 : index
        %swap3A_608 = tpu.vector_load %arg17[%swap3A_606, %swap3A_607] {strides = array<i32>} : memref<32x512xf32, #tpu.memory_space<vmem>>, vector<16xf32>,
        tpu.vector_store %arg17[%swap3A_606, %swap3A_607], %unpack3A_602 {strides = array<i32>} : memref<32x512xf32, #tpu.memory_space<vmem>>, vector<16xf32>,
      }
      %scan3A_221 = arith.constant 32 : i32
      %lt3A = arith.constant 7 : i32
      %lt3A_222 = arith.cmpi slt, %scan3A_37, %lt3A : i32
      %convert_element_type3A_223 = arith.extui %lt3A_222 : i1 to i32
      %cond3A_224 = arith.constant 0 : i32
      %cond3A_225 = arith.cmpi ne, %convert_element_type3A_223, %cond3A_224 : i32
      scf.if %cond3A_225 {
        %add3A_436 = arith.constant 2 : i32
        %add3A_437 = arith.addi %mul3A_39, %add3A_436 : i32
        %mul3A_438 = arith.constant 32 : i32
        %mul3A_439 = arith.muli %add3A_437, %mul3A_438 : i32
        %dma_start3A_440 = tpu.memref_slice %arg8[%mul3A_439] : memref<512xi32, #tpu.memory_space<vmem>> -> memref<32xi32, #tpu.memory_space<vmem>>
        %dma_start3A_441 = arith.constant 0 : i32
        %dma_start3A_442 = arith.constant 0 : i32
        %dma_start3A_443 = tpu.memref_slice %arg2[%dma_start3A_441, %dma_start3A_442] : memref<1024x256xi32, #tpu.memory_space<hbm>> -> memref<1024x256xi32, #tpu.memory_space<hbm>>
        tpu.enqueue_indirect_dma source(%dma_start3A_443 : memref<1024x256xi32, #tpu.memory_space<hbm>>) target(%arg13 : memref<32x256xi32, #tpu.memory_space<vmem>>) offsets(%dma_start3A_440 : memref<32xi32, #tpu.memory_space<vmem>>) semaphore(%arg19 : memref<!tpu.dma_semaphore, #tpu.memory_space<semaphore_mem>>)
        %mul3A_444 = arith.constant 32 : i32
        %mul3A_445 = arith.muli %add3A_437, %mul3A_444 : i32
        %dma_start3A_446 = tpu.memref_slice %arg9[%mul3A_445] : memref<512xi32, #tpu.memory_space<vmem>> -> memref<32xi32, #tpu.memory_space<vmem>>
        %dma_start3A_447 = arith.constant 0 : i32
        %dma_start3A_448 = arith.constant 0 : i32
        %dma_start3A_449 = tpu.memref_slice %arg3[%dma_start3A_447, %dma_start3A_448] : memref<1024x256xi32, #tpu.memory_space<hbm>> -> memref<1024x256xi32, #tpu.memory_space<hbm>>
        tpu.enqueue_indirect_dma source(%dma_start3A_449 : memref<1024x256xi32, #tpu.memory_space<hbm>>) target(%arg14 : memref<32x256xi32, #tpu.memory_space<vmem>>) offsets(%dma_start3A_446 : memref<32xi32, #tpu.memory_space<vmem>>) semaphore(%arg19 : memref<!tpu.dma_semaphore, #tpu.memory_space<semaphore_mem>>)
      } else {
      }
      %mul3A_226 = arith.constant 32 : i32
      %mul3A_227 = arith.muli %mul3A_39, %mul3A_226 : i32
      %add3A_228 = arith.addi %mul3A_2, %mul3A_227 : i32
      %dma_start3A_229 = arith.constant 0 : i32
      %dma_start3A_230 = tpu.memref_slice %arg7[%add3A_228, %dma_start3A_229] : memref<16384x512xf32, #tpu.memory_space<hbm>> -> memref<32x512xf32, #tpu.memory_space<hbm>>
      %dma_start3A_231 = arith.constant 0 : i32
      %dma_start3A_232 = tpu.memref_slice %arg7[%add3A_228, %dma_start3A_231] : memref<16384x512xf32, #tpu.memory_space<hbm>> -> memref<32x512xf32, #tpu.memory_space<hbm>>
      tpu.enqueue_dma source(%arg17 : memref<32x512xf32, #tpu.memory_space<vmem>>) target(%dma_start3A_232 : memref<32x512xf32, #tpu.memory_space<hbm>>) target_semaphore(%arg21 : memref<!tpu.dma_semaphore, #tpu.memory_space<semaphore_mem>>)
      %gt3A_233 = arith.constant 0 : i32
      %gt3A_234 = arith.cmpi sgt, %scan3A_37, %gt3A_233 : i32
      %convert_element_type3A_235 = arith.extui %gt3A_234 : i1 to i32
      %cond3A_236 = arith.constant 0 : i32
      %cond3A_237 = arith.cmpi ne, %convert_element_type3A_235, %cond3A_236 : i32
      scf.if %cond3A_237 {
        %dma_wait3A_436 = arith.constant 0 : i32
        %dma_wait3A_437 = tpu.memref_slice %arg7[%mul3A_2, %dma_wait3A_436] : memref<16384x512xf32, #tpu.memory_space<hbm>> -> memref<32x512xf32, #tpu.memory_space<hbm>>
        %dma_wait3A_438 = arith.constant 0 : i32
        %dma_wait3A_439 = tpu.memref_slice %arg7[%mul3A_2, %dma_wait3A_438] : memref<16384x512xf32, #tpu.memory_space<hbm>> -> memref<32x512xf32, #tpu.memory_space<hbm>>
        tpu.wait_dma2 semaphore(%arg22 : memref<!tpu.dma_semaphore, #tpu.memory_space<semaphore_mem>>) src(%arg18 : memref<32x512xf32, #tpu.memory_space<vmem>>) dst(%dma_wait3A_439 : memref<32x512xf32, #tpu.memory_space<hbm>>)
      } else {
      }
      %dma_wait3A_238 = arith.constant 0 : i32
      %dma_wait3A_239 = tpu.memref_slice %arg8[%dma_wait3A_238] : memref<512xi32, #tpu.memory_space<vmem>> -> memref<32xi32, #tpu.memory_space<vmem>>
      %dma_wait3A_240 = arith.constant 0 : i32
      %dma_wait3A_241 = arith.constant 0 : i32
      %dma_wait3A_242 = tpu.memref_slice %arg2[%dma_wait3A_240, %dma_wait3A_241] : memref<1024x256xi32, #tpu.memory_space<hbm>> -> memref<1024x256xi32, #tpu.memory_space<hbm>>
      tpu.wait_indirect_dma semaphore(%arg20 : memref<!tpu.dma_semaphore, #tpu.memory_space<semaphore_mem>>) src(%dma_wait3A_242 : memref<1024x256xi32, #tpu.memory_space<hbm>>) dst(%arg15 : memref<32x256xi32, #tpu.memory_space<vmem>>)
      %dma_wait3A_243 = arith.constant 0 : i32
      %dma_wait3A_244 = tpu.memref_slice %arg9[%dma_wait3A_243] : memref<512xi32, #tpu.memory_space<vmem>> -> memref<32xi32, #tpu.memory_space<vmem>>
      %dma_wait3A_245 = arith.constant 0 : i32
      %dma_wait3A_246 = arith.constant 0 : i32
      %dma_wait3A_247 = tpu.memref_slice %arg3[%dma_wait3A_245, %dma_wait3A_246] : memref<1024x256xi32, #tpu.memory_space<hbm>> -> memref<1024x256xi32, #tpu.memory_space<hbm>>
      tpu.wait_indirect_dma semaphore(%arg20 : memref<!tpu.dma_semaphore, #tpu.memory_space<semaphore_mem>>) src(%dma_wait3A_247 : memref<1024x256xi32, #tpu.memory_space<hbm>>) dst(%arg16 : memref<32x256xi32, #tpu.memory_space<vmem>>)
      %add3A_248 = arith.constant 1 : i32
      %add3A_249 = arith.addi %mul3A_39, %add3A_248 : i32
      %get3A_250 = arith.constant 0 : i32
      %get3A_251 = arith.index_cast %get3A_250 : i32 to index
      %get3A_252 = arith.constant 0 : index
      %get3A_253 = tpu.vector_load %arg12[%get3A_251, %get3A_252] {strides = array<i32>} : memref<2x256xi32, #tpu.memory_space<vmem>>, vector<16xi32>,
      %bitcast3A_254 = vector.bitcast %get3A_253 : vector<16xi32> to vector<32xbf16>
      %get3A_255 = arith.constant 1 : i32
      %get3A_256 = arith.index_cast %get3A_255 : i32 to index
      %get3A_257 = arith.constant 0 : index
      %get3A_258 = tpu.vector_load %arg12[%get3A_256, %get3A_257] {strides = array<i32>} : memref<2x256xi32, #tpu.memory_space<vmem>>, vector<16xi32>,
      %bitcast3A_259 = vector.bitcast %get3A_258 : vector<16xi32> to vector<32xbf16>
      %get3A_260 = arith.constant 0 : i32
      %get3A_261 = arith.index_cast %get3A_260 : i32 to index
      %get3A_262 = arith.constant 16 : index
      %get3A_263 = tpu.vector_load %arg12[%get3A_261, %get3A_262] {strides = array<i32>} : memref<2x256xi32, #tpu.memory_space<vmem>>, vector<16xi32>,
      %bitcast3A_264 = vector.bitcast %get3A_263 : vector<16xi32> to vector<32xbf16>
      %get3A_265 = arith.constant 1 : i32
      %get3A_266 = arith.index_cast %get3A_265 : i32 to index
      %get3A_267 = arith.constant 16 : index
      %get3A_268 = tpu.vector_load %arg12[%get3A_266, %get3A_267] {strides = array<i32>} : memref<2x256xi32, #tpu.memory_space<vmem>>, vector<16xi32>,
      %bitcast3A_269 = vector.bitcast %get3A_268 : vector<16xi32> to vector<32xbf16>
      %get3A_270 = arith.constant 0 : i32
      %get3A_271 = arith.index_cast %get3A_270 : i32 to index
      %get3A_272 = arith.constant 32 : index
      %get3A_273 = tpu.vector_load %arg12[%get3A_271, %get3A_272] {strides = array<i32>} : memref<2x256xi32, #tpu.memory_space<vmem>>, vector<16xi32>,
      %bitcast3A_274 = vector.bitcast %get3A_273 : vector<16xi32> to vector<32xbf16>
      %get3A_275 = arith.constant 1 : i32
      %get3A_276 = arith.index_cast %get3A_275 : i32 to index
      %get3A_277 = arith.constant 32 : index
      %get3A_278 = tpu.vector_load %arg12[%get3A_276, %get3A_277] {strides = array<i32>} : memref<2x256xi32, #tpu.memory_space<vmem>>, vector<16xi32>,
      %bitcast3A_279 = vector.bitcast %get3A_278 : vector<16xi32> to vector<32xbf16>
      %get3A_280 = arith.constant 0 : i32
      %get3A_281 = arith.index_cast %get3A_280 : i32 to index
      %get3A_282 = arith.constant 48 : index
      %get3A_283 = tpu.vector_load %arg12[%get3A_281, %get3A_282] {strides = array<i32>} : memref<2x256xi32, #tpu.memory_space<vmem>>, vector<16xi32>,
      %bitcast3A_284 = vector.bitcast %get3A_283 : vector<16xi32> to vector<32xbf16>
      %get3A_285 = arith.constant 1 : i32
      %get3A_286 = arith.index_cast %get3A_285 : i32 to index
      %get3A_287 = arith.constant 48 : index
      %get3A_288 = tpu.vector_load %arg12[%get3A_286, %get3A_287] {strides = array<i32>} : memref<2x256xi32, #tpu.memory_space<vmem>>, vector<16xi32>,
      %bitcast3A_289 = vector.bitcast %get3A_288 : vector<16xi32> to vector<32xbf16>
      %get3A_290 = arith.constant 0 : i32
      %get3A_291 = arith.index_cast %get3A_290 : i32 to index
      %get3A_292 = arith.constant 64 : index
      %get3A_293 = tpu.vector_load %arg12[%get3A_291, %get3A_292] {strides = array<i32>} : memref<2x256xi32, #tpu.memory_space<vmem>>, vector<16xi32>,
      %bitcast3A_294 = vector.bitcast %get3A_293 : vector<16xi32> to vector<32xbf16>
      %get3A_295 = arith.constant 1 : i32
      %get3A_296 = arith.index_cast %get3A_295 : i32 to index
      %get3A_297 = arith.constant 64 : index
      %get3A_298 = tpu.vector_load %arg12[%get3A_296, %get3A_297] {strides = array<i32>} : memref<2x256xi32, #tpu.memory_space<vmem>>, vector<16xi32>,
      %bitcast3A_299 = vector.bitcast %get3A_298 : vector<16xi32> to vector<32xbf16>
      %get3A_300 = arith.constant 0 : i32
      %get3A_301 = arith.index_cast %get3A_300 : i32 to index
      %get3A_302 = arith.constant 80 : index
      %get3A_303 = tpu.vector_load %arg12[%get3A_301, %get3A_302] {strides = array<i32>} : memref<2x256xi32, #tpu.memory_space<vmem>>, vector<16xi32>,
      %bitcast3A_304 = vector.bitcast %get3A_303 : vector<16xi32> to vector<32xbf16>
      %get3A_305 = arith.constant 1 : i32
      %get3A_306 = arith.index_cast %get3A_305 : i32 to index
      %get3A_307 = arith.constant 80 : index
      %get3A_308 = tpu.vector_load %arg12[%get3A_306, %get3A_307] {strides = array<i32>} : memref<2x256xi32, #tpu.memory_space<vmem>>, vector<16xi32>,
      %bitcast3A_309 = vector.bitcast %get3A_308 : vector<16xi32> to vector<32xbf16>
      %get3A_310 = arith.constant 0 : i32
      %get3A_311 = arith.index_cast %get3A_310 : i32 to index
      %get3A_312 = arith.constant 96 : index
      %get3A_313 = tpu.vector_load %arg12[%get3A_311, %get3A_312] {strides = array<i32>} : memref<2x256xi32, #tpu.memory_space<vmem>>, vector<16xi32>,
      %bitcast3A_314 = vector.bitcast %get3A_313 : vector<16xi32> to vector<32xbf16>
      %get3A_315 = arith.constant 1 : i32
      %get3A_316 = arith.index_cast %get3A_315 : i32 to index
      %get3A_317 = arith.constant 96 : index
      %get3A_318 = tpu.vector_load %arg12[%get3A_316, %get3A_317] {strides = array<i32>} : memref<2x256xi32, #tpu.memory_space<vmem>>, vector<16xi32>,
      %bitcast3A_319 = vector.bitcast %get3A_318 : vector<16xi32> to vector<32xbf16>
      %get3A_320 = arith.constant 0 : i32
      %get3A_321 = arith.index_cast %get3A_320 : i32 to index
      %get3A_322 = arith.constant 112 : index
      %get3A_323 = tpu.vector_load %arg12[%get3A_321, %get3A_322] {strides = array<i32>} : memref<2x256xi32, #tpu.memory_space<vmem>>, vector<16xi32>,
      %bitcast3A_324 = vector.bitcast %get3A_323 : vector<16xi32> to vector<32xbf16>
      %get3A_325 = arith.constant 1 : i32
      %get3A_326 = arith.index_cast %get3A_325 : i32 to index
      %get3A_327 = arith.constant 112 : index
      %get3A_328 = tpu.vector_load %arg12[%get3A_326, %get3A_327] {strides = array<i32>} : memref<2x256xi32, #tpu.memory_space<vmem>>, vector<16xi32>,
      %bitcast3A_329 = vector.bitcast %get3A_328 : vector<16xi32> to vector<32xbf16>
      %scan3A_330 = arith.constant 0 : i32
      %scan3A_331 = arith.constant 0 : i32
      %scan3A_332 = arith.constant 32 : i32
      %scan3A_333 = arith.addi %scan3A_331, %scan3A_332 : i32
      %scan3A_334 = arith.constant 1 : i32
      scf.for %scan3A_436 = %scan3A_331 to %scan3A_333 step %scan3A_334  : i32 {
        %mul3A_437 = arith.constant 32 : i32
        %mul3A_438 = arith.muli %add3A_249, %mul3A_437 : i32
        %add3A_439 = arith.addi %mul3A_438, %scan3A_436 : i32
        %broadcast_in_dim3A = vector.broadcast %add3A_439 : i32 to vector<16xi32>
        %broadcast_in_dim3A_440 = vector.broadcast %scan3A_436 : i32 to vector<16xi32>
        %gather3A = tpu.vector_load_idx %arg10[%broadcast_in_dim3A] : memref<512xf32, #tpu.memory_space<vmem>>[vector<16xi32>], vector<16xf32>,
        %gather3A_441 = tpu.vector_load_idx %arg11[%broadcast_in_dim3A] : memref<512xf32, #tpu.memory_space<vmem>>[vector<16xi32>], vector<16xf32>,
        %pack3A = tpu.pack_subelements %gather3A, %gather3A {pack_format = #tpu.pack_format<interleaved>, positions = array<i32: 0, 1>} : vector<16xf32>, vector<16xf32> -> vector<32xbf16>
        %pack3A_442 = tpu.pack_subelements %gather3A_441, %gather3A_441 {pack_format = #tpu.pack_format<interleaved>, positions = array<i32: 0, 1>} : vector<16xf32>, vector<16xf32> -> vector<32xbf16>
        %get3A_443 = arith.index_cast %scan3A_436 : i32 to index
        %get3A_444 = arith.constant 0 : index
        %get3A_445 = tpu.vector_load %arg15[%get3A_443, %get3A_444] {strides = array<i32>} : memref<32x256xi32, #tpu.memory_space<vmem>>, vector<16xi32>,
        %bitcast3A_446 = vector.bitcast %get3A_445 : vector<16xi32> to vector<32xbf16>
        %get3A_447 = arith.index_cast %scan3A_436 : i32 to index
        %get3A_448 = arith.constant 16 : index
        %get3A_449 = tpu.vector_load %arg15[%get3A_447, %get3A_448] {strides = array<i32>} : memref<32x256xi32, #tpu.memory_space<vmem>>, vector<16xi32>,
        %bitcast3A_450 = vector.bitcast %get3A_449 : vector<16xi32> to vector<32xbf16>
        %get3A_451 = arith.index_cast %scan3A_436 : i32 to index
        %get3A_452 = arith.constant 32 : index
        %get3A_453 = tpu.vector_load %arg15[%get3A_451, %get3A_452] {strides = array<i32>} : memref<32x256xi32, #tpu.memory_space<vmem>>, vector<16xi32>,
        %bitcast3A_454 = vector.bitcast %get3A_453 : vector<16xi32> to vector<32xbf16>
        %get3A_455 = arith.index_cast %scan3A_436 : i32 to index
        %get3A_456 = arith.constant 48 : index
        %get3A_457 = tpu.vector_load %arg15[%get3A_455, %get3A_456] {strides = array<i32>} : memref<32x256xi32, #tpu.memory_space<vmem>>, vector<16xi32>,
        %bitcast3A_458 = vector.bitcast %get3A_457 : vector<16xi32> to vector<32xbf16>
        %get3A_459 = arith.index_cast %scan3A_436 : i32 to index
        %get3A_460 = arith.constant 0 : index
        %get3A_461 = tpu.vector_load %arg16[%get3A_459, %get3A_460] {strides = array<i32>} : memref<32x256xi32, #tpu.memory_space<vmem>>, vector<16xi32>,
        %bitcast3A_462 = vector.bitcast %get3A_461 : vector<16xi32> to vector<32xbf16>
        %get3A_463 = arith.index_cast %scan3A_436 : i32 to index
        %get3A_464 = arith.constant 16 : index
        %get3A_465 = tpu.vector_load %arg16[%get3A_463, %get3A_464] {strides = array<i32>} : memref<32x256xi32, #tpu.memory_space<vmem>>, vector<16xi32>,
        %bitcast3A_466 = vector.bitcast %get3A_465 : vector<16xi32> to vector<32xbf16>
        %get3A_467 = arith.index_cast %scan3A_436 : i32 to index
        %get3A_468 = arith.constant 32 : index
        %get3A_469 = tpu.vector_load %arg16[%get3A_467, %get3A_468] {strides = array<i32>} : memref<32x256xi32, #tpu.memory_space<vmem>>, vector<16xi32>,
        %bitcast3A_470 = vector.bitcast %get3A_469 : vector<16xi32> to vector<32xbf16>
        %get3A_471 = arith.index_cast %scan3A_436 : i32 to index
        %get3A_472 = arith.constant 48 : index
        %get3A_473 = tpu.vector_load %arg16[%get3A_471, %get3A_472] {strides = array<i32>} : memref<32x256xi32, #tpu.memory_space<vmem>>, vector<16xi32>,
        %bitcast3A_474 = vector.bitcast %get3A_473 : vector<16xi32> to vector<32xbf16>
        %add3A_475 = arith.addf %bitcast3A_446, %bitcast3A_462 : vector<32xbf16>
        %mul3A_476 = arith.mulf %pack3A, %bitcast3A_254 : vector<32xbf16>
        %mul3A_477 = arith.mulf %pack3A_442, %bitcast3A_259 : vector<32xbf16>
        %add3A_478 = arith.addf %mul3A_476, %mul3A_477 : vector<32xbf16>
        %add3A_479 = arith.addf %add3A_475, %add3A_478 : vector<32xbf16>
        %unpack3A = tpu.unpack_subelements %add3A_479, 0 {pack_format = #tpu.pack_format<interleaved>} : vector<32xbf16> -> vector<16xf32>
        %unpack3A_480 = tpu.unpack_subelements %add3A_479, 1 {pack_format = #tpu.pack_format<interleaved>} : vector<32xbf16> -> vector<16xf32>
        %swap3A = arith.index_cast %scan3A_436 : i32 to index
        %swap3A_481 = arith.constant 0 : index
        %swap3A_482 = tpu.vector_load %arg18[%swap3A, %swap3A_481] {strides = array<i32>} : memref<32x512xf32, #tpu.memory_space<vmem>>, vector<16xf32>,
        tpu.vector_store %arg18[%swap3A, %swap3A_481], %unpack3A {strides = array<i32>} : memref<32x512xf32, #tpu.memory_space<vmem>>, vector<16xf32>,
        %swap3A_483 = arith.index_cast %scan3A_436 : i32 to index
        %swap3A_484 = arith.constant 256 : index
        %swap3A_485 = tpu.vector_load %arg18[%swap3A_483, %swap3A_484] {strides = array<i32>} : memref<32x512xf32, #tpu.memory_space<vmem>>, vector<16xf32>,
        tpu.vector_store %arg18[%swap3A_483, %swap3A_484], %unpack3A_480 {strides = array<i32>} : memref<32x512xf32, #tpu.memory_space<vmem>>, vector<16xf32>,
        %add3A_486 = arith.addf %bitcast3A_450, %bitcast3A_466 : vector<32xbf16>
        %mul3A_487 = arith.mulf %pack3A, %bitcast3A_264 : vector<32xbf16>
        %mul3A_488 = arith.mulf %pack3A_442, %bitcast3A_269 : vector<32xbf16>
        %add3A_489 = arith.addf %mul3A_487, %mul3A_488 : vector<32xbf16>
        %add3A_490 = arith.addf %add3A_486, %add3A_489 : vector<32xbf16>
        %unpack3A_491 = tpu.unpack_subelements %add3A_490, 0 {pack_format = #tpu.pack_format<interleaved>} : vector<32xbf16> -> vector<16xf32>
        %unpack3A_492 = tpu.unpack_subelements %add3A_490, 1 {pack_format = #tpu.pack_format<interleaved>} : vector<32xbf16> -> vector<16xf32>
        %swap3A_493 = arith.index_cast %scan3A_436 : i32 to index
        %swap3A_494 = arith.constant 16 : index
        %swap3A_495 = tpu.vector_load %arg18[%swap3A_493, %swap3A_494] {strides = array<i32>} : memref<32x512xf32, #tpu.memory_space<vmem>>, vector<16xf32>,
        tpu.vector_store %arg18[%swap3A_493, %swap3A_494], %unpack3A_491 {strides = array<i32>} : memref<32x512xf32, #tpu.memory_space<vmem>>, vector<16xf32>,
        %swap3A_496 = arith.index_cast %scan3A_436 : i32 to index
        %swap3A_497 = arith.constant 272 : index
        %swap3A_498 = tpu.vector_load %arg18[%swap3A_496, %swap3A_497] {strides = array<i32>} : memref<32x512xf32, #tpu.memory_space<vmem>>, vector<16xf32>,
        tpu.vector_store %arg18[%swap3A_496, %swap3A_497], %unpack3A_492 {strides = array<i32>} : memref<32x512xf32, #tpu.memory_space<vmem>>, vector<16xf32>,
        %add3A_499 = arith.addf %bitcast3A_454, %bitcast3A_470 : vector<32xbf16>
        %mul3A_500 = arith.mulf %pack3A, %bitcast3A_274 : vector<32xbf16>
        %mul3A_501 = arith.mulf %pack3A_442, %bitcast3A_279 : vector<32xbf16>
        %add3A_502 = arith.addf %mul3A_500, %mul3A_501 : vector<32xbf16>
        %add3A_503 = arith.addf %add3A_499, %add3A_502 : vector<32xbf16>
        %unpack3A_504 = tpu.unpack_subelements %add3A_503, 0 {pack_format = #tpu.pack_format<interleaved>} : vector<32xbf16> -> vector<16xf32>
        %unpack3A_505 = tpu.unpack_subelements %add3A_503, 1 {pack_format = #tpu.pack_format<interleaved>} : vector<32xbf16> -> vector<16xf32>
        %swap3A_506 = arith.index_cast %scan3A_436 : i32 to index
        %swap3A_507 = arith.constant 32 : index
        %swap3A_508 = tpu.vector_load %arg18[%swap3A_506, %swap3A_507] {strides = array<i32>} : memref<32x512xf32, #tpu.memory_space<vmem>>, vector<16xf32>,
        tpu.vector_store %arg18[%swap3A_506, %swap3A_507], %unpack3A_504 {strides = array<i32>} : memref<32x512xf32, #tpu.memory_space<vmem>>, vector<16xf32>,
        %swap3A_509 = arith.index_cast %scan3A_436 : i32 to index
        %swap3A_510 = arith.constant 288 : index
        %swap3A_511 = tpu.vector_load %arg18[%swap3A_509, %swap3A_510] {strides = array<i32>} : memref<32x512xf32, #tpu.memory_space<vmem>>, vector<16xf32>,
        tpu.vector_store %arg18[%swap3A_509, %swap3A_510], %unpack3A_505 {strides = array<i32>} : memref<32x512xf32, #tpu.memory_space<vmem>>, vector<16xf32>,
        %add3A_512 = arith.addf %bitcast3A_458, %bitcast3A_474 : vector<32xbf16>
        %mul3A_513 = arith.mulf %pack3A, %bitcast3A_284 : vector<32xbf16>
        %mul3A_514 = arith.mulf %pack3A_442, %bitcast3A_289 : vector<32xbf16>
        %add3A_515 = arith.addf %mul3A_513, %mul3A_514 : vector<32xbf16>
        %add3A_516 = arith.addf %add3A_512, %add3A_515 : vector<32xbf16>
        %unpack3A_517 = tpu.unpack_subelements %add3A_516, 0 {pack_format = #tpu.pack_format<interleaved>} : vector<32xbf16> -> vector<16xf32>
        %unpack3A_518 = tpu.unpack_subelements %add3A_516, 1 {pack_format = #tpu.pack_format<interleaved>} : vector<32xbf16> -> vector<16xf32>
        %swap3A_519 = arith.index_cast %scan3A_436 : i32 to index
        %swap3A_520 = arith.constant 48 : index
        %swap3A_521 = tpu.vector_load %arg18[%swap3A_519, %swap3A_520] {strides = array<i32>} : memref<32x512xf32, #tpu.memory_space<vmem>>, vector<16xf32>,
        tpu.vector_store %arg18[%swap3A_519, %swap3A_520], %unpack3A_517 {strides = array<i32>} : memref<32x512xf32, #tpu.memory_space<vmem>>, vector<16xf32>,
        %swap3A_522 = arith.index_cast %scan3A_436 : i32 to index
        %swap3A_523 = arith.constant 304 : index
        %swap3A_524 = tpu.vector_load %arg18[%swap3A_522, %swap3A_523] {strides = array<i32>} : memref<32x512xf32, #tpu.memory_space<vmem>>, vector<16xf32>,
        tpu.vector_store %arg18[%swap3A_522, %swap3A_523], %unpack3A_518 {strides = array<i32>} : memref<32x512xf32, #tpu.memory_space<vmem>>, vector<16xf32>,
        %get3A_525 = arith.index_cast %scan3A_436 : i32 to index
        %get3A_526 = arith.constant 64 : index
        %get3A_527 = tpu.vector_load %arg15[%get3A_525, %get3A_526] {strides = array<i32>} : memref<32x256xi32, #tpu.memory_space<vmem>>, vector<16xi32>,
        %bitcast3A_528 = vector.bitcast %get3A_527 : vector<16xi32> to vector<32xbf16>
        %get3A_529 = arith.index_cast %scan3A_436 : i32 to index
        %get3A_530 = arith.constant 80 : index
        %get3A_531 = tpu.vector_load %arg15[%get3A_529, %get3A_530] {strides = array<i32>} : memref<32x256xi32, #tpu.memory_space<vmem>>, vector<16xi32>,
        %bitcast3A_532 = vector.bitcast %get3A_531 : vector<16xi32> to vector<32xbf16>
        %get3A_533 = arith.index_cast %scan3A_436 : i32 to index
        %get3A_534 = arith.constant 96 : index
        %get3A_535 = tpu.vector_load %arg15[%get3A_533, %get3A_534] {strides = array<i32>} : memref<32x256xi32, #tpu.memory_space<vmem>>, vector<16xi32>,
        %bitcast3A_536 = vector.bitcast %get3A_535 : vector<16xi32> to vector<32xbf16>
        %get3A_537 = arith.index_cast %scan3A_436 : i32 to index
        %get3A_538 = arith.constant 112 : index
        %get3A_539 = tpu.vector_load %arg15[%get3A_537, %get3A_538] {strides = array<i32>} : memref<32x256xi32, #tpu.memory_space<vmem>>, vector<16xi32>,
        %bitcast3A_540 = vector.bitcast %get3A_539 : vector<16xi32> to vector<32xbf16>
        %get3A_541 = arith.index_cast %scan3A_436 : i32 to index
        %get3A_542 = arith.constant 64 : index
        %get3A_543 = tpu.vector_load %arg16[%get3A_541, %get3A_542] {strides = array<i32>} : memref<32x256xi32, #tpu.memory_space<vmem>>, vector<16xi32>,
        %bitcast3A_544 = vector.bitcast %get3A_543 : vector<16xi32> to vector<32xbf16>
        %get3A_545 = arith.index_cast %scan3A_436 : i32 to index
        %get3A_546 = arith.constant 80 : index
        %get3A_547 = tpu.vector_load %arg16[%get3A_545, %get3A_546] {strides = array<i32>} : memref<32x256xi32, #tpu.memory_space<vmem>>, vector<16xi32>,
        %bitcast3A_548 = vector.bitcast %get3A_547 : vector<16xi32> to vector<32xbf16>
        %get3A_549 = arith.index_cast %scan3A_436 : i32 to index
        %get3A_550 = arith.constant 96 : index
        %get3A_551 = tpu.vector_load %arg16[%get3A_549, %get3A_550] {strides = array<i32>} : memref<32x256xi32, #tpu.memory_space<vmem>>, vector<16xi32>,
        %bitcast3A_552 = vector.bitcast %get3A_551 : vector<16xi32> to vector<32xbf16>
        %get3A_553 = arith.index_cast %scan3A_436 : i32 to index
        %get3A_554 = arith.constant 112 : index
        %get3A_555 = tpu.vector_load %arg16[%get3A_553, %get3A_554] {strides = array<i32>} : memref<32x256xi32, #tpu.memory_space<vmem>>, vector<16xi32>,
        %bitcast3A_556 = vector.bitcast %get3A_555 : vector<16xi32> to vector<32xbf16>
        %add3A_557 = arith.addf %bitcast3A_528, %bitcast3A_544 : vector<32xbf16>
        %mul3A_558 = arith.mulf %pack3A, %bitcast3A_294 : vector<32xbf16>
        %mul3A_559 = arith.mulf %pack3A_442, %bitcast3A_299 : vector<32xbf16>
        %add3A_560 = arith.addf %mul3A_558, %mul3A_559 : vector<32xbf16>
        %add3A_561 = arith.addf %add3A_557, %add3A_560 : vector<32xbf16>
        %unpack3A_562 = tpu.unpack_subelements %add3A_561, 0 {pack_format = #tpu.pack_format<interleaved>} : vector<32xbf16> -> vector<16xf32>
        %unpack3A_563 = tpu.unpack_subelements %add3A_561, 1 {pack_format = #tpu.pack_format<interleaved>} : vector<32xbf16> -> vector<16xf32>
        %swap3A_564 = arith.index_cast %scan3A_436 : i32 to index
        %swap3A_565 = arith.constant 64 : index
        %swap3A_566 = tpu.vector_load %arg18[%swap3A_564, %swap3A_565] {strides = array<i32>} : memref<32x512xf32, #tpu.memory_space<vmem>>, vector<16xf32>,
        tpu.vector_store %arg18[%swap3A_564, %swap3A_565], %unpack3A_562 {strides = array<i32>} : memref<32x512xf32, #tpu.memory_space<vmem>>, vector<16xf32>,
        %swap3A_567 = arith.index_cast %scan3A_436 : i32 to index
        %swap3A_568 = arith.constant 320 : index
        %swap3A_569 = tpu.vector_load %arg18[%swap3A_567, %swap3A_568] {strides = array<i32>} : memref<32x512xf32, #tpu.memory_space<vmem>>, vector<16xf32>,
        tpu.vector_store %arg18[%swap3A_567, %swap3A_568], %unpack3A_563 {strides = array<i32>} : memref<32x512xf32, #tpu.memory_space<vmem>>, vector<16xf32>,
        %add3A_570 = arith.addf %bitcast3A_532, %bitcast3A_548 : vector<32xbf16>
        %mul3A_571 = arith.mulf %pack3A, %bitcast3A_304 : vector<32xbf16>
        %mul3A_572 = arith.mulf %pack3A_442, %bitcast3A_309 : vector<32xbf16>
        %add3A_573 = arith.addf %mul3A_571, %mul3A_572 : vector<32xbf16>
        %add3A_574 = arith.addf %add3A_570, %add3A_573 : vector<32xbf16>
        %unpack3A_575 = tpu.unpack_subelements %add3A_574, 0 {pack_format = #tpu.pack_format<interleaved>} : vector<32xbf16> -> vector<16xf32>
        %unpack3A_576 = tpu.unpack_subelements %add3A_574, 1 {pack_format = #tpu.pack_format<interleaved>} : vector<32xbf16> -> vector<16xf32>
        %swap3A_577 = arith.index_cast %scan3A_436 : i32 to index
        %swap3A_578 = arith.constant 80 : index
        %swap3A_579 = tpu.vector_load %arg18[%swap3A_577, %swap3A_578] {strides = array<i32>} : memref<32x512xf32, #tpu.memory_space<vmem>>, vector<16xf32>,
        tpu.vector_store %arg18[%swap3A_577, %swap3A_578], %unpack3A_575 {strides = array<i32>} : memref<32x512xf32, #tpu.memory_space<vmem>>, vector<16xf32>,
        %swap3A_580 = arith.index_cast %scan3A_436 : i32 to index
        %swap3A_581 = arith.constant 336 : index
        %swap3A_582 = tpu.vector_load %arg18[%swap3A_580, %swap3A_581] {strides = array<i32>} : memref<32x512xf32, #tpu.memory_space<vmem>>, vector<16xf32>,
        tpu.vector_store %arg18[%swap3A_580, %swap3A_581], %unpack3A_576 {strides = array<i32>} : memref<32x512xf32, #tpu.memory_space<vmem>>, vector<16xf32>,
        %add3A_583 = arith.addf %bitcast3A_536, %bitcast3A_552 : vector<32xbf16>
        %mul3A_584 = arith.mulf %pack3A, %bitcast3A_314 : vector<32xbf16>
        %mul3A_585 = arith.mulf %pack3A_442, %bitcast3A_319 : vector<32xbf16>
        %add3A_586 = arith.addf %mul3A_584, %mul3A_585 : vector<32xbf16>
        %add3A_587 = arith.addf %add3A_583, %add3A_586 : vector<32xbf16>
        %unpack3A_588 = tpu.unpack_subelements %add3A_587, 0 {pack_format = #tpu.pack_format<interleaved>} : vector<32xbf16> -> vector<16xf32>
        %unpack3A_589 = tpu.unpack_subelements %add3A_587, 1 {pack_format = #tpu.pack_format<interleaved>} : vector<32xbf16> -> vector<16xf32>
        %swap3A_590 = arith.index_cast %scan3A_436 : i32 to index
        %swap3A_591 = arith.constant 96 : index
        %swap3A_592 = tpu.vector_load %arg18[%swap3A_590, %swap3A_591] {strides = array<i32>} : memref<32x512xf32, #tpu.memory_space<vmem>>, vector<16xf32>,
        tpu.vector_store %arg18[%swap3A_590, %swap3A_591], %unpack3A_588 {strides = array<i32>} : memref<32x512xf32, #tpu.memory_space<vmem>>, vector<16xf32>,
        %swap3A_593 = arith.index_cast %scan3A_436 : i32 to index
        %swap3A_594 = arith.constant 352 : index
        %swap3A_595 = tpu.vector_load %arg18[%swap3A_593, %swap3A_594] {strides = array<i32>} : memref<32x512xf32, #tpu.memory_space<vmem>>, vector<16xf32>,
        tpu.vector_store %arg18[%swap3A_593, %swap3A_594], %unpack3A_589 {strides = array<i32>} : memref<32x512xf32, #tpu.memory_space<vmem>>, vector<16xf32>,
        %add3A_596 = arith.addf %bitcast3A_540, %bitcast3A_556 : vector<32xbf16>
        %mul3A_597 = arith.mulf %pack3A, %bitcast3A_324 : vector<32xbf16>
        %mul3A_598 = arith.mulf %pack3A_442, %bitcast3A_329 : vector<32xbf16>
        %add3A_599 = arith.addf %mul3A_597, %mul3A_598 : vector<32xbf16>
        %add3A_600 = arith.addf %add3A_596, %add3A_599 : vector<32xbf16>
        %unpack3A_601 = tpu.unpack_subelements %add3A_600, 0 {pack_format = #tpu.pack_format<interleaved>} : vector<32xbf16> -> vector<16xf32>
        %unpack3A_602 = tpu.unpack_subelements %add3A_600, 1 {pack_format = #tpu.pack_format<interleaved>} : vector<32xbf16> -> vector<16xf32>
        %swap3A_603 = arith.index_cast %scan3A_436 : i32 to index
        %swap3A_604 = arith.constant 112 : index
        %swap3A_605 = tpu.vector_load %arg18[%swap3A_603, %swap3A_604] {strides = array<i32>} : memref<32x512xf32, #tpu.memory_space<vmem>>, vector<16xf32>,
        tpu.vector_store %arg18[%swap3A_603, %swap3A_604], %unpack3A_601 {strides = array<i32>} : memref<32x512xf32, #tpu.memory_space<vmem>>, vector<16xf32>,
        %swap3A_606 = arith.index_cast %scan3A_436 : i32 to index
        %swap3A_607 = arith.constant 368 : index
        %swap3A_608 = tpu.vector_load %arg18[%swap3A_606, %swap3A_607] {strides = array<i32>} : memref<32x512xf32, #tpu.memory_space<vmem>>, vector<16xf32>,
        tpu.vector_store %arg18[%swap3A_606, %swap3A_607], %unpack3A_602 {strides = array<i32>} : memref<32x512xf32, #tpu.memory_space<vmem>>, vector<16xf32>,
      }
      %scan3A_335 = arith.constant 32 : i32
      %get3A_336 = arith.constant 0 : i32
      %get3A_337 = arith.index_cast %get3A_336 : i32 to index
      %get3A_338 = arith.constant 128 : index
      %get3A_339 = tpu.vector_load %arg12[%get3A_337, %get3A_338] {strides = array<i32>} : memref<2x256xi32, #tpu.memory_space<vmem>>, vector<16xi32>,
      %bitcast3A_340 = vector.bitcast %get3A_339 : vector<16xi32> to vector<32xbf16>
      %get3A_341 = arith.constant 1 : i32
      %get3A_342 = arith.index_cast %get3A_341 : i32 to index
      %get3A_343 = arith.constant 128 : index
      %get3A_344 = tpu.vector_load %arg12[%get3A_342, %get3A_343] {strides = array<i32>} : memref<2x256xi32, #tpu.memory_space<vmem>>, vector<16xi32>,
      %bitcast3A_345 = vector.bitcast %get3A_344 : vector<16xi32> to vector<32xbf16>
      %get3A_346 = arith.constant 0 : i32
      %get3A_347 = arith.index_cast %get3A_346 : i32 to index
      %get3A_348 = arith.constant 144 : index
      %get3A_349 = tpu.vector_load %arg12[%get3A_347, %get3A_348] {strides = array<i32>} : memref<2x256xi32, #tpu.memory_space<vmem>>, vector<16xi32>,
      %bitcast3A_350 = vector.bitcast %get3A_349 : vector<16xi32> to vector<32xbf16>
      %get3A_351 = arith.constant 1 : i32
      %get3A_352 = arith.index_cast %get3A_351 : i32 to index
      %get3A_353 = arith.constant 144 : index
      %get3A_354 = tpu.vector_load %arg12[%get3A_352, %get3A_353] {strides = array<i32>} : memref<2x256xi32, #tpu.memory_space<vmem>>, vector<16xi32>,
      %bitcast3A_355 = vector.bitcast %get3A_354 : vector<16xi32> to vector<32xbf16>
      %get3A_356 = arith.constant 0 : i32
      %get3A_357 = arith.index_cast %get3A_356 : i32 to index
      %get3A_358 = arith.constant 160 : index
      %get3A_359 = tpu.vector_load %arg12[%get3A_357, %get3A_358] {strides = array<i32>} : memref<2x256xi32, #tpu.memory_space<vmem>>, vector<16xi32>,
      %bitcast3A_360 = vector.bitcast %get3A_359 : vector<16xi32> to vector<32xbf16>
      %get3A_361 = arith.constant 1 : i32
      %get3A_362 = arith.index_cast %get3A_361 : i32 to index
      %get3A_363 = arith.constant 160 : index
      %get3A_364 = tpu.vector_load %arg12[%get3A_362, %get3A_363] {strides = array<i32>} : memref<2x256xi32, #tpu.memory_space<vmem>>, vector<16xi32>,
      %bitcast3A_365 = vector.bitcast %get3A_364 : vector<16xi32> to vector<32xbf16>
      %get3A_366 = arith.constant 0 : i32
      %get3A_367 = arith.index_cast %get3A_366 : i32 to index
      %get3A_368 = arith.constant 176 : index
      %get3A_369 = tpu.vector_load %arg12[%get3A_367, %get3A_368] {strides = array<i32>} : memref<2x256xi32, #tpu.memory_space<vmem>>, vector<16xi32>,
      %bitcast3A_370 = vector.bitcast %get3A_369 : vector<16xi32> to vector<32xbf16>
      %get3A_371 = arith.constant 1 : i32
      %get3A_372 = arith.index_cast %get3A_371 : i32 to index
      %get3A_373 = arith.constant 176 : index
      %get3A_374 = tpu.vector_load %arg12[%get3A_372, %get3A_373] {strides = array<i32>} : memref<2x256xi32, #tpu.memory_space<vmem>>, vector<16xi32>,
      %bitcast3A_375 = vector.bitcast %get3A_374 : vector<16xi32> to vector<32xbf16>
      %get3A_376 = arith.constant 0 : i32
      %get3A_377 = arith.index_cast %get3A_376 : i32 to index
      %get3A_378 = arith.constant 192 : index
      %get3A_379 = tpu.vector_load %arg12[%get3A_377, %get3A_378] {strides = array<i32>} : memref<2x256xi32, #tpu.memory_space<vmem>>, vector<16xi32>,
      %bitcast3A_380 = vector.bitcast %get3A_379 : vector<16xi32> to vector<32xbf16>
      %get3A_381 = arith.constant 1 : i32
      %get3A_382 = arith.index_cast %get3A_381 : i32 to index
      %get3A_383 = arith.constant 192 : index
      %get3A_384 = tpu.vector_load %arg12[%get3A_382, %get3A_383] {strides = array<i32>} : memref<2x256xi32, #tpu.memory_space<vmem>>, vector<16xi32>,
      %bitcast3A_385 = vector.bitcast %get3A_384 : vector<16xi32> to vector<32xbf16>
      %get3A_386 = arith.constant 0 : i32
      %get3A_387 = arith.index_cast %get3A_386 : i32 to index
      %get3A_388 = arith.constant 208 : index
      %get3A_389 = tpu.vector_load %arg12[%get3A_387, %get3A_388] {strides = array<i32>} : memref<2x256xi32, #tpu.memory_space<vmem>>, vector<16xi32>,
      %bitcast3A_390 = vector.bitcast %get3A_389 : vector<16xi32> to vector<32xbf16>
      %get3A_391 = arith.constant 1 : i32
      %get3A_392 = arith.index_cast %get3A_391 : i32 to index
      %get3A_393 = arith.constant 208 : index
      %get3A_394 = tpu.vector_load %arg12[%get3A_392, %get3A_393] {strides = array<i32>} : memref<2x256xi32, #tpu.memory_space<vmem>>, vector<16xi32>,
      %bitcast3A_395 = vector.bitcast %get3A_394 : vector<16xi32> to vector<32xbf16>
      %get3A_396 = arith.constant 0 : i32
      %get3A_397 = arith.index_cast %get3A_396 : i32 to index
      %get3A_398 = arith.constant 224 : index
      %get3A_399 = tpu.vector_load %arg12[%get3A_397, %get3A_398] {strides = array<i32>} : memref<2x256xi32, #tpu.memory_space<vmem>>, vector<16xi32>,
      %bitcast3A_400 = vector.bitcast %get3A_399 : vector<16xi32> to vector<32xbf16>
      %get3A_401 = arith.constant 1 : i32
      %get3A_402 = arith.index_cast %get3A_401 : i32 to index
      %get3A_403 = arith.constant 224 : index
      %get3A_404 = tpu.vector_load %arg12[%get3A_402, %get3A_403] {strides = array<i32>} : memref<2x256xi32, #tpu.memory_space<vmem>>, vector<16xi32>,
      %bitcast3A_405 = vector.bitcast %get3A_404 : vector<16xi32> to vector<32xbf16>
      %get3A_406 = arith.constant 0 : i32
      %get3A_407 = arith.index_cast %get3A_406 : i32 to index
      %get3A_408 = arith.constant 240 : index
      %get3A_409 = tpu.vector_load %arg12[%get3A_407, %get3A_408] {strides = array<i32>} : memref<2x256xi32, #tpu.memory_space<vmem>>, vector<16xi32>,
      %bitcast3A_410 = vector.bitcast %get3A_409 : vector<16xi32> to vector<32xbf16>
      %get3A_411 = arith.constant 1 : i32
      %get3A_412 = arith.index_cast %get3A_411 : i32 to index
      %get3A_413 = arith.constant 240 : index
      %get3A_414 = tpu.vector_load %arg12[%get3A_412, %get3A_413] {strides = array<i32>} : memref<2x256xi32, #tpu.memory_space<vmem>>, vector<16xi32>,
      %bitcast3A_415 = vector.bitcast %get3A_414 : vector<16xi32> to vector<32xbf16>
      %scan3A_416 = arith.constant 0 : i32
      %scan3A_417 = arith.constant 0 : i32
      %scan3A_418 = arith.constant 32 : i32
      %scan3A_419 = arith.addi %scan3A_417, %scan3A_418 : i32
      %scan3A_420 = arith.constant 1 : i32
      scf.for %scan3A_436 = %scan3A_417 to %scan3A_419 step %scan3A_420  : i32 {
        %mul3A_437 = arith.constant 32 : i32
        %mul3A_438 = arith.muli %add3A_249, %mul3A_437 : i32
        %add3A_439 = arith.addi %mul3A_438, %scan3A_436 : i32
        %broadcast_in_dim3A = vector.broadcast %add3A_439 : i32 to vector<16xi32>
        %broadcast_in_dim3A_440 = vector.broadcast %scan3A_436 : i32 to vector<16xi32>
        %gather3A = tpu.vector_load_idx %arg10[%broadcast_in_dim3A] : memref<512xf32, #tpu.memory_space<vmem>>[vector<16xi32>], vector<16xf32>,
        %gather3A_441 = tpu.vector_load_idx %arg11[%broadcast_in_dim3A] : memref<512xf32, #tpu.memory_space<vmem>>[vector<16xi32>], vector<16xf32>,
        %pack3A = tpu.pack_subelements %gather3A, %gather3A {pack_format = #tpu.pack_format<interleaved>, positions = array<i32: 0, 1>} : vector<16xf32>, vector<16xf32> -> vector<32xbf16>
        %pack3A_442 = tpu.pack_subelements %gather3A_441, %gather3A_441 {pack_format = #tpu.pack_format<interleaved>, positions = array<i32: 0, 1>} : vector<16xf32>, vector<16xf32> -> vector<32xbf16>
        %get3A_443 = arith.index_cast %scan3A_436 : i32 to index
        %get3A_444 = arith.constant 128 : index
        %get3A_445 = tpu.vector_load %arg15[%get3A_443, %get3A_444] {strides = array<i32>} : memref<32x256xi32, #tpu.memory_space<vmem>>, vector<16xi32>,
        %bitcast3A_446 = vector.bitcast %get3A_445 : vector<16xi32> to vector<32xbf16>
        %get3A_447 = arith.index_cast %scan3A_436 : i32 to index
        %get3A_448 = arith.constant 144 : index
        %get3A_449 = tpu.vector_load %arg15[%get3A_447, %get3A_448] {strides = array<i32>} : memref<32x256xi32, #tpu.memory_space<vmem>>, vector<16xi32>,
        %bitcast3A_450 = vector.bitcast %get3A_449 : vector<16xi32> to vector<32xbf16>
        %get3A_451 = arith.index_cast %scan3A_436 : i32 to index
        %get3A_452 = arith.constant 160 : index
        %get3A_453 = tpu.vector_load %arg15[%get3A_451, %get3A_452] {strides = array<i32>} : memref<32x256xi32, #tpu.memory_space<vmem>>, vector<16xi32>,
        %bitcast3A_454 = vector.bitcast %get3A_453 : vector<16xi32> to vector<32xbf16>
        %get3A_455 = arith.index_cast %scan3A_436 : i32 to index
        %get3A_456 = arith.constant 176 : index
        %get3A_457 = tpu.vector_load %arg15[%get3A_455, %get3A_456] {strides = array<i32>} : memref<32x256xi32, #tpu.memory_space<vmem>>, vector<16xi32>,
        %bitcast3A_458 = vector.bitcast %get3A_457 : vector<16xi32> to vector<32xbf16>
        %get3A_459 = arith.index_cast %scan3A_436 : i32 to index
        %get3A_460 = arith.constant 128 : index
        %get3A_461 = tpu.vector_load %arg16[%get3A_459, %get3A_460] {strides = array<i32>} : memref<32x256xi32, #tpu.memory_space<vmem>>, vector<16xi32>,
        %bitcast3A_462 = vector.bitcast %get3A_461 : vector<16xi32> to vector<32xbf16>
        %get3A_463 = arith.index_cast %scan3A_436 : i32 to index
        %get3A_464 = arith.constant 144 : index
        %get3A_465 = tpu.vector_load %arg16[%get3A_463, %get3A_464] {strides = array<i32>} : memref<32x256xi32, #tpu.memory_space<vmem>>, vector<16xi32>,
        %bitcast3A_466 = vector.bitcast %get3A_465 : vector<16xi32> to vector<32xbf16>
        %get3A_467 = arith.index_cast %scan3A_436 : i32 to index
        %get3A_468 = arith.constant 160 : index
        %get3A_469 = tpu.vector_load %arg16[%get3A_467, %get3A_468] {strides = array<i32>} : memref<32x256xi32, #tpu.memory_space<vmem>>, vector<16xi32>,
        %bitcast3A_470 = vector.bitcast %get3A_469 : vector<16xi32> to vector<32xbf16>
        %get3A_471 = arith.index_cast %scan3A_436 : i32 to index
        %get3A_472 = arith.constant 176 : index
        %get3A_473 = tpu.vector_load %arg16[%get3A_471, %get3A_472] {strides = array<i32>} : memref<32x256xi32, #tpu.memory_space<vmem>>, vector<16xi32>,
        %bitcast3A_474 = vector.bitcast %get3A_473 : vector<16xi32> to vector<32xbf16>
        %add3A_475 = arith.addf %bitcast3A_446, %bitcast3A_462 : vector<32xbf16>
        %mul3A_476 = arith.mulf %pack3A, %bitcast3A_340 : vector<32xbf16>
        %mul3A_477 = arith.mulf %pack3A_442, %bitcast3A_345 : vector<32xbf16>
        %add3A_478 = arith.addf %mul3A_476, %mul3A_477 : vector<32xbf16>
        %add3A_479 = arith.addf %add3A_475, %add3A_478 : vector<32xbf16>
        %unpack3A = tpu.unpack_subelements %add3A_479, 0 {pack_format = #tpu.pack_format<interleaved>} : vector<32xbf16> -> vector<16xf32>
        %unpack3A_480 = tpu.unpack_subelements %add3A_479, 1 {pack_format = #tpu.pack_format<interleaved>} : vector<32xbf16> -> vector<16xf32>
        %swap3A = arith.index_cast %scan3A_436 : i32 to index
        %swap3A_481 = arith.constant 128 : index
        %swap3A_482 = tpu.vector_load %arg18[%swap3A, %swap3A_481] {strides = array<i32>} : memref<32x512xf32, #tpu.memory_space<vmem>>, vector<16xf32>,
        tpu.vector_store %arg18[%swap3A, %swap3A_481], %unpack3A {strides = array<i32>} : memref<32x512xf32, #tpu.memory_space<vmem>>, vector<16xf32>,
        %swap3A_483 = arith.index_cast %scan3A_436 : i32 to index
        %swap3A_484 = arith.constant 384 : index
        %swap3A_485 = tpu.vector_load %arg18[%swap3A_483, %swap3A_484] {strides = array<i32>} : memref<32x512xf32, #tpu.memory_space<vmem>>, vector<16xf32>,
        tpu.vector_store %arg18[%swap3A_483, %swap3A_484], %unpack3A_480 {strides = array<i32>} : memref<32x512xf32, #tpu.memory_space<vmem>>, vector<16xf32>,
        %add3A_486 = arith.addf %bitcast3A_450, %bitcast3A_466 : vector<32xbf16>
        %mul3A_487 = arith.mulf %pack3A, %bitcast3A_350 : vector<32xbf16>
        %mul3A_488 = arith.mulf %pack3A_442, %bitcast3A_355 : vector<32xbf16>
        %add3A_489 = arith.addf %mul3A_487, %mul3A_488 : vector<32xbf16>
        %add3A_490 = arith.addf %add3A_486, %add3A_489 : vector<32xbf16>
        %unpack3A_491 = tpu.unpack_subelements %add3A_490, 0 {pack_format = #tpu.pack_format<interleaved>} : vector<32xbf16> -> vector<16xf32>
        %unpack3A_492 = tpu.unpack_subelements %add3A_490, 1 {pack_format = #tpu.pack_format<interleaved>} : vector<32xbf16> -> vector<16xf32>
        %swap3A_493 = arith.index_cast %scan3A_436 : i32 to index
        %swap3A_494 = arith.constant 144 : index
        %swap3A_495 = tpu.vector_load %arg18[%swap3A_493, %swap3A_494] {strides = array<i32>} : memref<32x512xf32, #tpu.memory_space<vmem>>, vector<16xf32>,
        tpu.vector_store %arg18[%swap3A_493, %swap3A_494], %unpack3A_491 {strides = array<i32>} : memref<32x512xf32, #tpu.memory_space<vmem>>, vector<16xf32>,
        %swap3A_496 = arith.index_cast %scan3A_436 : i32 to index
        %swap3A_497 = arith.constant 400 : index
        %swap3A_498 = tpu.vector_load %arg18[%swap3A_496, %swap3A_497] {strides = array<i32>} : memref<32x512xf32, #tpu.memory_space<vmem>>, vector<16xf32>,
        tpu.vector_store %arg18[%swap3A_496, %swap3A_497], %unpack3A_492 {strides = array<i32>} : memref<32x512xf32, #tpu.memory_space<vmem>>, vector<16xf32>,
        %add3A_499 = arith.addf %bitcast3A_454, %bitcast3A_470 : vector<32xbf16>
        %mul3A_500 = arith.mulf %pack3A, %bitcast3A_360 : vector<32xbf16>
        %mul3A_501 = arith.mulf %pack3A_442, %bitcast3A_365 : vector<32xbf16>
        %add3A_502 = arith.addf %mul3A_500, %mul3A_501 : vector<32xbf16>
        %add3A_503 = arith.addf %add3A_499, %add3A_502 : vector<32xbf16>
        %unpack3A_504 = tpu.unpack_subelements %add3A_503, 0 {pack_format = #tpu.pack_format<interleaved>} : vector<32xbf16> -> vector<16xf32>
        %unpack3A_505 = tpu.unpack_subelements %add3A_503, 1 {pack_format = #tpu.pack_format<interleaved>} : vector<32xbf16> -> vector<16xf32>
        %swap3A_506 = arith.index_cast %scan3A_436 : i32 to index
        %swap3A_507 = arith.constant 160 : index
        %swap3A_508 = tpu.vector_load %arg18[%swap3A_506, %swap3A_507] {strides = array<i32>} : memref<32x512xf32, #tpu.memory_space<vmem>>, vector<16xf32>,
        tpu.vector_store %arg18[%swap3A_506, %swap3A_507], %unpack3A_504 {strides = array<i32>} : memref<32x512xf32, #tpu.memory_space<vmem>>, vector<16xf32>,
        %swap3A_509 = arith.index_cast %scan3A_436 : i32 to index
        %swap3A_510 = arith.constant 416 : index
        %swap3A_511 = tpu.vector_load %arg18[%swap3A_509, %swap3A_510] {strides = array<i32>} : memref<32x512xf32, #tpu.memory_space<vmem>>, vector<16xf32>,
        tpu.vector_store %arg18[%swap3A_509, %swap3A_510], %unpack3A_505 {strides = array<i32>} : memref<32x512xf32, #tpu.memory_space<vmem>>, vector<16xf32>,
        %add3A_512 = arith.addf %bitcast3A_458, %bitcast3A_474 : vector<32xbf16>
        %mul3A_513 = arith.mulf %pack3A, %bitcast3A_370 : vector<32xbf16>
        %mul3A_514 = arith.mulf %pack3A_442, %bitcast3A_375 : vector<32xbf16>
        %add3A_515 = arith.addf %mul3A_513, %mul3A_514 : vector<32xbf16>
        %add3A_516 = arith.addf %add3A_512, %add3A_515 : vector<32xbf16>
        %unpack3A_517 = tpu.unpack_subelements %add3A_516, 0 {pack_format = #tpu.pack_format<interleaved>} : vector<32xbf16> -> vector<16xf32>
        %unpack3A_518 = tpu.unpack_subelements %add3A_516, 1 {pack_format = #tpu.pack_format<interleaved>} : vector<32xbf16> -> vector<16xf32>
        %swap3A_519 = arith.index_cast %scan3A_436 : i32 to index
        %swap3A_520 = arith.constant 176 : index
        %swap3A_521 = tpu.vector_load %arg18[%swap3A_519, %swap3A_520] {strides = array<i32>} : memref<32x512xf32, #tpu.memory_space<vmem>>, vector<16xf32>,
        tpu.vector_store %arg18[%swap3A_519, %swap3A_520], %unpack3A_517 {strides = array<i32>} : memref<32x512xf32, #tpu.memory_space<vmem>>, vector<16xf32>,
        %swap3A_522 = arith.index_cast %scan3A_436 : i32 to index
        %swap3A_523 = arith.constant 432 : index
        %swap3A_524 = tpu.vector_load %arg18[%swap3A_522, %swap3A_523] {strides = array<i32>} : memref<32x512xf32, #tpu.memory_space<vmem>>, vector<16xf32>,
        tpu.vector_store %arg18[%swap3A_522, %swap3A_523], %unpack3A_518 {strides = array<i32>} : memref<32x512xf32, #tpu.memory_space<vmem>>, vector<16xf32>,
        %get3A_525 = arith.index_cast %scan3A_436 : i32 to index
        %get3A_526 = arith.constant 192 : index
        %get3A_527 = tpu.vector_load %arg15[%get3A_525, %get3A_526] {strides = array<i32>} : memref<32x256xi32, #tpu.memory_space<vmem>>, vector<16xi32>,
        %bitcast3A_528 = vector.bitcast %get3A_527 : vector<16xi32> to vector<32xbf16>
        %get3A_529 = arith.index_cast %scan3A_436 : i32 to index
        %get3A_530 = arith.constant 208 : index
        %get3A_531 = tpu.vector_load %arg15[%get3A_529, %get3A_530] {strides = array<i32>} : memref<32x256xi32, #tpu.memory_space<vmem>>, vector<16xi32>,
        %bitcast3A_532 = vector.bitcast %get3A_531 : vector<16xi32> to vector<32xbf16>
        %get3A_533 = arith.index_cast %scan3A_436 : i32 to index
        %get3A_534 = arith.constant 224 : index
        %get3A_535 = tpu.vector_load %arg15[%get3A_533, %get3A_534] {strides = array<i32>} : memref<32x256xi32, #tpu.memory_space<vmem>>, vector<16xi32>,
        %bitcast3A_536 = vector.bitcast %get3A_535 : vector<16xi32> to vector<32xbf16>
        %get3A_537 = arith.index_cast %scan3A_436 : i32 to index
        %get3A_538 = arith.constant 240 : index
        %get3A_539 = tpu.vector_load %arg15[%get3A_537, %get3A_538] {strides = array<i32>} : memref<32x256xi32, #tpu.memory_space<vmem>>, vector<16xi32>,
        %bitcast3A_540 = vector.bitcast %get3A_539 : vector<16xi32> to vector<32xbf16>
        %get3A_541 = arith.index_cast %scan3A_436 : i32 to index
        %get3A_542 = arith.constant 192 : index
        %get3A_543 = tpu.vector_load %arg16[%get3A_541, %get3A_542] {strides = array<i32>} : memref<32x256xi32, #tpu.memory_space<vmem>>, vector<16xi32>,
        %bitcast3A_544 = vector.bitcast %get3A_543 : vector<16xi32> to vector<32xbf16>
        %get3A_545 = arith.index_cast %scan3A_436 : i32 to index
        %get3A_546 = arith.constant 208 : index
        %get3A_547 = tpu.vector_load %arg16[%get3A_545, %get3A_546] {strides = array<i32>} : memref<32x256xi32, #tpu.memory_space<vmem>>, vector<16xi32>,
        %bitcast3A_548 = vector.bitcast %get3A_547 : vector<16xi32> to vector<32xbf16>
        %get3A_549 = arith.index_cast %scan3A_436 : i32 to index
        %get3A_550 = arith.constant 224 : index
        %get3A_551 = tpu.vector_load %arg16[%get3A_549, %get3A_550] {strides = array<i32>} : memref<32x256xi32, #tpu.memory_space<vmem>>, vector<16xi32>,
        %bitcast3A_552 = vector.bitcast %get3A_551 : vector<16xi32> to vector<32xbf16>
        %get3A_553 = arith.index_cast %scan3A_436 : i32 to index
        %get3A_554 = arith.constant 240 : index
        %get3A_555 = tpu.vector_load %arg16[%get3A_553, %get3A_554] {strides = array<i32>} : memref<32x256xi32, #tpu.memory_space<vmem>>, vector<16xi32>,
        %bitcast3A_556 = vector.bitcast %get3A_555 : vector<16xi32> to vector<32xbf16>
        %add3A_557 = arith.addf %bitcast3A_528, %bitcast3A_544 : vector<32xbf16>
        %mul3A_558 = arith.mulf %pack3A, %bitcast3A_380 : vector<32xbf16>
        %mul3A_559 = arith.mulf %pack3A_442, %bitcast3A_385 : vector<32xbf16>
        %add3A_560 = arith.addf %mul3A_558, %mul3A_559 : vector<32xbf16>
        %add3A_561 = arith.addf %add3A_557, %add3A_560 : vector<32xbf16>
        %unpack3A_562 = tpu.unpack_subelements %add3A_561, 0 {pack_format = #tpu.pack_format<interleaved>} : vector<32xbf16> -> vector<16xf32>
        %unpack3A_563 = tpu.unpack_subelements %add3A_561, 1 {pack_format = #tpu.pack_format<interleaved>} : vector<32xbf16> -> vector<16xf32>
        %swap3A_564 = arith.index_cast %scan3A_436 : i32 to index
        %swap3A_565 = arith.constant 192 : index
        %swap3A_566 = tpu.vector_load %arg18[%swap3A_564, %swap3A_565] {strides = array<i32>} : memref<32x512xf32, #tpu.memory_space<vmem>>, vector<16xf32>,
        tpu.vector_store %arg18[%swap3A_564, %swap3A_565], %unpack3A_562 {strides = array<i32>} : memref<32x512xf32, #tpu.memory_space<vmem>>, vector<16xf32>,
        %swap3A_567 = arith.index_cast %scan3A_436 : i32 to index
        %swap3A_568 = arith.constant 448 : index
        %swap3A_569 = tpu.vector_load %arg18[%swap3A_567, %swap3A_568] {strides = array<i32>} : memref<32x512xf32, #tpu.memory_space<vmem>>, vector<16xf32>,
        tpu.vector_store %arg18[%swap3A_567, %swap3A_568], %unpack3A_563 {strides = array<i32>} : memref<32x512xf32, #tpu.memory_space<vmem>>, vector<16xf32>,
        %add3A_570 = arith.addf %bitcast3A_532, %bitcast3A_548 : vector<32xbf16>
        %mul3A_571 = arith.mulf %pack3A, %bitcast3A_390 : vector<32xbf16>
        %mul3A_572 = arith.mulf %pack3A_442, %bitcast3A_395 : vector<32xbf16>
        %add3A_573 = arith.addf %mul3A_571, %mul3A_572 : vector<32xbf16>
        %add3A_574 = arith.addf %add3A_570, %add3A_573 : vector<32xbf16>
        %unpack3A_575 = tpu.unpack_subelements %add3A_574, 0 {pack_format = #tpu.pack_format<interleaved>} : vector<32xbf16> -> vector<16xf32>
        %unpack3A_576 = tpu.unpack_subelements %add3A_574, 1 {pack_format = #tpu.pack_format<interleaved>} : vector<32xbf16> -> vector<16xf32>
        %swap3A_577 = arith.index_cast %scan3A_436 : i32 to index
        %swap3A_578 = arith.constant 208 : index
        %swap3A_579 = tpu.vector_load %arg18[%swap3A_577, %swap3A_578] {strides = array<i32>} : memref<32x512xf32, #tpu.memory_space<vmem>>, vector<16xf32>,
        tpu.vector_store %arg18[%swap3A_577, %swap3A_578], %unpack3A_575 {strides = array<i32>} : memref<32x512xf32, #tpu.memory_space<vmem>>, vector<16xf32>,
        %swap3A_580 = arith.index_cast %scan3A_436 : i32 to index
        %swap3A_581 = arith.constant 464 : index
        %swap3A_582 = tpu.vector_load %arg18[%swap3A_580, %swap3A_581] {strides = array<i32>} : memref<32x512xf32, #tpu.memory_space<vmem>>, vector<16xf32>,
        tpu.vector_store %arg18[%swap3A_580, %swap3A_581], %unpack3A_576 {strides = array<i32>} : memref<32x512xf32, #tpu.memory_space<vmem>>, vector<16xf32>,
        %add3A_583 = arith.addf %bitcast3A_536, %bitcast3A_552 : vector<32xbf16>
        %mul3A_584 = arith.mulf %pack3A, %bitcast3A_400 : vector<32xbf16>
        %mul3A_585 = arith.mulf %pack3A_442, %bitcast3A_405 : vector<32xbf16>
        %add3A_586 = arith.addf %mul3A_584, %mul3A_585 : vector<32xbf16>
        %add3A_587 = arith.addf %add3A_583, %add3A_586 : vector<32xbf16>
        %unpack3A_588 = tpu.unpack_subelements %add3A_587, 0 {pack_format = #tpu.pack_format<interleaved>} : vector<32xbf16> -> vector<16xf32>
        %unpack3A_589 = tpu.unpack_subelements %add3A_587, 1 {pack_format = #tpu.pack_format<interleaved>} : vector<32xbf16> -> vector<16xf32>
        %swap3A_590 = arith.index_cast %scan3A_436 : i32 to index
        %swap3A_591 = arith.constant 224 : index
        %swap3A_592 = tpu.vector_load %arg18[%swap3A_590, %swap3A_591] {strides = array<i32>} : memref<32x512xf32, #tpu.memory_space<vmem>>, vector<16xf32>,
        tpu.vector_store %arg18[%swap3A_590, %swap3A_591], %unpack3A_588 {strides = array<i32>} : memref<32x512xf32, #tpu.memory_space<vmem>>, vector<16xf32>,
        %swap3A_593 = arith.index_cast %scan3A_436 : i32 to index
        %swap3A_594 = arith.constant 480 : index
        %swap3A_595 = tpu.vector_load %arg18[%swap3A_593, %swap3A_594] {strides = array<i32>} : memref<32x512xf32, #tpu.memory_space<vmem>>, vector<16xf32>,
        tpu.vector_store %arg18[%swap3A_593, %swap3A_594], %unpack3A_589 {strides = array<i32>} : memref<32x512xf32, #tpu.memory_space<vmem>>, vector<16xf32>,
        %add3A_596 = arith.addf %bitcast3A_540, %bitcast3A_556 : vector<32xbf16>
        %mul3A_597 = arith.mulf %pack3A, %bitcast3A_410 : vector<32xbf16>
        %mul3A_598 = arith.mulf %pack3A_442, %bitcast3A_415 : vector<32xbf16>
        %add3A_599 = arith.addf %mul3A_597, %mul3A_598 : vector<32xbf16>
        %add3A_600 = arith.addf %add3A_596, %add3A_599 : vector<32xbf16>
        %unpack3A_601 = tpu.unpack_subelements %add3A_600, 0 {pack_format = #tpu.pack_format<interleaved>} : vector<32xbf16> -> vector<16xf32>
        %unpack3A_602 = tpu.unpack_subelements %add3A_600, 1 {pack_format = #tpu.pack_format<interleaved>} : vector<32xbf16> -> vector<16xf32>
        %swap3A_603 = arith.index_cast %scan3A_436 : i32 to index
        %swap3A_604 = arith.constant 240 : index
        %swap3A_605 = tpu.vector_load %arg18[%swap3A_603, %swap3A_604] {strides = array<i32>} : memref<32x512xf32, #tpu.memory_space<vmem>>, vector<16xf32>,
        tpu.vector_store %arg18[%swap3A_603, %swap3A_604], %unpack3A_601 {strides = array<i32>} : memref<32x512xf32, #tpu.memory_space<vmem>>, vector<16xf32>,
        %swap3A_606 = arith.index_cast %scan3A_436 : i32 to index
        %swap3A_607 = arith.constant 496 : index
        %swap3A_608 = tpu.vector_load %arg18[%swap3A_606, %swap3A_607] {strides = array<i32>} : memref<32x512xf32, #tpu.memory_space<vmem>>, vector<16xf32>,
        tpu.vector_store %arg18[%swap3A_606, %swap3A_607], %unpack3A_602 {strides = array<i32>} : memref<32x512xf32, #tpu.memory_space<vmem>>, vector<16xf32>,
      }
      %scan3A_421 = arith.constant 32 : i32
      %lt3A_422 = arith.constant 7 : i32
      %lt3A_423 = arith.cmpi slt, %scan3A_37, %lt3A_422 : i32
      %convert_element_type3A_424 = arith.extui %lt3A_423 : i1 to i32
      %cond3A_425 = arith.constant 0 : i32
      %cond3A_426 = arith.cmpi ne, %convert_element_type3A_424, %cond3A_425 : i32
      scf.if %cond3A_426 {
        %add3A_436 = arith.constant 3 : i32
        %add3A_437 = arith.addi %mul3A_39, %add3A_436 : i32
        %mul3A_438 = arith.constant 32 : i32
        %mul3A_439 = arith.muli %add3A_437, %mul3A_438 : i32
        %dma_start3A_440 = tpu.memref_slice %arg8[%mul3A_439] : memref<512xi32, #tpu.memory_space<vmem>> -> memref<32xi32, #tpu.memory_space<vmem>>
        %dma_start3A_441 = arith.constant 0 : i32
        %dma_start3A_442 = arith.constant 0 : i32
        %dma_start3A_443 = tpu.memref_slice %arg2[%dma_start3A_441, %dma_start3A_442] : memref<1024x256xi32, #tpu.memory_space<hbm>> -> memref<1024x256xi32, #tpu.memory_space<hbm>>
        tpu.enqueue_indirect_dma source(%dma_start3A_443 : memref<1024x256xi32, #tpu.memory_space<hbm>>) target(%arg15 : memref<32x256xi32, #tpu.memory_space<vmem>>) offsets(%dma_start3A_440 : memref<32xi32, #tpu.memory_space<vmem>>) semaphore(%arg20 : memref<!tpu.dma_semaphore, #tpu.memory_space<semaphore_mem>>)
        %mul3A_444 = arith.constant 32 : i32
        %mul3A_445 = arith.muli %add3A_437, %mul3A_444 : i32
        %dma_start3A_446 = tpu.memref_slice %arg9[%mul3A_445] : memref<512xi32, #tpu.memory_space<vmem>> -> memref<32xi32, #tpu.memory_space<vmem>>
        %dma_start3A_447 = arith.constant 0 : i32
        %dma_start3A_448 = arith.constant 0 : i32
        %dma_start3A_449 = tpu.memref_slice %arg3[%dma_start3A_447, %dma_start3A_448] : memref<1024x256xi32, #tpu.memory_space<hbm>> -> memref<1024x256xi32, #tpu.memory_space<hbm>>
        tpu.enqueue_indirect_dma source(%dma_start3A_449 : memref<1024x256xi32, #tpu.memory_space<hbm>>) target(%arg16 : memref<32x256xi32, #tpu.memory_space<vmem>>) offsets(%dma_start3A_446 : memref<32xi32, #tpu.memory_space<vmem>>) semaphore(%arg20 : memref<!tpu.dma_semaphore, #tpu.memory_space<semaphore_mem>>)
      } else {
      }
      %add3A_427 = arith.constant 1 : i32
      %add3A_428 = arith.addi %mul3A_39, %add3A_427 : i32
      %mul3A_429 = arith.constant 32 : i32
      %mul3A_430 = arith.muli %add3A_428, %mul3A_429 : i32
      %add3A_431 = arith.addi %mul3A_2, %mul3A_430 : i32
      %dma_start3A_432 = arith.constant 0 : i32
      %dma_start3A_433 = tpu.memref_slice %arg7[%add3A_431, %dma_start3A_432] : memref<16384x512xf32, #tpu.memory_space<hbm>> -> memref<32x512xf32, #tpu.memory_space<hbm>>
      %dma_start3A_434 = arith.constant 0 : i32
      %dma_start3A_435 = tpu.memref_slice %arg7[%add3A_431, %dma_start3A_434] : memref<16384x512xf32, #tpu.memory_space<hbm>> -> memref<32x512xf32, #tpu.memory_space<hbm>>
      tpu.enqueue_dma source(%arg18 : memref<32x512xf32, #tpu.memory_space<vmem>>) target(%dma_start3A_435 : memref<32x512xf32, #tpu.memory_space<hbm>>) target_semaphore(%arg22 : memref<!tpu.dma_semaphore, #tpu.memory_space<semaphore_mem>>)
    }
    %scan3A_29 = arith.constant 8 : i32
    %dma_wait3A = arith.constant 0 : i32
    %dma_wait3A_30 = tpu.memref_slice %arg7[%mul3A_2, %dma_wait3A] : memref<16384x512xf32, #tpu.memory_space<hbm>> -> memref<32x512xf32, #tpu.memory_space<hbm>>
    %dma_wait3A_31 = arith.constant 0 : i32
    %dma_wait3A_32 = tpu.memref_slice %arg7[%mul3A_2, %dma_wait3A_31] : memref<16384x512xf32, #tpu.memory_space<hbm>> -> memref<32x512xf32, #tpu.memory_space<hbm>>
    tpu.wait_dma2 semaphore(%arg21 : memref<!tpu.dma_semaphore, #tpu.memory_space<semaphore_mem>>) src(%arg17 : memref<32x512xf32, #tpu.memory_space<vmem>>) dst(%dma_wait3A_32 : memref<32x512xf32, #tpu.memory_space<hbm>>)
    %dma_wait3A_33 = arith.constant 0 : i32
    %dma_wait3A_34 = tpu.memref_slice %arg7[%mul3A_2, %dma_wait3A_33] : memref<16384x512xf32, #tpu.memory_space<hbm>> -> memref<32x512xf32, #tpu.memory_space<hbm>>
    %dma_wait3A_35 = arith.constant 0 : i32
    %dma_wait3A_36 = tpu.memref_slice %arg7[%mul3A_2, %dma_wait3A_35] : memref<16384x512xf32, #tpu.memory_space<hbm>> -> memref<32x512xf32, #tpu.memory_space<hbm>>
    tpu.wait_dma2 semaphore(%arg22 : memref<!tpu.dma_semaphore, #tpu.memory_space<semaphore_mem>>) src(%arg18 : memref<32x512xf32, #tpu.memory_space<vmem>>) dst(%dma_wait3A_36 : memref<32x512xf32, #tpu.memory_space<hbm>>)
    return
  }
}

module attributes {stable_mosaic.version = 14 : i64} {
  func.func @_fold_body(%arg0: memref<20x64xf32, #tpu.memory_space<vmem>>, %arg1: memref<20x64xf32, #tpu.memory_space<vmem>>, %arg2: memref<8x64xf32, #tpu.memory_space<vmem>>, %arg3: memref<1x64xf32, #tpu.memory_space<vmem>>, %arg4: memref<20x16384xf32, #tpu.memory_space<vmem>>, %arg5: memref<1344x512xf32, #tpu.memory_space<vmem>>, %arg6: memref<1x512xf32, #tpu.memory_space<vmem>>, %arg7: memref<1024x256xi32, #tpu.memory_space<vmem>>, %arg8: memref<1024x256xi32, #tpu.memory_space<vmem>>, %arg9: memref<8x256xi32, #tpu.memory_space<vmem>>, %arg10: memref<8x16384xi32, #tpu.memory_space<vmem>>) attributes {dimension_semantics = [], scalar_prefetch = 0 : i64, scratch_operands = 0 : i64, tpu.core_type = #tpu.core_type<tc>} {
    %get3A = arith.constant 0 : index
    %get3A_0 = arith.constant 0 : index
    %get3A_1 = vector.load %arg6[%get3A, %get3A_0] : memref<1x512xf32, #tpu.memory_space<vmem>>, vector<1x256xf32>
    %get3A_2 = arith.constant 0 : index
    %get3A_3 = arith.constant 256 : index
    %get3A_4 = vector.load %arg6[%get3A_2, %get3A_3] : memref<1x512xf32, #tpu.memory_space<vmem>>, vector<1x256xf32>
    %get3A_5 = arith.constant 0 : index
    %get3A_6 = arith.constant 0 : index
    %get3A_7 = vector.load %arg5[%get3A_5, %get3A_6] : memref<1344x512xf32, #tpu.memory_space<vmem>>, vector<64x512xf32>
    %slice3A = vector.extract_strided_slice %get3A_7 {offsets = [0, 0], sizes = [64, 256], strides = [1, 1]} : vector<64x512xf32> to vector<64x256xf32>
    %get3A_8 = arith.constant 0 : index
    %get3A_9 = arith.constant 0 : index
    %get3A_10 = vector.load %arg0[%get3A_8, %get3A_9] : memref<20x64xf32, #tpu.memory_space<vmem>>, vector<1x64xf32>
    %get3A_11 = arith.constant 0 : index
    %get3A_12 = arith.constant 0 : index
    %get3A_13 = vector.load %arg1[%get3A_11, %get3A_12] : memref<20x64xf32, #tpu.memory_space<vmem>>, vector<1x64xf32>
    %sub3A = arith.subf %get3A_13, %get3A_10 : vector<1x64xf32>
    %dot_general3A = arith.constant dense<0.000000e+00> : vector<1x256xf32>
    %dot_general3A_14 = tpu.matmul %get3A_10, %slice3A, %dot_general3A {dimension_numbers = #tpu.dot_dimension_numbers<[1], [0], [0], [1], [0, 0, 1, 1], [], []>, transpose_lhs_hint = false} : vector<1x64xf32>, vector<64x256xf32>, vector<1x256xf32> -> vector<1x256xf32>
    %add3A = arith.addf %get3A_1, %dot_general3A_14 : vector<1x256xf32>
    %dot_general3A_15 = arith.constant dense<0.000000e+00> : vector<1x256xf32>
    %dot_general3A_16 = tpu.matmul %sub3A, %slice3A, %dot_general3A_15 {dimension_numbers = #tpu.dot_dimension_numbers<[1], [0], [0], [1], [0, 0, 1, 1], [], []>, transpose_lhs_hint = false} : vector<1x64xf32>, vector<64x256xf32>, vector<1x256xf32> -> vector<1x256xf32>
    %slice3A_17 = vector.extract_strided_slice %get3A_7 {offsets = [0, 256], sizes = [64, 256], strides = [1, 1]} : vector<64x512xf32> to vector<64x256xf32>
    %get3A_18 = arith.constant 0 : index
    %get3A_19 = arith.constant 0 : index
    %get3A_20 = vector.load %arg0[%get3A_18, %get3A_19] : memref<20x64xf32, #tpu.memory_space<vmem>>, vector<1x64xf32>
    %get3A_21 = arith.constant 0 : index
    %get3A_22 = arith.constant 0 : index
    %get3A_23 = vector.load %arg1[%get3A_21, %get3A_22] : memref<20x64xf32, #tpu.memory_space<vmem>>, vector<1x64xf32>
    %sub3A_24 = arith.subf %get3A_23, %get3A_20 : vector<1x64xf32>
    %dot_general3A_25 = arith.constant dense<0.000000e+00> : vector<1x256xf32>
    %dot_general3A_26 = tpu.matmul %get3A_20, %slice3A_17, %dot_general3A_25 {dimension_numbers = #tpu.dot_dimension_numbers<[1], [0], [0], [1], [0, 0, 1, 1], [], []>, transpose_lhs_hint = false} : vector<1x64xf32>, vector<64x256xf32>, vector<1x256xf32> -> vector<1x256xf32>
    %add3A_27 = arith.addf %get3A_4, %dot_general3A_26 : vector<1x256xf32>
    %dot_general3A_28 = arith.constant dense<0.000000e+00> : vector<1x256xf32>
    %dot_general3A_29 = tpu.matmul %sub3A_24, %slice3A_17, %dot_general3A_28 {dimension_numbers = #tpu.dot_dimension_numbers<[1], [0], [0], [1], [0, 0, 1, 1], [], []>, transpose_lhs_hint = false} : vector<1x64xf32>, vector<64x256xf32>, vector<1x256xf32> -> vector<1x256xf32>
    %get3A_30 = arith.constant 64 : index
    %get3A_31 = arith.constant 0 : index
    %get3A_32 = vector.load %arg5[%get3A_30, %get3A_31] : memref<1344x512xf32, #tpu.memory_space<vmem>>, vector<64x512xf32>
    %slice3A_33 = vector.extract_strided_slice %get3A_32 {offsets = [0, 0], sizes = [64, 256], strides = [1, 1]} : vector<64x512xf32> to vector<64x256xf32>
    %get3A_34 = arith.constant 1 : index
    %get3A_35 = arith.constant 0 : index
    %get3A_36 = vector.load %arg0[%get3A_34, %get3A_35] : memref<20x64xf32, #tpu.memory_space<vmem>>, vector<1x64xf32>
    %get3A_37 = arith.constant 1 : index
    %get3A_38 = arith.constant 0 : index
    %get3A_39 = vector.load %arg1[%get3A_37, %get3A_38] : memref<20x64xf32, #tpu.memory_space<vmem>>, vector<1x64xf32>
    %sub3A_40 = arith.subf %get3A_39, %get3A_36 : vector<1x64xf32>
    %dot_general3A_41 = arith.constant dense<0.000000e+00> : vector<1x256xf32>
    %dot_general3A_42 = tpu.matmul %get3A_36, %slice3A_33, %dot_general3A_41 {dimension_numbers = #tpu.dot_dimension_numbers<[1], [0], [0], [1], [0, 0, 1, 1], [], []>, transpose_lhs_hint = false} : vector<1x64xf32>, vector<64x256xf32>, vector<1x256xf32> -> vector<1x256xf32>
    %add3A_43 = arith.addf %add3A, %dot_general3A_42 : vector<1x256xf32>
    %dot_general3A_44 = arith.constant dense<0.000000e+00> : vector<1x256xf32>
    %dot_general3A_45 = tpu.matmul %sub3A_40, %slice3A_33, %dot_general3A_44 {dimension_numbers = #tpu.dot_dimension_numbers<[1], [0], [0], [1], [0, 0, 1, 1], [], []>, transpose_lhs_hint = false} : vector<1x64xf32>, vector<64x256xf32>, vector<1x256xf32> -> vector<1x256xf32>
    %slice3A_46 = vector.extract_strided_slice %get3A_32 {offsets = [0, 256], sizes = [64, 256], strides = [1, 1]} : vector<64x512xf32> to vector<64x256xf32>
    %get3A_47 = arith.constant 1 : index
    %get3A_48 = arith.constant 0 : index
    %get3A_49 = vector.load %arg0[%get3A_47, %get3A_48] : memref<20x64xf32, #tpu.memory_space<vmem>>, vector<1x64xf32>
    %get3A_50 = arith.constant 1 : index
    %get3A_51 = arith.constant 0 : index
    %get3A_52 = vector.load %arg1[%get3A_50, %get3A_51] : memref<20x64xf32, #tpu.memory_space<vmem>>, vector<1x64xf32>
    %sub3A_53 = arith.subf %get3A_52, %get3A_49 : vector<1x64xf32>
    %dot_general3A_54 = arith.constant dense<0.000000e+00> : vector<1x256xf32>
    %dot_general3A_55 = tpu.matmul %get3A_49, %slice3A_46, %dot_general3A_54 {dimension_numbers = #tpu.dot_dimension_numbers<[1], [0], [0], [1], [0, 0, 1, 1], [], []>, transpose_lhs_hint = false} : vector<1x64xf32>, vector<64x256xf32>, vector<1x256xf32> -> vector<1x256xf32>
    %add3A_56 = arith.addf %add3A_27, %dot_general3A_55 : vector<1x256xf32>
    %dot_general3A_57 = arith.constant dense<0.000000e+00> : vector<1x256xf32>
    %dot_general3A_58 = tpu.matmul %sub3A_53, %slice3A_46, %dot_general3A_57 {dimension_numbers = #tpu.dot_dimension_numbers<[1], [0], [0], [1], [0, 0, 1, 1], [], []>, transpose_lhs_hint = false} : vector<1x64xf32>, vector<64x256xf32>, vector<1x256xf32> -> vector<1x256xf32>
    %get3A_59 = arith.constant 128 : index
    %get3A_60 = arith.constant 0 : index
    %get3A_61 = vector.load %arg5[%get3A_59, %get3A_60] : memref<1344x512xf32, #tpu.memory_space<vmem>>, vector<64x512xf32>
    %slice3A_62 = vector.extract_strided_slice %get3A_61 {offsets = [0, 0], sizes = [64, 256], strides = [1, 1]} : vector<64x512xf32> to vector<64x256xf32>
    %get3A_63 = arith.constant 2 : index
    %get3A_64 = arith.constant 0 : index
    %get3A_65 = vector.load %arg0[%get3A_63, %get3A_64] : memref<20x64xf32, #tpu.memory_space<vmem>>, vector<1x64xf32>
    %get3A_66 = arith.constant 2 : index
    %get3A_67 = arith.constant 0 : index
    %get3A_68 = vector.load %arg1[%get3A_66, %get3A_67] : memref<20x64xf32, #tpu.memory_space<vmem>>, vector<1x64xf32>
    %sub3A_69 = arith.subf %get3A_68, %get3A_65 : vector<1x64xf32>
    %dot_general3A_70 = arith.constant dense<0.000000e+00> : vector<1x256xf32>
    %dot_general3A_71 = tpu.matmul %get3A_65, %slice3A_62, %dot_general3A_70 {dimension_numbers = #tpu.dot_dimension_numbers<[1], [0], [0], [1], [0, 0, 1, 1], [], []>, transpose_lhs_hint = false} : vector<1x64xf32>, vector<64x256xf32>, vector<1x256xf32> -> vector<1x256xf32>
    %add3A_72 = arith.addf %add3A_43, %dot_general3A_71 : vector<1x256xf32>
    %dot_general3A_73 = arith.constant dense<0.000000e+00> : vector<1x256xf32>
    %dot_general3A_74 = tpu.matmul %sub3A_69, %slice3A_62, %dot_general3A_73 {dimension_numbers = #tpu.dot_dimension_numbers<[1], [0], [0], [1], [0, 0, 1, 1], [], []>, transpose_lhs_hint = false} : vector<1x64xf32>, vector<64x256xf32>, vector<1x256xf32> -> vector<1x256xf32>
    %slice3A_75 = vector.extract_strided_slice %get3A_61 {offsets = [0, 256], sizes = [64, 256], strides = [1, 1]} : vector<64x512xf32> to vector<64x256xf32>
    %get3A_76 = arith.constant 2 : index
    %get3A_77 = arith.constant 0 : index
    %get3A_78 = vector.load %arg0[%get3A_76, %get3A_77] : memref<20x64xf32, #tpu.memory_space<vmem>>, vector<1x64xf32>
    %get3A_79 = arith.constant 2 : index
    %get3A_80 = arith.constant 0 : index
    %get3A_81 = vector.load %arg1[%get3A_79, %get3A_80] : memref<20x64xf32, #tpu.memory_space<vmem>>, vector<1x64xf32>
    %sub3A_82 = arith.subf %get3A_81, %get3A_78 : vector<1x64xf32>
    %dot_general3A_83 = arith.constant dense<0.000000e+00> : vector<1x256xf32>
    %dot_general3A_84 = tpu.matmul %get3A_78, %slice3A_75, %dot_general3A_83 {dimension_numbers = #tpu.dot_dimension_numbers<[1], [0], [0], [1], [0, 0, 1, 1], [], []>, transpose_lhs_hint = false} : vector<1x64xf32>, vector<64x256xf32>, vector<1x256xf32> -> vector<1x256xf32>
    %add3A_85 = arith.addf %add3A_56, %dot_general3A_84 : vector<1x256xf32>
    %dot_general3A_86 = arith.constant dense<0.000000e+00> : vector<1x256xf32>
    %dot_general3A_87 = tpu.matmul %sub3A_82, %slice3A_75, %dot_general3A_86 {dimension_numbers = #tpu.dot_dimension_numbers<[1], [0], [0], [1], [0, 0, 1, 1], [], []>, transpose_lhs_hint = false} : vector<1x64xf32>, vector<64x256xf32>, vector<1x256xf32> -> vector<1x256xf32>
    %get3A_88 = arith.constant 192 : index
    %get3A_89 = arith.constant 0 : index
    %get3A_90 = vector.load %arg5[%get3A_88, %get3A_89] : memref<1344x512xf32, #tpu.memory_space<vmem>>, vector<64x512xf32>
    %slice3A_91 = vector.extract_strided_slice %get3A_90 {offsets = [0, 0], sizes = [64, 256], strides = [1, 1]} : vector<64x512xf32> to vector<64x256xf32>
    %get3A_92 = arith.constant 3 : index
    %get3A_93 = arith.constant 0 : index
    %get3A_94 = vector.load %arg0[%get3A_92, %get3A_93] : memref<20x64xf32, #tpu.memory_space<vmem>>, vector<1x64xf32>
    %get3A_95 = arith.constant 3 : index
    %get3A_96 = arith.constant 0 : index
    %get3A_97 = vector.load %arg1[%get3A_95, %get3A_96] : memref<20x64xf32, #tpu.memory_space<vmem>>, vector<1x64xf32>
    %sub3A_98 = arith.subf %get3A_97, %get3A_94 : vector<1x64xf32>
    %dot_general3A_99 = arith.constant dense<0.000000e+00> : vector<1x256xf32>
    %dot_general3A_100 = tpu.matmul %get3A_94, %slice3A_91, %dot_general3A_99 {dimension_numbers = #tpu.dot_dimension_numbers<[1], [0], [0], [1], [0, 0, 1, 1], [], []>, transpose_lhs_hint = false} : vector<1x64xf32>, vector<64x256xf32>, vector<1x256xf32> -> vector<1x256xf32>
    %add3A_101 = arith.addf %add3A_72, %dot_general3A_100 : vector<1x256xf32>
    %dot_general3A_102 = arith.constant dense<0.000000e+00> : vector<1x256xf32>
    %dot_general3A_103 = tpu.matmul %sub3A_98, %slice3A_91, %dot_general3A_102 {dimension_numbers = #tpu.dot_dimension_numbers<[1], [0], [0], [1], [0, 0, 1, 1], [], []>, transpose_lhs_hint = false} : vector<1x64xf32>, vector<64x256xf32>, vector<1x256xf32> -> vector<1x256xf32>
    %slice3A_104 = vector.extract_strided_slice %get3A_90 {offsets = [0, 256], sizes = [64, 256], strides = [1, 1]} : vector<64x512xf32> to vector<64x256xf32>
    %get3A_105 = arith.constant 3 : index
    %get3A_106 = arith.constant 0 : index
    %get3A_107 = vector.load %arg0[%get3A_105, %get3A_106] : memref<20x64xf32, #tpu.memory_space<vmem>>, vector<1x64xf32>
    %get3A_108 = arith.constant 3 : index
    %get3A_109 = arith.constant 0 : index
    %get3A_110 = vector.load %arg1[%get3A_108, %get3A_109] : memref<20x64xf32, #tpu.memory_space<vmem>>, vector<1x64xf32>
    %sub3A_111 = arith.subf %get3A_110, %get3A_107 : vector<1x64xf32>
    %dot_general3A_112 = arith.constant dense<0.000000e+00> : vector<1x256xf32>
    %dot_general3A_113 = tpu.matmul %get3A_107, %slice3A_104, %dot_general3A_112 {dimension_numbers = #tpu.dot_dimension_numbers<[1], [0], [0], [1], [0, 0, 1, 1], [], []>, transpose_lhs_hint = false} : vector<1x64xf32>, vector<64x256xf32>, vector<1x256xf32> -> vector<1x256xf32>
    %add3A_114 = arith.addf %add3A_85, %dot_general3A_113 : vector<1x256xf32>
    %dot_general3A_115 = arith.constant dense<0.000000e+00> : vector<1x256xf32>
    %dot_general3A_116 = tpu.matmul %sub3A_111, %slice3A_104, %dot_general3A_115 {dimension_numbers = #tpu.dot_dimension_numbers<[1], [0], [0], [1], [0, 0, 1, 1], [], []>, transpose_lhs_hint = false} : vector<1x64xf32>, vector<64x256xf32>, vector<1x256xf32> -> vector<1x256xf32>
    %get3A_117 = arith.constant 256 : index
    %get3A_118 = arith.constant 0 : index
    %get3A_119 = vector.load %arg5[%get3A_117, %get3A_118] : memref<1344x512xf32, #tpu.memory_space<vmem>>, vector<64x512xf32>
    %slice3A_120 = vector.extract_strided_slice %get3A_119 {offsets = [0, 0], sizes = [64, 256], strides = [1, 1]} : vector<64x512xf32> to vector<64x256xf32>
    %get3A_121 = arith.constant 4 : index
    %get3A_122 = arith.constant 0 : index
    %get3A_123 = vector.load %arg0[%get3A_121, %get3A_122] : memref<20x64xf32, #tpu.memory_space<vmem>>, vector<1x64xf32>
    %get3A_124 = arith.constant 4 : index
    %get3A_125 = arith.constant 0 : index
    %get3A_126 = vector.load %arg1[%get3A_124, %get3A_125] : memref<20x64xf32, #tpu.memory_space<vmem>>, vector<1x64xf32>
    %sub3A_127 = arith.subf %get3A_126, %get3A_123 : vector<1x64xf32>
    %dot_general3A_128 = arith.constant dense<0.000000e+00> : vector<1x256xf32>
    %dot_general3A_129 = tpu.matmul %get3A_123, %slice3A_120, %dot_general3A_128 {dimension_numbers = #tpu.dot_dimension_numbers<[1], [0], [0], [1], [0, 0, 1, 1], [], []>, transpose_lhs_hint = false} : vector<1x64xf32>, vector<64x256xf32>, vector<1x256xf32> -> vector<1x256xf32>
    %add3A_130 = arith.addf %add3A_101, %dot_general3A_129 : vector<1x256xf32>
    %dot_general3A_131 = arith.constant dense<0.000000e+00> : vector<1x256xf32>
    %dot_general3A_132 = tpu.matmul %sub3A_127, %slice3A_120, %dot_general3A_131 {dimension_numbers = #tpu.dot_dimension_numbers<[1], [0], [0], [1], [0, 0, 1, 1], [], []>, transpose_lhs_hint = false} : vector<1x64xf32>, vector<64x256xf32>, vector<1x256xf32> -> vector<1x256xf32>
    %slice3A_133 = vector.extract_strided_slice %get3A_119 {offsets = [0, 256], sizes = [64, 256], strides = [1, 1]} : vector<64x512xf32> to vector<64x256xf32>
    %get3A_134 = arith.constant 4 : index
    %get3A_135 = arith.constant 0 : index
    %get3A_136 = vector.load %arg0[%get3A_134, %get3A_135] : memref<20x64xf32, #tpu.memory_space<vmem>>, vector<1x64xf32>
    %get3A_137 = arith.constant 4 : index
    %get3A_138 = arith.constant 0 : index
    %get3A_139 = vector.load %arg1[%get3A_137, %get3A_138] : memref<20x64xf32, #tpu.memory_space<vmem>>, vector<1x64xf32>
    %sub3A_140 = arith.subf %get3A_139, %get3A_136 : vector<1x64xf32>
    %dot_general3A_141 = arith.constant dense<0.000000e+00> : vector<1x256xf32>
    %dot_general3A_142 = tpu.matmul %get3A_136, %slice3A_133, %dot_general3A_141 {dimension_numbers = #tpu.dot_dimension_numbers<[1], [0], [0], [1], [0, 0, 1, 1], [], []>, transpose_lhs_hint = false} : vector<1x64xf32>, vector<64x256xf32>, vector<1x256xf32> -> vector<1x256xf32>
    %add3A_143 = arith.addf %add3A_114, %dot_general3A_142 : vector<1x256xf32>
    %dot_general3A_144 = arith.constant dense<0.000000e+00> : vector<1x256xf32>
    %dot_general3A_145 = tpu.matmul %sub3A_140, %slice3A_133, %dot_general3A_144 {dimension_numbers = #tpu.dot_dimension_numbers<[1], [0], [0], [1], [0, 0, 1, 1], [], []>, transpose_lhs_hint = false} : vector<1x64xf32>, vector<64x256xf32>, vector<1x256xf32> -> vector<1x256xf32>
    %get3A_146 = arith.constant 320 : index
    %get3A_147 = arith.constant 0 : index
    %get3A_148 = vector.load %arg5[%get3A_146, %get3A_147] : memref<1344x512xf32, #tpu.memory_space<vmem>>, vector<64x512xf32>
    %slice3A_149 = vector.extract_strided_slice %get3A_148 {offsets = [0, 0], sizes = [64, 256], strides = [1, 1]} : vector<64x512xf32> to vector<64x256xf32>
    %get3A_150 = arith.constant 5 : index
    %get3A_151 = arith.constant 0 : index
    %get3A_152 = vector.load %arg0[%get3A_150, %get3A_151] : memref<20x64xf32, #tpu.memory_space<vmem>>, vector<1x64xf32>
    %get3A_153 = arith.constant 5 : index
    %get3A_154 = arith.constant 0 : index
    %get3A_155 = vector.load %arg1[%get3A_153, %get3A_154] : memref<20x64xf32, #tpu.memory_space<vmem>>, vector<1x64xf32>
    %sub3A_156 = arith.subf %get3A_155, %get3A_152 : vector<1x64xf32>
    %dot_general3A_157 = arith.constant dense<0.000000e+00> : vector<1x256xf32>
    %dot_general3A_158 = tpu.matmul %get3A_152, %slice3A_149, %dot_general3A_157 {dimension_numbers = #tpu.dot_dimension_numbers<[1], [0], [0], [1], [0, 0, 1, 1], [], []>, transpose_lhs_hint = false} : vector<1x64xf32>, vector<64x256xf32>, vector<1x256xf32> -> vector<1x256xf32>
    %add3A_159 = arith.addf %add3A_130, %dot_general3A_158 : vector<1x256xf32>
    %dot_general3A_160 = arith.constant dense<0.000000e+00> : vector<1x256xf32>
    %dot_general3A_161 = tpu.matmul %sub3A_156, %slice3A_149, %dot_general3A_160 {dimension_numbers = #tpu.dot_dimension_numbers<[1], [0], [0], [1], [0, 0, 1, 1], [], []>, transpose_lhs_hint = false} : vector<1x64xf32>, vector<64x256xf32>, vector<1x256xf32> -> vector<1x256xf32>
    %slice3A_162 = vector.extract_strided_slice %get3A_148 {offsets = [0, 256], sizes = [64, 256], strides = [1, 1]} : vector<64x512xf32> to vector<64x256xf32>
    %get3A_163 = arith.constant 5 : index
    %get3A_164 = arith.constant 0 : index
    %get3A_165 = vector.load %arg0[%get3A_163, %get3A_164] : memref<20x64xf32, #tpu.memory_space<vmem>>, vector<1x64xf32>
    %get3A_166 = arith.constant 5 : index
    %get3A_167 = arith.constant 0 : index
    %get3A_168 = vector.load %arg1[%get3A_166, %get3A_167] : memref<20x64xf32, #tpu.memory_space<vmem>>, vector<1x64xf32>
    %sub3A_169 = arith.subf %get3A_168, %get3A_165 : vector<1x64xf32>
    %dot_general3A_170 = arith.constant dense<0.000000e+00> : vector<1x256xf32>
    %dot_general3A_171 = tpu.matmul %get3A_165, %slice3A_162, %dot_general3A_170 {dimension_numbers = #tpu.dot_dimension_numbers<[1], [0], [0], [1], [0, 0, 1, 1], [], []>, transpose_lhs_hint = false} : vector<1x64xf32>, vector<64x256xf32>, vector<1x256xf32> -> vector<1x256xf32>
    %add3A_172 = arith.addf %add3A_143, %dot_general3A_171 : vector<1x256xf32>
    %dot_general3A_173 = arith.constant dense<0.000000e+00> : vector<1x256xf32>
    %dot_general3A_174 = tpu.matmul %sub3A_169, %slice3A_162, %dot_general3A_173 {dimension_numbers = #tpu.dot_dimension_numbers<[1], [0], [0], [1], [0, 0, 1, 1], [], []>, transpose_lhs_hint = false} : vector<1x64xf32>, vector<64x256xf32>, vector<1x256xf32> -> vector<1x256xf32>
    %get3A_175 = arith.constant 384 : index
    %get3A_176 = arith.constant 0 : index
    %get3A_177 = vector.load %arg5[%get3A_175, %get3A_176] : memref<1344x512xf32, #tpu.memory_space<vmem>>, vector<64x512xf32>
    %slice3A_178 = vector.extract_strided_slice %get3A_177 {offsets = [0, 0], sizes = [64, 256], strides = [1, 1]} : vector<64x512xf32> to vector<64x256xf32>
    %get3A_179 = arith.constant 6 : index
    %get3A_180 = arith.constant 0 : index
    %get3A_181 = vector.load %arg0[%get3A_179, %get3A_180] : memref<20x64xf32, #tpu.memory_space<vmem>>, vector<1x64xf32>
    %get3A_182 = arith.constant 6 : index
    %get3A_183 = arith.constant 0 : index
    %get3A_184 = vector.load %arg1[%get3A_182, %get3A_183] : memref<20x64xf32, #tpu.memory_space<vmem>>, vector<1x64xf32>
    %sub3A_185 = arith.subf %get3A_184, %get3A_181 : vector<1x64xf32>
    %dot_general3A_186 = arith.constant dense<0.000000e+00> : vector<1x256xf32>
    %dot_general3A_187 = tpu.matmul %get3A_181, %slice3A_178, %dot_general3A_186 {dimension_numbers = #tpu.dot_dimension_numbers<[1], [0], [0], [1], [0, 0, 1, 1], [], []>, transpose_lhs_hint = false} : vector<1x64xf32>, vector<64x256xf32>, vector<1x256xf32> -> vector<1x256xf32>
    %add3A_188 = arith.addf %add3A_159, %dot_general3A_187 : vector<1x256xf32>
    %dot_general3A_189 = arith.constant dense<0.000000e+00> : vector<1x256xf32>
    %dot_general3A_190 = tpu.matmul %sub3A_185, %slice3A_178, %dot_general3A_189 {dimension_numbers = #tpu.dot_dimension_numbers<[1], [0], [0], [1], [0, 0, 1, 1], [], []>, transpose_lhs_hint = false} : vector<1x64xf32>, vector<64x256xf32>, vector<1x256xf32> -> vector<1x256xf32>
    %slice3A_191 = vector.extract_strided_slice %get3A_177 {offsets = [0, 256], sizes = [64, 256], strides = [1, 1]} : vector<64x512xf32> to vector<64x256xf32>
    %get3A_192 = arith.constant 6 : index
    %get3A_193 = arith.constant 0 : index
    %get3A_194 = vector.load %arg0[%get3A_192, %get3A_193] : memref<20x64xf32, #tpu.memory_space<vmem>>, vector<1x64xf32>
    %get3A_195 = arith.constant 6 : index
    %get3A_196 = arith.constant 0 : index
    %get3A_197 = vector.load %arg1[%get3A_195, %get3A_196] : memref<20x64xf32, #tpu.memory_space<vmem>>, vector<1x64xf32>
    %sub3A_198 = arith.subf %get3A_197, %get3A_194 : vector<1x64xf32>
    %dot_general3A_199 = arith.constant dense<0.000000e+00> : vector<1x256xf32>
    %dot_general3A_200 = tpu.matmul %get3A_194, %slice3A_191, %dot_general3A_199 {dimension_numbers = #tpu.dot_dimension_numbers<[1], [0], [0], [1], [0, 0, 1, 1], [], []>, transpose_lhs_hint = false} : vector<1x64xf32>, vector<64x256xf32>, vector<1x256xf32> -> vector<1x256xf32>
    %add3A_201 = arith.addf %add3A_172, %dot_general3A_200 : vector<1x256xf32>
    %dot_general3A_202 = arith.constant dense<0.000000e+00> : vector<1x256xf32>
    %dot_general3A_203 = tpu.matmul %sub3A_198, %slice3A_191, %dot_general3A_202 {dimension_numbers = #tpu.dot_dimension_numbers<[1], [0], [0], [1], [0, 0, 1, 1], [], []>, transpose_lhs_hint = false} : vector<1x64xf32>, vector<64x256xf32>, vector<1x256xf32> -> vector<1x256xf32>
    %get3A_204 = arith.constant 448 : index
    %get3A_205 = arith.constant 0 : index
    %get3A_206 = vector.load %arg5[%get3A_204, %get3A_205] : memref<1344x512xf32, #tpu.memory_space<vmem>>, vector<64x512xf32>
    %slice3A_207 = vector.extract_strided_slice %get3A_206 {offsets = [0, 0], sizes = [64, 256], strides = [1, 1]} : vector<64x512xf32> to vector<64x256xf32>
    %get3A_208 = arith.constant 7 : index
    %get3A_209 = arith.constant 0 : index
    %get3A_210 = vector.load %arg0[%get3A_208, %get3A_209] : memref<20x64xf32, #tpu.memory_space<vmem>>, vector<1x64xf32>
    %get3A_211 = arith.constant 7 : index
    %get3A_212 = arith.constant 0 : index
    %get3A_213 = vector.load %arg1[%get3A_211, %get3A_212] : memref<20x64xf32, #tpu.memory_space<vmem>>, vector<1x64xf32>
    %sub3A_214 = arith.subf %get3A_213, %get3A_210 : vector<1x64xf32>
    %dot_general3A_215 = arith.constant dense<0.000000e+00> : vector<1x256xf32>
    %dot_general3A_216 = tpu.matmul %get3A_210, %slice3A_207, %dot_general3A_215 {dimension_numbers = #tpu.dot_dimension_numbers<[1], [0], [0], [1], [0, 0, 1, 1], [], []>, transpose_lhs_hint = false} : vector<1x64xf32>, vector<64x256xf32>, vector<1x256xf32> -> vector<1x256xf32>
    %add3A_217 = arith.addf %add3A_188, %dot_general3A_216 : vector<1x256xf32>
    %dot_general3A_218 = arith.constant dense<0.000000e+00> : vector<1x256xf32>
    %dot_general3A_219 = tpu.matmul %sub3A_214, %slice3A_207, %dot_general3A_218 {dimension_numbers = #tpu.dot_dimension_numbers<[1], [0], [0], [1], [0, 0, 1, 1], [], []>, transpose_lhs_hint = false} : vector<1x64xf32>, vector<64x256xf32>, vector<1x256xf32> -> vector<1x256xf32>
    %slice3A_220 = vector.extract_strided_slice %get3A_206 {offsets = [0, 256], sizes = [64, 256], strides = [1, 1]} : vector<64x512xf32> to vector<64x256xf32>
    %get3A_221 = arith.constant 7 : index
    %get3A_222 = arith.constant 0 : index
    %get3A_223 = vector.load %arg0[%get3A_221, %get3A_222] : memref<20x64xf32, #tpu.memory_space<vmem>>, vector<1x64xf32>
    %get3A_224 = arith.constant 7 : index
    %get3A_225 = arith.constant 0 : index
    %get3A_226 = vector.load %arg1[%get3A_224, %get3A_225] : memref<20x64xf32, #tpu.memory_space<vmem>>, vector<1x64xf32>
    %sub3A_227 = arith.subf %get3A_226, %get3A_223 : vector<1x64xf32>
    %dot_general3A_228 = arith.constant dense<0.000000e+00> : vector<1x256xf32>
    %dot_general3A_229 = tpu.matmul %get3A_223, %slice3A_220, %dot_general3A_228 {dimension_numbers = #tpu.dot_dimension_numbers<[1], [0], [0], [1], [0, 0, 1, 1], [], []>, transpose_lhs_hint = false} : vector<1x64xf32>, vector<64x256xf32>, vector<1x256xf32> -> vector<1x256xf32>
    %add3A_230 = arith.addf %add3A_201, %dot_general3A_229 : vector<1x256xf32>
    %dot_general3A_231 = arith.constant dense<0.000000e+00> : vector<1x256xf32>
    %dot_general3A_232 = tpu.matmul %sub3A_227, %slice3A_220, %dot_general3A_231 {dimension_numbers = #tpu.dot_dimension_numbers<[1], [0], [0], [1], [0, 0, 1, 1], [], []>, transpose_lhs_hint = false} : vector<1x64xf32>, vector<64x256xf32>, vector<1x256xf32> -> vector<1x256xf32>
    %get3A_233 = arith.constant 512 : index
    %get3A_234 = arith.constant 0 : index
    %get3A_235 = vector.load %arg5[%get3A_233, %get3A_234] : memref<1344x512xf32, #tpu.memory_space<vmem>>, vector<64x512xf32>
    %slice3A_236 = vector.extract_strided_slice %get3A_235 {offsets = [0, 0], sizes = [64, 256], strides = [1, 1]} : vector<64x512xf32> to vector<64x256xf32>
    %get3A_237 = arith.constant 8 : index
    %get3A_238 = arith.constant 0 : index
    %get3A_239 = vector.load %arg0[%get3A_237, %get3A_238] : memref<20x64xf32, #tpu.memory_space<vmem>>, vector<1x64xf32>
    %get3A_240 = arith.constant 8 : index
    %get3A_241 = arith.constant 0 : index
    %get3A_242 = vector.load %arg1[%get3A_240, %get3A_241] : memref<20x64xf32, #tpu.memory_space<vmem>>, vector<1x64xf32>
    %sub3A_243 = arith.subf %get3A_242, %get3A_239 : vector<1x64xf32>
    %dot_general3A_244 = arith.constant dense<0.000000e+00> : vector<1x256xf32>
    %dot_general3A_245 = tpu.matmul %get3A_239, %slice3A_236, %dot_general3A_244 {dimension_numbers = #tpu.dot_dimension_numbers<[1], [0], [0], [1], [0, 0, 1, 1], [], []>, transpose_lhs_hint = false} : vector<1x64xf32>, vector<64x256xf32>, vector<1x256xf32> -> vector<1x256xf32>
    %add3A_246 = arith.addf %add3A_217, %dot_general3A_245 : vector<1x256xf32>
    %dot_general3A_247 = arith.constant dense<0.000000e+00> : vector<1x256xf32>
    %dot_general3A_248 = tpu.matmul %sub3A_243, %slice3A_236, %dot_general3A_247 {dimension_numbers = #tpu.dot_dimension_numbers<[1], [0], [0], [1], [0, 0, 1, 1], [], []>, transpose_lhs_hint = false} : vector<1x64xf32>, vector<64x256xf32>, vector<1x256xf32> -> vector<1x256xf32>
    %slice3A_249 = vector.extract_strided_slice %get3A_235 {offsets = [0, 256], sizes = [64, 256], strides = [1, 1]} : vector<64x512xf32> to vector<64x256xf32>
    %get3A_250 = arith.constant 8 : index
    %get3A_251 = arith.constant 0 : index
    %get3A_252 = vector.load %arg0[%get3A_250, %get3A_251] : memref<20x64xf32, #tpu.memory_space<vmem>>, vector<1x64xf32>
    %get3A_253 = arith.constant 8 : index
    %get3A_254 = arith.constant 0 : index
    %get3A_255 = vector.load %arg1[%get3A_253, %get3A_254] : memref<20x64xf32, #tpu.memory_space<vmem>>, vector<1x64xf32>
    %sub3A_256 = arith.subf %get3A_255, %get3A_252 : vector<1x64xf32>
    %dot_general3A_257 = arith.constant dense<0.000000e+00> : vector<1x256xf32>
    %dot_general3A_258 = tpu.matmul %get3A_252, %slice3A_249, %dot_general3A_257 {dimension_numbers = #tpu.dot_dimension_numbers<[1], [0], [0], [1], [0, 0, 1, 1], [], []>, transpose_lhs_hint = false} : vector<1x64xf32>, vector<64x256xf32>, vector<1x256xf32> -> vector<1x256xf32>
    %add3A_259 = arith.addf %add3A_230, %dot_general3A_258 : vector<1x256xf32>
    %dot_general3A_260 = arith.constant dense<0.000000e+00> : vector<1x256xf32>
    %dot_general3A_261 = tpu.matmul %sub3A_256, %slice3A_249, %dot_general3A_260 {dimension_numbers = #tpu.dot_dimension_numbers<[1], [0], [0], [1], [0, 0, 1, 1], [], []>, transpose_lhs_hint = false} : vector<1x64xf32>, vector<64x256xf32>, vector<1x256xf32> -> vector<1x256xf32>
    %get3A_262 = arith.constant 576 : index
    %get3A_263 = arith.constant 0 : index
    %get3A_264 = vector.load %arg5[%get3A_262, %get3A_263] : memref<1344x512xf32, #tpu.memory_space<vmem>>, vector<64x512xf32>
    %slice3A_265 = vector.extract_strided_slice %get3A_264 {offsets = [0, 0], sizes = [64, 256], strides = [1, 1]} : vector<64x512xf32> to vector<64x256xf32>
    %get3A_266 = arith.constant 9 : index
    %get3A_267 = arith.constant 0 : index
    %get3A_268 = vector.load %arg0[%get3A_266, %get3A_267] : memref<20x64xf32, #tpu.memory_space<vmem>>, vector<1x64xf32>
    %get3A_269 = arith.constant 9 : index
    %get3A_270 = arith.constant 0 : index
    %get3A_271 = vector.load %arg1[%get3A_269, %get3A_270] : memref<20x64xf32, #tpu.memory_space<vmem>>, vector<1x64xf32>
    %sub3A_272 = arith.subf %get3A_271, %get3A_268 : vector<1x64xf32>
    %dot_general3A_273 = arith.constant dense<0.000000e+00> : vector<1x256xf32>
    %dot_general3A_274 = tpu.matmul %get3A_268, %slice3A_265, %dot_general3A_273 {dimension_numbers = #tpu.dot_dimension_numbers<[1], [0], [0], [1], [0, 0, 1, 1], [], []>, transpose_lhs_hint = false} : vector<1x64xf32>, vector<64x256xf32>, vector<1x256xf32> -> vector<1x256xf32>
    %add3A_275 = arith.addf %add3A_246, %dot_general3A_274 : vector<1x256xf32>
    %dot_general3A_276 = arith.constant dense<0.000000e+00> : vector<1x256xf32>
    %dot_general3A_277 = tpu.matmul %sub3A_272, %slice3A_265, %dot_general3A_276 {dimension_numbers = #tpu.dot_dimension_numbers<[1], [0], [0], [1], [0, 0, 1, 1], [], []>, transpose_lhs_hint = false} : vector<1x64xf32>, vector<64x256xf32>, vector<1x256xf32> -> vector<1x256xf32>
    %slice3A_278 = vector.extract_strided_slice %get3A_264 {offsets = [0, 256], sizes = [64, 256], strides = [1, 1]} : vector<64x512xf32> to vector<64x256xf32>
    %get3A_279 = arith.constant 9 : index
    %get3A_280 = arith.constant 0 : index
    %get3A_281 = vector.load %arg0[%get3A_279, %get3A_280] : memref<20x64xf32, #tpu.memory_space<vmem>>, vector<1x64xf32>
    %get3A_282 = arith.constant 9 : index
    %get3A_283 = arith.constant 0 : index
    %get3A_284 = vector.load %arg1[%get3A_282, %get3A_283] : memref<20x64xf32, #tpu.memory_space<vmem>>, vector<1x64xf32>
    %sub3A_285 = arith.subf %get3A_284, %get3A_281 : vector<1x64xf32>
    %dot_general3A_286 = arith.constant dense<0.000000e+00> : vector<1x256xf32>
    %dot_general3A_287 = tpu.matmul %get3A_281, %slice3A_278, %dot_general3A_286 {dimension_numbers = #tpu.dot_dimension_numbers<[1], [0], [0], [1], [0, 0, 1, 1], [], []>, transpose_lhs_hint = false} : vector<1x64xf32>, vector<64x256xf32>, vector<1x256xf32> -> vector<1x256xf32>
    %add3A_288 = arith.addf %add3A_259, %dot_general3A_287 : vector<1x256xf32>
    %dot_general3A_289 = arith.constant dense<0.000000e+00> : vector<1x256xf32>
    %dot_general3A_290 = tpu.matmul %sub3A_285, %slice3A_278, %dot_general3A_289 {dimension_numbers = #tpu.dot_dimension_numbers<[1], [0], [0], [1], [0, 0, 1, 1], [], []>, transpose_lhs_hint = false} : vector<1x64xf32>, vector<64x256xf32>, vector<1x256xf32> -> vector<1x256xf32>
    %get3A_291 = arith.constant 640 : index
    %get3A_292 = arith.constant 0 : index
    %get3A_293 = vector.load %arg5[%get3A_291, %get3A_292] : memref<1344x512xf32, #tpu.memory_space<vmem>>, vector<64x512xf32>
    %slice3A_294 = vector.extract_strided_slice %get3A_293 {offsets = [0, 0], sizes = [64, 256], strides = [1, 1]} : vector<64x512xf32> to vector<64x256xf32>
    %get3A_295 = arith.constant 10 : index
    %get3A_296 = arith.constant 0 : index
    %get3A_297 = vector.load %arg0[%get3A_295, %get3A_296] : memref<20x64xf32, #tpu.memory_space<vmem>>, vector<1x64xf32>
    %get3A_298 = arith.constant 10 : index
    %get3A_299 = arith.constant 0 : index
    %get3A_300 = vector.load %arg1[%get3A_298, %get3A_299] : memref<20x64xf32, #tpu.memory_space<vmem>>, vector<1x64xf32>
    %sub3A_301 = arith.subf %get3A_300, %get3A_297 : vector<1x64xf32>
    %dot_general3A_302 = arith.constant dense<0.000000e+00> : vector<1x256xf32>
    %dot_general3A_303 = tpu.matmul %get3A_297, %slice3A_294, %dot_general3A_302 {dimension_numbers = #tpu.dot_dimension_numbers<[1], [0], [0], [1], [0, 0, 1, 1], [], []>, transpose_lhs_hint = false} : vector<1x64xf32>, vector<64x256xf32>, vector<1x256xf32> -> vector<1x256xf32>
    %add3A_304 = arith.addf %add3A_275, %dot_general3A_303 : vector<1x256xf32>
    %dot_general3A_305 = arith.constant dense<0.000000e+00> : vector<1x256xf32>
    %dot_general3A_306 = tpu.matmul %sub3A_301, %slice3A_294, %dot_general3A_305 {dimension_numbers = #tpu.dot_dimension_numbers<[1], [0], [0], [1], [0, 0, 1, 1], [], []>, transpose_lhs_hint = false} : vector<1x64xf32>, vector<64x256xf32>, vector<1x256xf32> -> vector<1x256xf32>
    %slice3A_307 = vector.extract_strided_slice %get3A_293 {offsets = [0, 256], sizes = [64, 256], strides = [1, 1]} : vector<64x512xf32> to vector<64x256xf32>
    %get3A_308 = arith.constant 10 : index
    %get3A_309 = arith.constant 0 : index
    %get3A_310 = vector.load %arg0[%get3A_308, %get3A_309] : memref<20x64xf32, #tpu.memory_space<vmem>>, vector<1x64xf32>
    %get3A_311 = arith.constant 10 : index
    %get3A_312 = arith.constant 0 : index
    %get3A_313 = vector.load %arg1[%get3A_311, %get3A_312] : memref<20x64xf32, #tpu.memory_space<vmem>>, vector<1x64xf32>
    %sub3A_314 = arith.subf %get3A_313, %get3A_310 : vector<1x64xf32>
    %dot_general3A_315 = arith.constant dense<0.000000e+00> : vector<1x256xf32>
    %dot_general3A_316 = tpu.matmul %get3A_310, %slice3A_307, %dot_general3A_315 {dimension_numbers = #tpu.dot_dimension_numbers<[1], [0], [0], [1], [0, 0, 1, 1], [], []>, transpose_lhs_hint = false} : vector<1x64xf32>, vector<64x256xf32>, vector<1x256xf32> -> vector<1x256xf32>
    %add3A_317 = arith.addf %add3A_288, %dot_general3A_316 : vector<1x256xf32>
    %dot_general3A_318 = arith.constant dense<0.000000e+00> : vector<1x256xf32>
    %dot_general3A_319 = tpu.matmul %sub3A_314, %slice3A_307, %dot_general3A_318 {dimension_numbers = #tpu.dot_dimension_numbers<[1], [0], [0], [1], [0, 0, 1, 1], [], []>, transpose_lhs_hint = false} : vector<1x64xf32>, vector<64x256xf32>, vector<1x256xf32> -> vector<1x256xf32>
    %get3A_320 = arith.constant 704 : index
    %get3A_321 = arith.constant 0 : index
    %get3A_322 = vector.load %arg5[%get3A_320, %get3A_321] : memref<1344x512xf32, #tpu.memory_space<vmem>>, vector<64x512xf32>
    %slice3A_323 = vector.extract_strided_slice %get3A_322 {offsets = [0, 0], sizes = [64, 256], strides = [1, 1]} : vector<64x512xf32> to vector<64x256xf32>
    %get3A_324 = arith.constant 0 : index
    %get3A_325 = arith.constant 0 : index
    %get3A_326 = vector.load %arg2[%get3A_324, %get3A_325] : memref<8x64xf32, #tpu.memory_space<vmem>>, vector<8x64xf32>
    %dot_general3A_327 = arith.constant dense<0.000000e+00> : vector<8x256xf32>
    %dot_general3A_328 = tpu.matmul %get3A_326, %slice3A_323, %dot_general3A_327 {dimension_numbers = #tpu.dot_dimension_numbers<[1], [0], [0], [1], [0, 0, 1, 1], [], []>, transpose_lhs_hint = false} : vector<8x64xf32>, vector<64x256xf32>, vector<8x256xf32> -> vector<8x256xf32>
    %get3A_329 = arith.constant 0 : index
    %get3A_330 = arith.constant 0 : index
    %get3A_331 = vector.load %arg3[%get3A_329, %get3A_330] : memref<1x64xf32, #tpu.memory_space<vmem>>, vector<1x64xf32>
    %dot_general3A_332 = arith.constant dense<0.000000e+00> : vector<1x256xf32>
    %dot_general3A_333 = tpu.matmul %get3A_331, %slice3A_323, %dot_general3A_332 {dimension_numbers = #tpu.dot_dimension_numbers<[1], [0], [0], [1], [0, 0, 1, 1], [], []>, transpose_lhs_hint = false} : vector<1x64xf32>, vector<64x256xf32>, vector<1x256xf32> -> vector<1x256xf32>
    %add3A_334 = arith.addf %add3A_304, %dot_general3A_333 : vector<1x256xf32>
    %slice3A_335 = vector.extract_strided_slice %get3A_322 {offsets = [0, 256], sizes = [64, 256], strides = [1, 1]} : vector<64x512xf32> to vector<64x256xf32>
    %get3A_336 = arith.constant 0 : index
    %get3A_337 = arith.constant 0 : index
    %get3A_338 = vector.load %arg2[%get3A_336, %get3A_337] : memref<8x64xf32, #tpu.memory_space<vmem>>, vector<8x64xf32>
    %dot_general3A_339 = arith.constant dense<0.000000e+00> : vector<8x256xf32>
    %dot_general3A_340 = tpu.matmul %get3A_338, %slice3A_335, %dot_general3A_339 {dimension_numbers = #tpu.dot_dimension_numbers<[1], [0], [0], [1], [0, 0, 1, 1], [], []>, transpose_lhs_hint = false} : vector<8x64xf32>, vector<64x256xf32>, vector<8x256xf32> -> vector<8x256xf32>
    %get3A_341 = arith.constant 0 : index
    %get3A_342 = arith.constant 0 : index
    %get3A_343 = vector.load %arg3[%get3A_341, %get3A_342] : memref<1x64xf32, #tpu.memory_space<vmem>>, vector<1x64xf32>
    %dot_general3A_344 = arith.constant dense<0.000000e+00> : vector<1x256xf32>
    %dot_general3A_345 = tpu.matmul %get3A_343, %slice3A_335, %dot_general3A_344 {dimension_numbers = #tpu.dot_dimension_numbers<[1], [0], [0], [1], [0, 0, 1, 1], [], []>, transpose_lhs_hint = false} : vector<1x64xf32>, vector<64x256xf32>, vector<1x256xf32> -> vector<1x256xf32>
    %add3A_346 = arith.addf %add3A_317, %dot_general3A_345 : vector<1x256xf32>
    %get3A_347 = arith.constant 768 : index
    %get3A_348 = arith.constant 0 : index
    %get3A_349 = vector.load %arg5[%get3A_347, %get3A_348] : memref<1344x512xf32, #tpu.memory_space<vmem>>, vector<64x512xf32>
    %slice3A_350 = vector.extract_strided_slice %get3A_349 {offsets = [0, 0], sizes = [64, 256], strides = [1, 1]} : vector<64x512xf32> to vector<64x256xf32>
    %get3A_351 = arith.constant 11 : index
    %get3A_352 = arith.constant 0 : index
    %get3A_353 = vector.load %arg0[%get3A_351, %get3A_352] : memref<20x64xf32, #tpu.memory_space<vmem>>, vector<1x64xf32>
    %get3A_354 = arith.constant 11 : index
    %get3A_355 = arith.constant 0 : index
    %get3A_356 = vector.load %arg1[%get3A_354, %get3A_355] : memref<20x64xf32, #tpu.memory_space<vmem>>, vector<1x64xf32>
    %sub3A_357 = arith.subf %get3A_356, %get3A_353 : vector<1x64xf32>
    %dot_general3A_358 = arith.constant dense<0.000000e+00> : vector<1x256xf32>
    %dot_general3A_359 = tpu.matmul %get3A_353, %slice3A_350, %dot_general3A_358 {dimension_numbers = #tpu.dot_dimension_numbers<[1], [0], [0], [1], [0, 0, 1, 1], [], []>, transpose_lhs_hint = false} : vector<1x64xf32>, vector<64x256xf32>, vector<1x256xf32> -> vector<1x256xf32>
    %add3A_360 = arith.addf %add3A_334, %dot_general3A_359 : vector<1x256xf32>
    %dot_general3A_361 = arith.constant dense<0.000000e+00> : vector<1x256xf32>
    %dot_general3A_362 = tpu.matmul %sub3A_357, %slice3A_350, %dot_general3A_361 {dimension_numbers = #tpu.dot_dimension_numbers<[1], [0], [0], [1], [0, 0, 1, 1], [], []>, transpose_lhs_hint = false} : vector<1x64xf32>, vector<64x256xf32>, vector<1x256xf32> -> vector<1x256xf32>
    %slice3A_363 = vector.extract_strided_slice %get3A_349 {offsets = [0, 256], sizes = [64, 256], strides = [1, 1]} : vector<64x512xf32> to vector<64x256xf32>
    %get3A_364 = arith.constant 11 : index
    %get3A_365 = arith.constant 0 : index
    %get3A_366 = vector.load %arg0[%get3A_364, %get3A_365] : memref<20x64xf32, #tpu.memory_space<vmem>>, vector<1x64xf32>
    %get3A_367 = arith.constant 11 : index
    %get3A_368 = arith.constant 0 : index
    %get3A_369 = vector.load %arg1[%get3A_367, %get3A_368] : memref<20x64xf32, #tpu.memory_space<vmem>>, vector<1x64xf32>
    %sub3A_370 = arith.subf %get3A_369, %get3A_366 : vector<1x64xf32>
    %dot_general3A_371 = arith.constant dense<0.000000e+00> : vector<1x256xf32>
    %dot_general3A_372 = tpu.matmul %get3A_366, %slice3A_363, %dot_general3A_371 {dimension_numbers = #tpu.dot_dimension_numbers<[1], [0], [0], [1], [0, 0, 1, 1], [], []>, transpose_lhs_hint = false} : vector<1x64xf32>, vector<64x256xf32>, vector<1x256xf32> -> vector<1x256xf32>
    %add3A_373 = arith.addf %add3A_346, %dot_general3A_372 : vector<1x256xf32>
    %dot_general3A_374 = arith.constant dense<0.000000e+00> : vector<1x256xf32>
    %dot_general3A_375 = tpu.matmul %sub3A_370, %slice3A_363, %dot_general3A_374 {dimension_numbers = #tpu.dot_dimension_numbers<[1], [0], [0], [1], [0, 0, 1, 1], [], []>, transpose_lhs_hint = false} : vector<1x64xf32>, vector<64x256xf32>, vector<1x256xf32> -> vector<1x256xf32>
    %get3A_376 = arith.constant 832 : index
    %get3A_377 = arith.constant 0 : index
    %get3A_378 = vector.load %arg5[%get3A_376, %get3A_377] : memref<1344x512xf32, #tpu.memory_space<vmem>>, vector<64x512xf32>
    %slice3A_379 = vector.extract_strided_slice %get3A_378 {offsets = [0, 0], sizes = [64, 256], strides = [1, 1]} : vector<64x512xf32> to vector<64x256xf32>
    %get3A_380 = arith.constant 12 : index
    %get3A_381 = arith.constant 0 : index
    %get3A_382 = vector.load %arg0[%get3A_380, %get3A_381] : memref<20x64xf32, #tpu.memory_space<vmem>>, vector<1x64xf32>
    %get3A_383 = arith.constant 12 : index
    %get3A_384 = arith.constant 0 : index
    %get3A_385 = vector.load %arg1[%get3A_383, %get3A_384] : memref<20x64xf32, #tpu.memory_space<vmem>>, vector<1x64xf32>
    %sub3A_386 = arith.subf %get3A_385, %get3A_382 : vector<1x64xf32>
    %dot_general3A_387 = arith.constant dense<0.000000e+00> : vector<1x256xf32>
    %dot_general3A_388 = tpu.matmul %get3A_382, %slice3A_379, %dot_general3A_387 {dimension_numbers = #tpu.dot_dimension_numbers<[1], [0], [0], [1], [0, 0, 1, 1], [], []>, transpose_lhs_hint = false} : vector<1x64xf32>, vector<64x256xf32>, vector<1x256xf32> -> vector<1x256xf32>
    %add3A_389 = arith.addf %add3A_360, %dot_general3A_388 : vector<1x256xf32>
    %dot_general3A_390 = arith.constant dense<0.000000e+00> : vector<1x256xf32>
    %dot_general3A_391 = tpu.matmul %sub3A_386, %slice3A_379, %dot_general3A_390 {dimension_numbers = #tpu.dot_dimension_numbers<[1], [0], [0], [1], [0, 0, 1, 1], [], []>, transpose_lhs_hint = false} : vector<1x64xf32>, vector<64x256xf32>, vector<1x256xf32> -> vector<1x256xf32>
    %slice3A_392 = vector.extract_strided_slice %get3A_378 {offsets = [0, 256], sizes = [64, 256], strides = [1, 1]} : vector<64x512xf32> to vector<64x256xf32>
    %get3A_393 = arith.constant 12 : index
    %get3A_394 = arith.constant 0 : index
    %get3A_395 = vector.load %arg0[%get3A_393, %get3A_394] : memref<20x64xf32, #tpu.memory_space<vmem>>, vector<1x64xf32>
    %get3A_396 = arith.constant 12 : index
    %get3A_397 = arith.constant 0 : index
    %get3A_398 = vector.load %arg1[%get3A_396, %get3A_397] : memref<20x64xf32, #tpu.memory_space<vmem>>, vector<1x64xf32>
    %sub3A_399 = arith.subf %get3A_398, %get3A_395 : vector<1x64xf32>
    %dot_general3A_400 = arith.constant dense<0.000000e+00> : vector<1x256xf32>
    %dot_general3A_401 = tpu.matmul %get3A_395, %slice3A_392, %dot_general3A_400 {dimension_numbers = #tpu.dot_dimension_numbers<[1], [0], [0], [1], [0, 0, 1, 1], [], []>, transpose_lhs_hint = false} : vector<1x64xf32>, vector<64x256xf32>, vector<1x256xf32> -> vector<1x256xf32>
    %add3A_402 = arith.addf %add3A_373, %dot_general3A_401 : vector<1x256xf32>
    %dot_general3A_403 = arith.constant dense<0.000000e+00> : vector<1x256xf32>
    %dot_general3A_404 = tpu.matmul %sub3A_399, %slice3A_392, %dot_general3A_403 {dimension_numbers = #tpu.dot_dimension_numbers<[1], [0], [0], [1], [0, 0, 1, 1], [], []>, transpose_lhs_hint = false} : vector<1x64xf32>, vector<64x256xf32>, vector<1x256xf32> -> vector<1x256xf32>
    %get3A_405 = arith.constant 896 : index
    %get3A_406 = arith.constant 0 : index
    %get3A_407 = vector.load %arg5[%get3A_405, %get3A_406] : memref<1344x512xf32, #tpu.memory_space<vmem>>, vector<64x512xf32>
    %slice3A_408 = vector.extract_strided_slice %get3A_407 {offsets = [0, 0], sizes = [64, 256], strides = [1, 1]} : vector<64x512xf32> to vector<64x256xf32>
    %get3A_409 = arith.constant 13 : index
    %get3A_410 = arith.constant 0 : index
    %get3A_411 = vector.load %arg0[%get3A_409, %get3A_410] : memref<20x64xf32, #tpu.memory_space<vmem>>, vector<1x64xf32>
    %get3A_412 = arith.constant 13 : index
    %get3A_413 = arith.constant 0 : index
    %get3A_414 = vector.load %arg1[%get3A_412, %get3A_413] : memref<20x64xf32, #tpu.memory_space<vmem>>, vector<1x64xf32>
    %sub3A_415 = arith.subf %get3A_414, %get3A_411 : vector<1x64xf32>
    %dot_general3A_416 = arith.constant dense<0.000000e+00> : vector<1x256xf32>
    %dot_general3A_417 = tpu.matmul %get3A_411, %slice3A_408, %dot_general3A_416 {dimension_numbers = #tpu.dot_dimension_numbers<[1], [0], [0], [1], [0, 0, 1, 1], [], []>, transpose_lhs_hint = false} : vector<1x64xf32>, vector<64x256xf32>, vector<1x256xf32> -> vector<1x256xf32>
    %add3A_418 = arith.addf %add3A_389, %dot_general3A_417 : vector<1x256xf32>
    %dot_general3A_419 = arith.constant dense<0.000000e+00> : vector<1x256xf32>
    %dot_general3A_420 = tpu.matmul %sub3A_415, %slice3A_408, %dot_general3A_419 {dimension_numbers = #tpu.dot_dimension_numbers<[1], [0], [0], [1], [0, 0, 1, 1], [], []>, transpose_lhs_hint = false} : vector<1x64xf32>, vector<64x256xf32>, vector<1x256xf32> -> vector<1x256xf32>
    %slice3A_421 = vector.extract_strided_slice %get3A_407 {offsets = [0, 256], sizes = [64, 256], strides = [1, 1]} : vector<64x512xf32> to vector<64x256xf32>
    %get3A_422 = arith.constant 13 : index
    %get3A_423 = arith.constant 0 : index
    %get3A_424 = vector.load %arg0[%get3A_422, %get3A_423] : memref<20x64xf32, #tpu.memory_space<vmem>>, vector<1x64xf32>
    %get3A_425 = arith.constant 13 : index
    %get3A_426 = arith.constant 0 : index
    %get3A_427 = vector.load %arg1[%get3A_425, %get3A_426] : memref<20x64xf32, #tpu.memory_space<vmem>>, vector<1x64xf32>
    %sub3A_428 = arith.subf %get3A_427, %get3A_424 : vector<1x64xf32>
    %dot_general3A_429 = arith.constant dense<0.000000e+00> : vector<1x256xf32>
    %dot_general3A_430 = tpu.matmul %get3A_424, %slice3A_421, %dot_general3A_429 {dimension_numbers = #tpu.dot_dimension_numbers<[1], [0], [0], [1], [0, 0, 1, 1], [], []>, transpose_lhs_hint = false} : vector<1x64xf32>, vector<64x256xf32>, vector<1x256xf32> -> vector<1x256xf32>
    %add3A_431 = arith.addf %add3A_402, %dot_general3A_430 : vector<1x256xf32>
    %dot_general3A_432 = arith.constant dense<0.000000e+00> : vector<1x256xf32>
    %dot_general3A_433 = tpu.matmul %sub3A_428, %slice3A_421, %dot_general3A_432 {dimension_numbers = #tpu.dot_dimension_numbers<[1], [0], [0], [1], [0, 0, 1, 1], [], []>, transpose_lhs_hint = false} : vector<1x64xf32>, vector<64x256xf32>, vector<1x256xf32> -> vector<1x256xf32>
    %get3A_434 = arith.constant 960 : index
    %get3A_435 = arith.constant 0 : index
    %get3A_436 = vector.load %arg5[%get3A_434, %get3A_435] : memref<1344x512xf32, #tpu.memory_space<vmem>>, vector<64x512xf32>
    %slice3A_437 = vector.extract_strided_slice %get3A_436 {offsets = [0, 0], sizes = [64, 256], strides = [1, 1]} : vector<64x512xf32> to vector<64x256xf32>
    %get3A_438 = arith.constant 14 : index
    %get3A_439 = arith.constant 0 : index
    %get3A_440 = vector.load %arg0[%get3A_438, %get3A_439] : memref<20x64xf32, #tpu.memory_space<vmem>>, vector<1x64xf32>
    %get3A_441 = arith.constant 14 : index
    %get3A_442 = arith.constant 0 : index
    %get3A_443 = vector.load %arg1[%get3A_441, %get3A_442] : memref<20x64xf32, #tpu.memory_space<vmem>>, vector<1x64xf32>
    %sub3A_444 = arith.subf %get3A_443, %get3A_440 : vector<1x64xf32>
    %dot_general3A_445 = arith.constant dense<0.000000e+00> : vector<1x256xf32>
    %dot_general3A_446 = tpu.matmul %get3A_440, %slice3A_437, %dot_general3A_445 {dimension_numbers = #tpu.dot_dimension_numbers<[1], [0], [0], [1], [0, 0, 1, 1], [], []>, transpose_lhs_hint = false} : vector<1x64xf32>, vector<64x256xf32>, vector<1x256xf32> -> vector<1x256xf32>
    %add3A_447 = arith.addf %add3A_418, %dot_general3A_446 : vector<1x256xf32>
    %dot_general3A_448 = arith.constant dense<0.000000e+00> : vector<1x256xf32>
    %dot_general3A_449 = tpu.matmul %sub3A_444, %slice3A_437, %dot_general3A_448 {dimension_numbers = #tpu.dot_dimension_numbers<[1], [0], [0], [1], [0, 0, 1, 1], [], []>, transpose_lhs_hint = false} : vector<1x64xf32>, vector<64x256xf32>, vector<1x256xf32> -> vector<1x256xf32>
    %slice3A_450 = vector.extract_strided_slice %get3A_436 {offsets = [0, 256], sizes = [64, 256], strides = [1, 1]} : vector<64x512xf32> to vector<64x256xf32>
    %get3A_451 = arith.constant 14 : index
    %get3A_452 = arith.constant 0 : index
    %get3A_453 = vector.load %arg0[%get3A_451, %get3A_452] : memref<20x64xf32, #tpu.memory_space<vmem>>, vector<1x64xf32>
    %get3A_454 = arith.constant 14 : index
    %get3A_455 = arith.constant 0 : index
    %get3A_456 = vector.load %arg1[%get3A_454, %get3A_455] : memref<20x64xf32, #tpu.memory_space<vmem>>, vector<1x64xf32>
    %sub3A_457 = arith.subf %get3A_456, %get3A_453 : vector<1x64xf32>
    %dot_general3A_458 = arith.constant dense<0.000000e+00> : vector<1x256xf32>
    %dot_general3A_459 = tpu.matmul %get3A_453, %slice3A_450, %dot_general3A_458 {dimension_numbers = #tpu.dot_dimension_numbers<[1], [0], [0], [1], [0, 0, 1, 1], [], []>, transpose_lhs_hint = false} : vector<1x64xf32>, vector<64x256xf32>, vector<1x256xf32> -> vector<1x256xf32>
    %add3A_460 = arith.addf %add3A_431, %dot_general3A_459 : vector<1x256xf32>
    %dot_general3A_461 = arith.constant dense<0.000000e+00> : vector<1x256xf32>
    %dot_general3A_462 = tpu.matmul %sub3A_457, %slice3A_450, %dot_general3A_461 {dimension_numbers = #tpu.dot_dimension_numbers<[1], [0], [0], [1], [0, 0, 1, 1], [], []>, transpose_lhs_hint = false} : vector<1x64xf32>, vector<64x256xf32>, vector<1x256xf32> -> vector<1x256xf32>
    %get3A_463 = arith.constant 1024 : index
    %get3A_464 = arith.constant 0 : index
    %get3A_465 = vector.load %arg5[%get3A_463, %get3A_464] : memref<1344x512xf32, #tpu.memory_space<vmem>>, vector<64x512xf32>
    %slice3A_466 = vector.extract_strided_slice %get3A_465 {offsets = [0, 0], sizes = [64, 256], strides = [1, 1]} : vector<64x512xf32> to vector<64x256xf32>
    %get3A_467 = arith.constant 15 : index
    %get3A_468 = arith.constant 0 : index
    %get3A_469 = vector.load %arg0[%get3A_467, %get3A_468] : memref<20x64xf32, #tpu.memory_space<vmem>>, vector<1x64xf32>
    %get3A_470 = arith.constant 15 : index
    %get3A_471 = arith.constant 0 : index
    %get3A_472 = vector.load %arg1[%get3A_470, %get3A_471] : memref<20x64xf32, #tpu.memory_space<vmem>>, vector<1x64xf32>
    %sub3A_473 = arith.subf %get3A_472, %get3A_469 : vector<1x64xf32>
    %dot_general3A_474 = arith.constant dense<0.000000e+00> : vector<1x256xf32>
    %dot_general3A_475 = tpu.matmul %get3A_469, %slice3A_466, %dot_general3A_474 {dimension_numbers = #tpu.dot_dimension_numbers<[1], [0], [0], [1], [0, 0, 1, 1], [], []>, transpose_lhs_hint = false} : vector<1x64xf32>, vector<64x256xf32>, vector<1x256xf32> -> vector<1x256xf32>
    %add3A_476 = arith.addf %add3A_447, %dot_general3A_475 : vector<1x256xf32>
    %dot_general3A_477 = arith.constant dense<0.000000e+00> : vector<1x256xf32>
    %dot_general3A_478 = tpu.matmul %sub3A_473, %slice3A_466, %dot_general3A_477 {dimension_numbers = #tpu.dot_dimension_numbers<[1], [0], [0], [1], [0, 0, 1, 1], [], []>, transpose_lhs_hint = false} : vector<1x64xf32>, vector<64x256xf32>, vector<1x256xf32> -> vector<1x256xf32>
    %slice3A_479 = vector.extract_strided_slice %get3A_465 {offsets = [0, 256], sizes = [64, 256], strides = [1, 1]} : vector<64x512xf32> to vector<64x256xf32>
    %get3A_480 = arith.constant 15 : index
    %get3A_481 = arith.constant 0 : index
    %get3A_482 = vector.load %arg0[%get3A_480, %get3A_481] : memref<20x64xf32, #tpu.memory_space<vmem>>, vector<1x64xf32>
    %get3A_483 = arith.constant 15 : index
    %get3A_484 = arith.constant 0 : index
    %get3A_485 = vector.load %arg1[%get3A_483, %get3A_484] : memref<20x64xf32, #tpu.memory_space<vmem>>, vector<1x64xf32>
    %sub3A_486 = arith.subf %get3A_485, %get3A_482 : vector<1x64xf32>
    %dot_general3A_487 = arith.constant dense<0.000000e+00> : vector<1x256xf32>
    %dot_general3A_488 = tpu.matmul %get3A_482, %slice3A_479, %dot_general3A_487 {dimension_numbers = #tpu.dot_dimension_numbers<[1], [0], [0], [1], [0, 0, 1, 1], [], []>, transpose_lhs_hint = false} : vector<1x64xf32>, vector<64x256xf32>, vector<1x256xf32> -> vector<1x256xf32>
    %add3A_489 = arith.addf %add3A_460, %dot_general3A_488 : vector<1x256xf32>
    %dot_general3A_490 = arith.constant dense<0.000000e+00> : vector<1x256xf32>
    %dot_general3A_491 = tpu.matmul %sub3A_486, %slice3A_479, %dot_general3A_490 {dimension_numbers = #tpu.dot_dimension_numbers<[1], [0], [0], [1], [0, 0, 1, 1], [], []>, transpose_lhs_hint = false} : vector<1x64xf32>, vector<64x256xf32>, vector<1x256xf32> -> vector<1x256xf32>
    %get3A_492 = arith.constant 1088 : index
    %get3A_493 = arith.constant 0 : index
    %get3A_494 = vector.load %arg5[%get3A_492, %get3A_493] : memref<1344x512xf32, #tpu.memory_space<vmem>>, vector<64x512xf32>
    %slice3A_495 = vector.extract_strided_slice %get3A_494 {offsets = [0, 0], sizes = [64, 256], strides = [1, 1]} : vector<64x512xf32> to vector<64x256xf32>
    %get3A_496 = arith.constant 16 : index
    %get3A_497 = arith.constant 0 : index
    %get3A_498 = vector.load %arg0[%get3A_496, %get3A_497] : memref<20x64xf32, #tpu.memory_space<vmem>>, vector<1x64xf32>
    %get3A_499 = arith.constant 16 : index
    %get3A_500 = arith.constant 0 : index
    %get3A_501 = vector.load %arg1[%get3A_499, %get3A_500] : memref<20x64xf32, #tpu.memory_space<vmem>>, vector<1x64xf32>
    %sub3A_502 = arith.subf %get3A_501, %get3A_498 : vector<1x64xf32>
    %dot_general3A_503 = arith.constant dense<0.000000e+00> : vector<1x256xf32>
    %dot_general3A_504 = tpu.matmul %get3A_498, %slice3A_495, %dot_general3A_503 {dimension_numbers = #tpu.dot_dimension_numbers<[1], [0], [0], [1], [0, 0, 1, 1], [], []>, transpose_lhs_hint = false} : vector<1x64xf32>, vector<64x256xf32>, vector<1x256xf32> -> vector<1x256xf32>
    %add3A_505 = arith.addf %add3A_476, %dot_general3A_504 : vector<1x256xf32>
    %dot_general3A_506 = arith.constant dense<0.000000e+00> : vector<1x256xf32>
    %dot_general3A_507 = tpu.matmul %sub3A_502, %slice3A_495, %dot_general3A_506 {dimension_numbers = #tpu.dot_dimension_numbers<[1], [0], [0], [1], [0, 0, 1, 1], [], []>, transpose_lhs_hint = false} : vector<1x64xf32>, vector<64x256xf32>, vector<1x256xf32> -> vector<1x256xf32>
    %slice3A_508 = vector.extract_strided_slice %get3A_494 {offsets = [0, 256], sizes = [64, 256], strides = [1, 1]} : vector<64x512xf32> to vector<64x256xf32>
    %get3A_509 = arith.constant 16 : index
    %get3A_510 = arith.constant 0 : index
    %get3A_511 = vector.load %arg0[%get3A_509, %get3A_510] : memref<20x64xf32, #tpu.memory_space<vmem>>, vector<1x64xf32>
    %get3A_512 = arith.constant 16 : index
    %get3A_513 = arith.constant 0 : index
    %get3A_514 = vector.load %arg1[%get3A_512, %get3A_513] : memref<20x64xf32, #tpu.memory_space<vmem>>, vector<1x64xf32>
    %sub3A_515 = arith.subf %get3A_514, %get3A_511 : vector<1x64xf32>
    %dot_general3A_516 = arith.constant dense<0.000000e+00> : vector<1x256xf32>
    %dot_general3A_517 = tpu.matmul %get3A_511, %slice3A_508, %dot_general3A_516 {dimension_numbers = #tpu.dot_dimension_numbers<[1], [0], [0], [1], [0, 0, 1, 1], [], []>, transpose_lhs_hint = false} : vector<1x64xf32>, vector<64x256xf32>, vector<1x256xf32> -> vector<1x256xf32>
    %add3A_518 = arith.addf %add3A_489, %dot_general3A_517 : vector<1x256xf32>
    %dot_general3A_519 = arith.constant dense<0.000000e+00> : vector<1x256xf32>
    %dot_general3A_520 = tpu.matmul %sub3A_515, %slice3A_508, %dot_general3A_519 {dimension_numbers = #tpu.dot_dimension_numbers<[1], [0], [0], [1], [0, 0, 1, 1], [], []>, transpose_lhs_hint = false} : vector<1x64xf32>, vector<64x256xf32>, vector<1x256xf32> -> vector<1x256xf32>
    %get3A_521 = arith.constant 1152 : index
    %get3A_522 = arith.constant 0 : index
    %get3A_523 = vector.load %arg5[%get3A_521, %get3A_522] : memref<1344x512xf32, #tpu.memory_space<vmem>>, vector<64x512xf32>
    %slice3A_524 = vector.extract_strided_slice %get3A_523 {offsets = [0, 0], sizes = [64, 256], strides = [1, 1]} : vector<64x512xf32> to vector<64x256xf32>
    %get3A_525 = arith.constant 17 : index
    %get3A_526 = arith.constant 0 : index
    %get3A_527 = vector.load %arg0[%get3A_525, %get3A_526] : memref<20x64xf32, #tpu.memory_space<vmem>>, vector<1x64xf32>
    %get3A_528 = arith.constant 17 : index
    %get3A_529 = arith.constant 0 : index
    %get3A_530 = vector.load %arg1[%get3A_528, %get3A_529] : memref<20x64xf32, #tpu.memory_space<vmem>>, vector<1x64xf32>
    %sub3A_531 = arith.subf %get3A_530, %get3A_527 : vector<1x64xf32>
    %dot_general3A_532 = arith.constant dense<0.000000e+00> : vector<1x256xf32>
    %dot_general3A_533 = tpu.matmul %get3A_527, %slice3A_524, %dot_general3A_532 {dimension_numbers = #tpu.dot_dimension_numbers<[1], [0], [0], [1], [0, 0, 1, 1], [], []>, transpose_lhs_hint = false} : vector<1x64xf32>, vector<64x256xf32>, vector<1x256xf32> -> vector<1x256xf32>
    %add3A_534 = arith.addf %add3A_505, %dot_general3A_533 : vector<1x256xf32>
    %dot_general3A_535 = arith.constant dense<0.000000e+00> : vector<1x256xf32>
    %dot_general3A_536 = tpu.matmul %sub3A_531, %slice3A_524, %dot_general3A_535 {dimension_numbers = #tpu.dot_dimension_numbers<[1], [0], [0], [1], [0, 0, 1, 1], [], []>, transpose_lhs_hint = false} : vector<1x64xf32>, vector<64x256xf32>, vector<1x256xf32> -> vector<1x256xf32>
    %slice3A_537 = vector.extract_strided_slice %get3A_523 {offsets = [0, 256], sizes = [64, 256], strides = [1, 1]} : vector<64x512xf32> to vector<64x256xf32>
    %get3A_538 = arith.constant 17 : index
    %get3A_539 = arith.constant 0 : index
    %get3A_540 = vector.load %arg0[%get3A_538, %get3A_539] : memref<20x64xf32, #tpu.memory_space<vmem>>, vector<1x64xf32>
    %get3A_541 = arith.constant 17 : index
    %get3A_542 = arith.constant 0 : index
    %get3A_543 = vector.load %arg1[%get3A_541, %get3A_542] : memref<20x64xf32, #tpu.memory_space<vmem>>, vector<1x64xf32>
    %sub3A_544 = arith.subf %get3A_543, %get3A_540 : vector<1x64xf32>
    %dot_general3A_545 = arith.constant dense<0.000000e+00> : vector<1x256xf32>
    %dot_general3A_546 = tpu.matmul %get3A_540, %slice3A_537, %dot_general3A_545 {dimension_numbers = #tpu.dot_dimension_numbers<[1], [0], [0], [1], [0, 0, 1, 1], [], []>, transpose_lhs_hint = false} : vector<1x64xf32>, vector<64x256xf32>, vector<1x256xf32> -> vector<1x256xf32>
    %add3A_547 = arith.addf %add3A_518, %dot_general3A_546 : vector<1x256xf32>
    %dot_general3A_548 = arith.constant dense<0.000000e+00> : vector<1x256xf32>
    %dot_general3A_549 = tpu.matmul %sub3A_544, %slice3A_537, %dot_general3A_548 {dimension_numbers = #tpu.dot_dimension_numbers<[1], [0], [0], [1], [0, 0, 1, 1], [], []>, transpose_lhs_hint = false} : vector<1x64xf32>, vector<64x256xf32>, vector<1x256xf32> -> vector<1x256xf32>
    %get3A_550 = arith.constant 1216 : index
    %get3A_551 = arith.constant 0 : index
    %get3A_552 = vector.load %arg5[%get3A_550, %get3A_551] : memref<1344x512xf32, #tpu.memory_space<vmem>>, vector<64x512xf32>
    %slice3A_553 = vector.extract_strided_slice %get3A_552 {offsets = [0, 0], sizes = [64, 256], strides = [1, 1]} : vector<64x512xf32> to vector<64x256xf32>
    %get3A_554 = arith.constant 18 : index
    %get3A_555 = arith.constant 0 : index
    %get3A_556 = vector.load %arg0[%get3A_554, %get3A_555] : memref<20x64xf32, #tpu.memory_space<vmem>>, vector<1x64xf32>
    %get3A_557 = arith.constant 18 : index
    %get3A_558 = arith.constant 0 : index
    %get3A_559 = vector.load %arg1[%get3A_557, %get3A_558] : memref<20x64xf32, #tpu.memory_space<vmem>>, vector<1x64xf32>
    %sub3A_560 = arith.subf %get3A_559, %get3A_556 : vector<1x64xf32>
    %dot_general3A_561 = arith.constant dense<0.000000e+00> : vector<1x256xf32>
    %dot_general3A_562 = tpu.matmul %get3A_556, %slice3A_553, %dot_general3A_561 {dimension_numbers = #tpu.dot_dimension_numbers<[1], [0], [0], [1], [0, 0, 1, 1], [], []>, transpose_lhs_hint = false} : vector<1x64xf32>, vector<64x256xf32>, vector<1x256xf32> -> vector<1x256xf32>
    %add3A_563 = arith.addf %add3A_534, %dot_general3A_562 : vector<1x256xf32>
    %dot_general3A_564 = arith.constant dense<0.000000e+00> : vector<1x256xf32>
    %dot_general3A_565 = tpu.matmul %sub3A_560, %slice3A_553, %dot_general3A_564 {dimension_numbers = #tpu.dot_dimension_numbers<[1], [0], [0], [1], [0, 0, 1, 1], [], []>, transpose_lhs_hint = false} : vector<1x64xf32>, vector<64x256xf32>, vector<1x256xf32> -> vector<1x256xf32>
    %slice3A_566 = vector.extract_strided_slice %get3A_552 {offsets = [0, 256], sizes = [64, 256], strides = [1, 1]} : vector<64x512xf32> to vector<64x256xf32>
    %get3A_567 = arith.constant 18 : index
    %get3A_568 = arith.constant 0 : index
    %get3A_569 = vector.load %arg0[%get3A_567, %get3A_568] : memref<20x64xf32, #tpu.memory_space<vmem>>, vector<1x64xf32>
    %get3A_570 = arith.constant 18 : index
    %get3A_571 = arith.constant 0 : index
    %get3A_572 = vector.load %arg1[%get3A_570, %get3A_571] : memref<20x64xf32, #tpu.memory_space<vmem>>, vector<1x64xf32>
    %sub3A_573 = arith.subf %get3A_572, %get3A_569 : vector<1x64xf32>
    %dot_general3A_574 = arith.constant dense<0.000000e+00> : vector<1x256xf32>
    %dot_general3A_575 = tpu.matmul %get3A_569, %slice3A_566, %dot_general3A_574 {dimension_numbers = #tpu.dot_dimension_numbers<[1], [0], [0], [1], [0, 0, 1, 1], [], []>, transpose_lhs_hint = false} : vector<1x64xf32>, vector<64x256xf32>, vector<1x256xf32> -> vector<1x256xf32>
    %add3A_576 = arith.addf %add3A_547, %dot_general3A_575 : vector<1x256xf32>
    %dot_general3A_577 = arith.constant dense<0.000000e+00> : vector<1x256xf32>
    %dot_general3A_578 = tpu.matmul %sub3A_573, %slice3A_566, %dot_general3A_577 {dimension_numbers = #tpu.dot_dimension_numbers<[1], [0], [0], [1], [0, 0, 1, 1], [], []>, transpose_lhs_hint = false} : vector<1x64xf32>, vector<64x256xf32>, vector<1x256xf32> -> vector<1x256xf32>
    %get3A_579 = arith.constant 1280 : index
    %get3A_580 = arith.constant 0 : index
    %get3A_581 = vector.load %arg5[%get3A_579, %get3A_580] : memref<1344x512xf32, #tpu.memory_space<vmem>>, vector<64x512xf32>
    %slice3A_582 = vector.extract_strided_slice %get3A_581 {offsets = [0, 0], sizes = [64, 256], strides = [1, 1]} : vector<64x512xf32> to vector<64x256xf32>
    %get3A_583 = arith.constant 19 : index
    %get3A_584 = arith.constant 0 : index
    %get3A_585 = vector.load %arg0[%get3A_583, %get3A_584] : memref<20x64xf32, #tpu.memory_space<vmem>>, vector<1x64xf32>
    %get3A_586 = arith.constant 19 : index
    %get3A_587 = arith.constant 0 : index
    %get3A_588 = vector.load %arg1[%get3A_586, %get3A_587] : memref<20x64xf32, #tpu.memory_space<vmem>>, vector<1x64xf32>
    %sub3A_589 = arith.subf %get3A_588, %get3A_585 : vector<1x64xf32>
    %dot_general3A_590 = arith.constant dense<0.000000e+00> : vector<1x256xf32>
    %dot_general3A_591 = tpu.matmul %get3A_585, %slice3A_582, %dot_general3A_590 {dimension_numbers = #tpu.dot_dimension_numbers<[1], [0], [0], [1], [0, 0, 1, 1], [], []>, transpose_lhs_hint = false} : vector<1x64xf32>, vector<64x256xf32>, vector<1x256xf32> -> vector<1x256xf32>
    %add3A_592 = arith.addf %add3A_563, %dot_general3A_591 : vector<1x256xf32>
    %dot_general3A_593 = arith.constant dense<0.000000e+00> : vector<1x256xf32>
    %dot_general3A_594 = tpu.matmul %sub3A_589, %slice3A_582, %dot_general3A_593 {dimension_numbers = #tpu.dot_dimension_numbers<[1], [0], [0], [1], [0, 0, 1, 1], [], []>, transpose_lhs_hint = false} : vector<1x64xf32>, vector<64x256xf32>, vector<1x256xf32> -> vector<1x256xf32>
    %slice3A_595 = vector.extract_strided_slice %get3A_581 {offsets = [0, 256], sizes = [64, 256], strides = [1, 1]} : vector<64x512xf32> to vector<64x256xf32>
    %get3A_596 = arith.constant 19 : index
    %get3A_597 = arith.constant 0 : index
    %get3A_598 = vector.load %arg0[%get3A_596, %get3A_597] : memref<20x64xf32, #tpu.memory_space<vmem>>, vector<1x64xf32>
    %get3A_599 = arith.constant 19 : index
    %get3A_600 = arith.constant 0 : index
    %get3A_601 = vector.load %arg1[%get3A_599, %get3A_600] : memref<20x64xf32, #tpu.memory_space<vmem>>, vector<1x64xf32>
    %sub3A_602 = arith.subf %get3A_601, %get3A_598 : vector<1x64xf32>
    %dot_general3A_603 = arith.constant dense<0.000000e+00> : vector<1x256xf32>
    %dot_general3A_604 = tpu.matmul %get3A_598, %slice3A_595, %dot_general3A_603 {dimension_numbers = #tpu.dot_dimension_numbers<[1], [0], [0], [1], [0, 0, 1, 1], [], []>, transpose_lhs_hint = false} : vector<1x64xf32>, vector<64x256xf32>, vector<1x256xf32> -> vector<1x256xf32>
    %add3A_605 = arith.addf %add3A_576, %dot_general3A_604 : vector<1x256xf32>
    %dot_general3A_606 = arith.constant dense<0.000000e+00> : vector<1x256xf32>
    %dot_general3A_607 = tpu.matmul %sub3A_602, %slice3A_595, %dot_general3A_606 {dimension_numbers = #tpu.dot_dimension_numbers<[1], [0], [0], [1], [0, 0, 1, 1], [], []>, transpose_lhs_hint = false} : vector<1x64xf32>, vector<64x256xf32>, vector<1x256xf32> -> vector<1x256xf32>
    %broadcast_in_dim3A = arith.constant 0.000000e+00 : f32
    %broadcast_in_dim3A_608 = vector.broadcast %broadcast_in_dim3A : f32 to vector<6x256xf32>
    %iota3A = tpu.iota {dimensions = array<i32: 0>} : vector<1024x16xi32>
    %iota3A_609 = tpu.iota {dimensions = array<i32: 1>} : vector<1024x16xi32>
    %shift_right_arithmetic3A = arith.shrsi %iota3A, %iota3A_609 : vector<1024x16xi32>
    %and3A = arith.constant 1 : i32
    %and3A_610 = vector.broadcast %and3A : i32 to vector<1024x16xi32>
    %and3A_611 = arith.andi %shift_right_arithmetic3A, %and3A_610 : vector<1024x16xi32>
    %convert_element_type3A = arith.sitofp %and3A_611 : vector<1024x16xi32> to vector<1024x16xf32>
    %concatenate3A = tpu.concatenate %dot_general3A_16, %dot_general3A_45, %dot_general3A_74, %dot_general3A_103, %dot_general3A_132, %dot_general3A_161, %dot_general3A_190, %dot_general3A_219, %dot_general3A_248, %dot_general3A_277, %broadcast_in_dim3A_608 in 0 : vector<1x256xf32>, vector<1x256xf32>, vector<1x256xf32>, vector<1x256xf32>, vector<1x256xf32>, vector<1x256xf32>, vector<1x256xf32>, vector<1x256xf32>, vector<1x256xf32>, vector<1x256xf32>, vector<6x256xf32> -> vector<16x256xf32>
    %dot_general3A_612 = arith.constant dense<0.000000e+00> : vector<1024x256xf32>
    %dot_general3A_613 = tpu.matmul %convert_element_type3A, %concatenate3A, %dot_general3A_612 {dimension_numbers = #tpu.dot_dimension_numbers<[1], [0], [0], [1], [0, 0, 1, 1], [], []>, transpose_lhs_hint = false} : vector<1024x16xf32>, vector<16x256xf32>, vector<1024x256xf32> -> vector<1024x256xf32>
    %add3A_614 = vector.broadcast %add3A_592 : vector<1x256xf32> to vector<1024x256xf32>
    %add3A_615 = arith.addf %dot_general3A_613, %add3A_614 : vector<1024x256xf32>
    %concatenate3A_616 = tpu.concatenate %dot_general3A_29, %dot_general3A_58, %dot_general3A_87, %dot_general3A_116, %dot_general3A_145, %dot_general3A_174, %dot_general3A_203, %dot_general3A_232, %dot_general3A_261, %dot_general3A_290, %broadcast_in_dim3A_608 in 0 : vector<1x256xf32>, vector<1x256xf32>, vector<1x256xf32>, vector<1x256xf32>, vector<1x256xf32>, vector<1x256xf32>, vector<1x256xf32>, vector<1x256xf32>, vector<1x256xf32>, vector<1x256xf32>, vector<6x256xf32> -> vector<16x256xf32>
    %dot_general3A_617 = arith.constant dense<0.000000e+00> : vector<1024x256xf32>
    %dot_general3A_618 = tpu.matmul %convert_element_type3A, %concatenate3A_616, %dot_general3A_617 {dimension_numbers = #tpu.dot_dimension_numbers<[1], [0], [0], [1], [0, 0, 1, 1], [], []>, transpose_lhs_hint = false} : vector<1024x16xf32>, vector<16x256xf32>, vector<1024x256xf32> -> vector<1024x256xf32>
    %add3A_619 = vector.broadcast %add3A_605 : vector<1x256xf32> to vector<1024x256xf32>
    %add3A_620 = arith.addf %dot_general3A_618, %add3A_619 : vector<1024x256xf32>
    %concatenate3A_621 = tpu.concatenate %dot_general3A_306, %dot_general3A_362, %dot_general3A_391, %dot_general3A_420, %dot_general3A_449, %dot_general3A_478, %dot_general3A_507, %dot_general3A_536, %dot_general3A_565, %dot_general3A_594, %broadcast_in_dim3A_608 in 0 : vector<1x256xf32>, vector<1x256xf32>, vector<1x256xf32>, vector<1x256xf32>, vector<1x256xf32>, vector<1x256xf32>, vector<1x256xf32>, vector<1x256xf32>, vector<1x256xf32>, vector<1x256xf32>, vector<6x256xf32> -> vector<16x256xf32>
    %dot_general3A_622 = arith.constant dense<0.000000e+00> : vector<1024x256xf32>
    %dot_general3A_623 = tpu.matmul %convert_element_type3A, %concatenate3A_621, %dot_general3A_622 {dimension_numbers = #tpu.dot_dimension_numbers<[1], [0], [0], [1], [0, 0, 1, 1], [], []>, transpose_lhs_hint = false} : vector<1024x16xf32>, vector<16x256xf32>, vector<1024x256xf32> -> vector<1024x256xf32>
    %concatenate3A_624 = tpu.concatenate %dot_general3A_319, %dot_general3A_375, %dot_general3A_404, %dot_general3A_433, %dot_general3A_462, %dot_general3A_491, %dot_general3A_520, %dot_general3A_549, %dot_general3A_578, %dot_general3A_607, %broadcast_in_dim3A_608 in 0 : vector<1x256xf32>, vector<1x256xf32>, vector<1x256xf32>, vector<1x256xf32>, vector<1x256xf32>, vector<1x256xf32>, vector<1x256xf32>, vector<1x256xf32>, vector<1x256xf32>, vector<1x256xf32>, vector<6x256xf32> -> vector<16x256xf32>
    %dot_general3A_625 = arith.constant dense<0.000000e+00> : vector<1024x256xf32>
    %dot_general3A_626 = tpu.matmul %convert_element_type3A, %concatenate3A_624, %dot_general3A_625 {dimension_numbers = #tpu.dot_dimension_numbers<[1], [0], [0], [1], [0, 0, 1, 1], [], []>, transpose_lhs_hint = false} : vector<1024x16xf32>, vector<16x256xf32>, vector<1024x256xf32> -> vector<1024x256xf32>
    %bitcast_convert_type3A = tpu.bitcast %add3A_615 : vector<1024x256xf32> -> vector<1024x256xi32>
    %add3A_627 = arith.constant 32767 : i32
    %add3A_628 = vector.broadcast %add3A_627 : i32 to vector<1024x256xi32>
    %add3A_629 = arith.addi %bitcast_convert_type3A, %add3A_628 : vector<1024x256xi32>
    %shift_right_arithmetic3A_630 = arith.constant 16 : i32
    %shift_right_arithmetic3A_631 = vector.broadcast %shift_right_arithmetic3A_630 : i32 to vector<1024x256xi32>
    %shift_right_arithmetic3A_632 = arith.shrsi %bitcast_convert_type3A, %shift_right_arithmetic3A_631 : vector<1024x256xi32>
    %and3A_633 = arith.constant 1 : i32
    %and3A_634 = vector.broadcast %and3A_633 : i32 to vector<1024x256xi32>
    %and3A_635 = arith.andi %shift_right_arithmetic3A_632, %and3A_634 : vector<1024x256xi32>
    %add3A_636 = arith.addi %add3A_629, %and3A_635 : vector<1024x256xi32>
    %shift_right_arithmetic3A_637 = arith.constant 16 : i32
    %shift_right_arithmetic3A_638 = vector.broadcast %shift_right_arithmetic3A_637 : i32 to vector<1024x256xi32>
    %shift_right_arithmetic3A_639 = arith.shrsi %add3A_636, %shift_right_arithmetic3A_638 : vector<1024x256xi32>
    %and3A_640 = arith.constant 65535 : i32
    %and3A_641 = vector.broadcast %and3A_640 : i32 to vector<1024x256xi32>
    %and3A_642 = arith.andi %shift_right_arithmetic3A_639, %and3A_641 : vector<1024x256xi32>
    %bitcast_convert_type3A_643 = tpu.bitcast %add3A_620 : vector<1024x256xf32> -> vector<1024x256xi32>
    %add3A_644 = arith.constant 32767 : i32
    %add3A_645 = vector.broadcast %add3A_644 : i32 to vector<1024x256xi32>
    %add3A_646 = arith.addi %bitcast_convert_type3A_643, %add3A_645 : vector<1024x256xi32>
    %shift_right_arithmetic3A_647 = arith.constant 16 : i32
    %shift_right_arithmetic3A_648 = vector.broadcast %shift_right_arithmetic3A_647 : i32 to vector<1024x256xi32>
    %shift_right_arithmetic3A_649 = arith.shrsi %bitcast_convert_type3A_643, %shift_right_arithmetic3A_648 : vector<1024x256xi32>
    %and3A_650 = arith.constant 1 : i32
    %and3A_651 = vector.broadcast %and3A_650 : i32 to vector<1024x256xi32>
    %and3A_652 = arith.andi %shift_right_arithmetic3A_649, %and3A_651 : vector<1024x256xi32>
    %add3A_653 = arith.addi %add3A_646, %and3A_652 : vector<1024x256xi32>
    %shift_right_arithmetic3A_654 = arith.constant 16 : i32
    %shift_right_arithmetic3A_655 = vector.broadcast %shift_right_arithmetic3A_654 : i32 to vector<1024x256xi32>
    %shift_right_arithmetic3A_656 = arith.shrsi %add3A_653, %shift_right_arithmetic3A_655 : vector<1024x256xi32>
    %and3A_657 = arith.constant 65535 : i32
    %and3A_658 = vector.broadcast %and3A_657 : i32 to vector<1024x256xi32>
    %and3A_659 = arith.andi %shift_right_arithmetic3A_656, %and3A_658 : vector<1024x256xi32>
    %shift_left3A = arith.constant 16 : i32
    %shift_left3A_660 = vector.broadcast %shift_left3A : i32 to vector<1024x256xi32>
    %shift_left3A_661 = arith.shli %and3A_659, %shift_left3A_660 : vector<1024x256xi32>
    %or3A = arith.ori %and3A_642, %shift_left3A_661 : vector<1024x256xi32>
    %swap3A = arith.constant 0 : index
    %swap3A_662 = arith.constant 0 : index
    %swap3A_663 = vector.load %arg7[%swap3A, %swap3A_662] : memref<1024x256xi32, #tpu.memory_space<vmem>>, vector<1024x256xi32>
    tpu.vector_store %arg7[%swap3A, %swap3A_662], %or3A {strides = array<i32>} : memref<1024x256xi32, #tpu.memory_space<vmem>>, vector<1024x256xi32>,
    %bitcast_convert_type3A_664 = tpu.bitcast %dot_general3A_623 : vector<1024x256xf32> -> vector<1024x256xi32>
    %add3A_665 = arith.constant 32767 : i32
    %add3A_666 = vector.broadcast %add3A_665 : i32 to vector<1024x256xi32>
    %add3A_667 = arith.addi %bitcast_convert_type3A_664, %add3A_666 : vector<1024x256xi32>
    %shift_right_arithmetic3A_668 = arith.constant 16 : i32
    %shift_right_arithmetic3A_669 = vector.broadcast %shift_right_arithmetic3A_668 : i32 to vector<1024x256xi32>
    %shift_right_arithmetic3A_670 = arith.shrsi %bitcast_convert_type3A_664, %shift_right_arithmetic3A_669 : vector<1024x256xi32>
    %and3A_671 = arith.constant 1 : i32
    %and3A_672 = vector.broadcast %and3A_671 : i32 to vector<1024x256xi32>
    %and3A_673 = arith.andi %shift_right_arithmetic3A_670, %and3A_672 : vector<1024x256xi32>
    %add3A_674 = arith.addi %add3A_667, %and3A_673 : vector<1024x256xi32>
    %shift_right_arithmetic3A_675 = arith.constant 16 : i32
    %shift_right_arithmetic3A_676 = vector.broadcast %shift_right_arithmetic3A_675 : i32 to vector<1024x256xi32>
    %shift_right_arithmetic3A_677 = arith.shrsi %add3A_674, %shift_right_arithmetic3A_676 : vector<1024x256xi32>
    %and3A_678 = arith.constant 65535 : i32
    %and3A_679 = vector.broadcast %and3A_678 : i32 to vector<1024x256xi32>
    %and3A_680 = arith.andi %shift_right_arithmetic3A_677, %and3A_679 : vector<1024x256xi32>
    %bitcast_convert_type3A_681 = tpu.bitcast %dot_general3A_626 : vector<1024x256xf32> -> vector<1024x256xi32>
    %add3A_682 = arith.constant 32767 : i32
    %add3A_683 = vector.broadcast %add3A_682 : i32 to vector<1024x256xi32>
    %add3A_684 = arith.addi %bitcast_convert_type3A_681, %add3A_683 : vector<1024x256xi32>
    %shift_right_arithmetic3A_685 = arith.constant 16 : i32
    %shift_right_arithmetic3A_686 = vector.broadcast %shift_right_arithmetic3A_685 : i32 to vector<1024x256xi32>
    %shift_right_arithmetic3A_687 = arith.shrsi %bitcast_convert_type3A_681, %shift_right_arithmetic3A_686 : vector<1024x256xi32>
    %and3A_688 = arith.constant 1 : i32
    %and3A_689 = vector.broadcast %and3A_688 : i32 to vector<1024x256xi32>
    %and3A_690 = arith.andi %shift_right_arithmetic3A_687, %and3A_689 : vector<1024x256xi32>
    %add3A_691 = arith.addi %add3A_684, %and3A_690 : vector<1024x256xi32>
    %shift_right_arithmetic3A_692 = arith.constant 16 : i32
    %shift_right_arithmetic3A_693 = vector.broadcast %shift_right_arithmetic3A_692 : i32 to vector<1024x256xi32>
    %shift_right_arithmetic3A_694 = arith.shrsi %add3A_691, %shift_right_arithmetic3A_693 : vector<1024x256xi32>
    %and3A_695 = arith.constant 65535 : i32
    %and3A_696 = vector.broadcast %and3A_695 : i32 to vector<1024x256xi32>
    %and3A_697 = arith.andi %shift_right_arithmetic3A_694, %and3A_696 : vector<1024x256xi32>
    %shift_left3A_698 = arith.constant 16 : i32
    %shift_left3A_699 = vector.broadcast %shift_left3A_698 : i32 to vector<1024x256xi32>
    %shift_left3A_700 = arith.shli %and3A_697, %shift_left3A_699 : vector<1024x256xi32>
    %or3A_701 = arith.ori %and3A_680, %shift_left3A_700 : vector<1024x256xi32>
    %swap3A_702 = arith.constant 0 : index
    %swap3A_703 = arith.constant 0 : index
    %swap3A_704 = vector.load %arg8[%swap3A_702, %swap3A_703] : memref<1024x256xi32, #tpu.memory_space<vmem>>, vector<1024x256xi32>
    tpu.vector_store %arg8[%swap3A_702, %swap3A_703], %or3A_701 {strides = array<i32>} : memref<1024x256xi32, #tpu.memory_space<vmem>>, vector<1024x256xi32>,
    %bitcast_convert_type3A_705 = tpu.bitcast %dot_general3A_328 : vector<8x256xf32> -> vector<8x256xi32>
    %add3A_706 = arith.constant 32767 : i32
    %add3A_707 = vector.broadcast %add3A_706 : i32 to vector<8x256xi32>
    %add3A_708 = arith.addi %bitcast_convert_type3A_705, %add3A_707 : vector<8x256xi32>
    %shift_right_arithmetic3A_709 = arith.constant 16 : i32
    %shift_right_arithmetic3A_710 = vector.broadcast %shift_right_arithmetic3A_709 : i32 to vector<8x256xi32>
    %shift_right_arithmetic3A_711 = arith.shrsi %bitcast_convert_type3A_705, %shift_right_arithmetic3A_710 : vector<8x256xi32>
    %and3A_712 = arith.constant 1 : i32
    %and3A_713 = vector.broadcast %and3A_712 : i32 to vector<8x256xi32>
    %and3A_714 = arith.andi %shift_right_arithmetic3A_711, %and3A_713 : vector<8x256xi32>
    %add3A_715 = arith.addi %add3A_708, %and3A_714 : vector<8x256xi32>
    %shift_right_arithmetic3A_716 = arith.constant 16 : i32
    %shift_right_arithmetic3A_717 = vector.broadcast %shift_right_arithmetic3A_716 : i32 to vector<8x256xi32>
    %shift_right_arithmetic3A_718 = arith.shrsi %add3A_715, %shift_right_arithmetic3A_717 : vector<8x256xi32>
    %and3A_719 = arith.constant 65535 : i32
    %and3A_720 = vector.broadcast %and3A_719 : i32 to vector<8x256xi32>
    %and3A_721 = arith.andi %shift_right_arithmetic3A_718, %and3A_720 : vector<8x256xi32>
    %bitcast_convert_type3A_722 = tpu.bitcast %dot_general3A_340 : vector<8x256xf32> -> vector<8x256xi32>
    %add3A_723 = arith.constant 32767 : i32
    %add3A_724 = vector.broadcast %add3A_723 : i32 to vector<8x256xi32>
    %add3A_725 = arith.addi %bitcast_convert_type3A_722, %add3A_724 : vector<8x256xi32>
    %shift_right_arithmetic3A_726 = arith.constant 16 : i32
    %shift_right_arithmetic3A_727 = vector.broadcast %shift_right_arithmetic3A_726 : i32 to vector<8x256xi32>
    %shift_right_arithmetic3A_728 = arith.shrsi %bitcast_convert_type3A_722, %shift_right_arithmetic3A_727 : vector<8x256xi32>
    %and3A_729 = arith.constant 1 : i32
    %and3A_730 = vector.broadcast %and3A_729 : i32 to vector<8x256xi32>
    %and3A_731 = arith.andi %shift_right_arithmetic3A_728, %and3A_730 : vector<8x256xi32>
    %add3A_732 = arith.addi %add3A_725, %and3A_731 : vector<8x256xi32>
    %shift_right_arithmetic3A_733 = arith.constant 16 : i32
    %shift_right_arithmetic3A_734 = vector.broadcast %shift_right_arithmetic3A_733 : i32 to vector<8x256xi32>
    %shift_right_arithmetic3A_735 = arith.shrsi %add3A_732, %shift_right_arithmetic3A_734 : vector<8x256xi32>
    %and3A_736 = arith.constant 65535 : i32
    %and3A_737 = vector.broadcast %and3A_736 : i32 to vector<8x256xi32>
    %and3A_738 = arith.andi %shift_right_arithmetic3A_735, %and3A_737 : vector<8x256xi32>
    %shift_left3A_739 = arith.constant 16 : i32
    %shift_left3A_740 = vector.broadcast %shift_left3A_739 : i32 to vector<8x256xi32>
    %shift_left3A_741 = arith.shli %and3A_738, %shift_left3A_740 : vector<8x256xi32>
    %or3A_742 = arith.ori %and3A_721, %shift_left3A_741 : vector<8x256xi32>
    %swap3A_743 = arith.constant 0 : index
    %swap3A_744 = arith.constant 0 : index
    %swap3A_745 = vector.load %arg9[%swap3A_743, %swap3A_744] : memref<8x256xi32, #tpu.memory_space<vmem>>, vector<8x256xi32>
    tpu.vector_store %arg9[%swap3A_743, %swap3A_744], %or3A_742 {strides = array<i32>} : memref<8x256xi32, #tpu.memory_space<vmem>>, vector<8x256xi32>,
    %iota3A_746 = tpu.iota {dimensions = array<i32: 0>} : vector<8x20xi32>
    %iota3A_747 = tpu.iota {dimensions = array<i32: 1>} : vector<8x20xi32>
    %eq3A = arith.constant 0 : i32
    %eq3A_748 = vector.broadcast %eq3A : i32 to vector<8x20xi32>
    %eq3A_749 = arith.cmpi eq, %iota3A_746, %eq3A_748 : vector<8x20xi32>
    %lt3A = arith.constant 10 : i32
    %lt3A_750 = vector.broadcast %lt3A : i32 to vector<8x20xi32>
    %lt3A_751 = arith.cmpi slt, %iota3A_747, %lt3A_750 : vector<8x20xi32>
    %and3A_752 = arith.andi %eq3A_749, %lt3A_751 : vector<8x20xi1>
    %eq3A_753 = arith.constant 1 : i32
    %eq3A_754 = vector.broadcast %eq3A_753 : i32 to vector<8x20xi32>
    %eq3A_755 = arith.cmpi eq, %iota3A_746, %eq3A_754 : vector<8x20xi32>
    %ge3A = arith.constant 10 : i32
    %ge3A_756 = vector.broadcast %ge3A : i32 to vector<8x20xi32>
    %ge3A_757 = arith.cmpi sge, %iota3A_747, %ge3A_756 : vector<8x20xi32>
    %and3A_758 = arith.andi %eq3A_755, %ge3A_757 : vector<8x20xi1>
    %or3A_759 = arith.ori %and3A_752, %and3A_758 : vector<8x20xi1>
    %eq3A_760 = arith.constant 0 : i32
    %eq3A_761 = vector.broadcast %eq3A_760 : i32 to vector<8x20xi32>
    %eq3A_762 = arith.cmpi eq, %iota3A_746, %eq3A_761 : vector<8x20xi32>
    %sub3A_763 = arith.constant 10 : i32
    %sub3A_764 = vector.broadcast %sub3A_763 : i32 to vector<8x20xi32>
    %sub3A_765 = arith.subi %iota3A_747, %sub3A_764 : vector<8x20xi32>
    %select_n3A = arith.select %eq3A_762, %iota3A_747, %sub3A_765 : vector<8x20xi1>, vector<8x20xi32>
    %jit3A = arith.constant 0 : i32
    %broadcast_in_dim3A_766 = vector.broadcast %jit3A : i32 to vector<8x20xi32>
    %select_n3A_767 = arith.select %or3A_759, %select_n3A, %broadcast_in_dim3A_766 : vector<8x20xi1>, vector<8x20xi32>
    %shift_left3A_768 = arith.constant 1 : i32
    %shift_left3A_769 = vector.broadcast %shift_left3A_768 : i32 to vector<8x20xi32>
    %shift_left3A_770 = arith.shli %shift_left3A_769, %select_n3A_767 : vector<8x20xi32>
    %jit3A_771 = arith.constant 0 : i32
    %broadcast_in_dim3A_772 = vector.broadcast %jit3A_771 : i32 to vector<8x20xi32>
    %select_n3A_773 = arith.select %or3A_759, %shift_left3A_770, %broadcast_in_dim3A_772 : vector<8x20xi1>, vector<8x20xi32>
    %convert_element_type3A_774 = arith.sitofp %select_n3A_773 : vector<8x20xi32> to vector<8x20xf32>
    %get3A_775 = arith.constant 0 : index
    %get3A_776 = arith.constant 0 : index
    %get3A_777 = vector.load %arg4[%get3A_775, %get3A_776] : memref<20x16384xf32, #tpu.memory_space<vmem>>, vector<20x16384xf32>
    %dot_general3A_778 = arith.constant dense<0.000000e+00> : vector<8x16384xf32>
    %dot_general3A_779 = tpu.matmul %convert_element_type3A_774, %get3A_777, %dot_general3A_778 {dimension_numbers = #tpu.dot_dimension_numbers<[1], [0], [0], [1], [0, 0, 1, 1], [], []>, transpose_lhs_hint = false} : vector<8x20xf32>, vector<20x16384xf32>, vector<8x16384xf32> -> vector<8x16384xf32>
    %convert_element_type3A_780 = arith.fptosi %dot_general3A_779 : vector<8x16384xf32> to vector<8x16384xi32>
    %swap3A_781 = arith.constant 0 : index
    %swap3A_782 = arith.constant 0 : index
    %swap3A_783 = vector.load %arg10[%swap3A_781, %swap3A_782] : memref<8x16384xi32, #tpu.memory_space<vmem>>, vector<8x16384xi32>
    tpu.vector_store %arg10[%swap3A_781, %swap3A_782], %convert_element_type3A_780 {strides = array<i32>} : memref<8x16384xi32, #tpu.memory_space<vmem>>, vector<8x16384xi32>,
    return
  }
}

</mosaic_0001>

<sc_bundles>
// kernel: kernel.4.cloned.1.call-start
scs
__scs_entry_jumppad:
0x0: {  	(pc) =	sbr.rel $0x88, $3  }
0x1: {  	(tag) =	ssettag $0x0;
	lr =	simm.s32 $0x1  }
0x2: {  	[smem:$0x3F74] =	sst lr;
	_ =	strace $0xD0000000  }
0x3: {  	_ = 	snop  }
0x4: {  	_ = 	snop  }
0x5: {  	_ = 	snop  }
0x6: {  	_ = 	snop  }
0x7: {  	_ = 	snop  }
__scs_overlays_trampoline_lowered:
0x8: {  	[smem:$0x3F83] =	sst s0  }
0x9: {  	[smem:$0x3F84] =	sst s1  }
0xa: {  	[smem:$0x3F85] =	sst s2  }
0xb: {  	[smem:$0x3F86] =	sst s3  }
0xc: {  	[smem:$0x3F87] =	sst s4  }
0xd: {  	[smem:$0x3F88] =	sst s5  }
0xe: {  	[smem:$0x3F89] =	sst s6  }
0xf: {  	[smem:$0x3F8A] =	sst s7  }
0x10: {  	[smem:$0x3F8B] =	sst s8  }
0x11: {  	[smem:$0x3F8C] =	sst s9;
	s0 =	simm.s32 @!p0 $0x0  }
0x12: {  	s1 =	sld [smem:$0x3F72];
	s0 =	simm.s32 @p0 $0x1  }
0x13: {  	[smem:$0x3F8D] =	sst s0;
	s0 =	simm.s32 @!p1 $0x0  }
0x14: {  	s2 =	sld [smem:$0x3F71];
	s0 =	simm.s32 @p1 $0x1  }
0x15: {  	[smem:$0x3F8E] =	sst s0;
	s0 =	simm.s32 @!p2 $0x0  }
0x16: {  	s3 =	sld [smem:$0x3FDB];
	s0 =	simm.s32 @p2 $0x1  }
0x17: {  	s4 =	simm.s32 $0x1BF5;
	[smem:$0x3F90] =	sst s0  }
0x18: {  	s0 =	sld [smem:$0x3F73];
	_ =	swait.ge [sflag:s4], $0x0  }
0x19: {  	s7 =	sld [smem:$0x3F74]  }
0x1a: {  	s8 =	sadd.s32 $0xFFFFE003, lr  }
0x1b: {  	s9 =	sadd.s32 $0xFFFFFEF7, lr;
	s5 =	simm.s32 $0xFFFFFFFF;
	p2 =	slt.u32 s8, $0xFFFFF086  }
0x1c: {  	p1 =	slt.u32 s9, $0xF7A;
	s5 =	simm.s32 @!p2 $0x0  }
0x1d: {  	s5 =	simm.s32 @p1 $0x1;
	p0 =	seq.s32 s7, s2  }
0x1e: {  	s7 =	smul.u32 @!p0 $0xF7A, s2;
	p2 =	seq.s32 @!p0 s5, $0x0  }
0x1f: {  	s9 =	smul.u32 $0xF7A, s1;
	s8 =	simm.s32 @!p0 $0x1BF5;
	p2 =	por !p2, p0  }
0x20: {  	[sflag:s8] =	ssyncset.s32 @!p0 $0xFFFFF086;
	s6 =	sadd.s32 @!p0 s3, s7;
	s7 =	simm.s32 @!p0 $0x108  }
0x21: {  	s3 =	sadd.s32 s3, s9;
	s6 =	sadd.s32 @!p0 $0x88, s6;
	s7 =	simm.s32 @p2 $0x1082  }
0x22: {  	[simem:s7], [sflag:s8] =	dma.local @!p0 [hbm:s6], $0xF7A  }
0x23: {  	s9 =	sor.u32 $0xD0000000, s2;
	s6 =	simm.s32 $0x108;
	_ =	swait.ge @!p0 [sflag:s8], $0x0  }
0x24: {  	s3 =	sadd.s32 $0x88, s3;
	s6 =	simm.s32 @!p1 $0x1082;
	[sflag:s4] =	ssyncset.s32 $0xFFFFF086  }
0x25: {  	[simem:s6], [sflag:s4] =	dma.local [hbm:s3], $0xF7A  }
0x26: {  	[smem:$0x3F74] =	sst s1;
	(tag) =	ssettag s2;
	_ =	strace s9  }
0x27: {  	s1 =	sld [smem:$0x3F84]  }
0x28: {  	s2 =	sld [smem:$0x3F85]  }
0x29: {  	s4 =	sld [smem:$0x3F87]  }
0x2a: {  	p0 =	seq.s32 s5, $0x0;
	s5 =	sld [smem:$0x3F88]  }
0x2b: {  	s6 =	sld [smem:$0x3F89]  }
0x2c: {  	s7 =	sld [smem:$0x3F8A]  }
0x2d: {  	s3 =	simm.s32 $0x108;
	s8 =	sld [smem:$0x3F8B]  }
0x2e: {  	s3 =	simm.s32 @!p0 $0x1082;
	s9 =	sld [smem:$0x3F8C]  }
0x2f: {  	lr =	sadd.s32 s0, s3;
	s0 =	sld [smem:$0x3F83]  }
0x30: {  	s3 =	sld [smem:$0x3F86]  }
0x31: {  	[smem:$0x3F8F] =	sst s10  }
0x32: {  	s10 =	sld [smem:$0x3F8D];
	_ =	sdelay $0x3  }
0x33: {  	p0 =	seq.s32 s10, $0x1;
	s10 =	sld [smem:$0x3F8F];
	_ =	sdelay $0x3  }
0x34: {  	[smem:$0x3F8F] =	sst s10  }
0x35: {  	s10 =	sld [smem:$0x3F8E];
	_ =	sdelay $0x3  }
0x36: {  	p1 =	seq.s32 s10, $0x1;
	s10 =	sld [smem:$0x3F8F];
	_ =	sdelay $0x3  }
0x37: {  	[smem:$0x3F8F] =	sst s10  }
0x38: {  	s10 =	sld [smem:$0x3F90]  }
0x39: {  	_ = 	snop;
	(pc) =	sbr.ind lr, $3  }
0x3a: {  	_ = 	snop  }
0x3b: {  	_ = 	snop  }
0x3c: {  	p2 =	seq.s32 s10, $0x1;
	s10 =	sld [smem:$0x3F8F]  }
0x3d: {  	_ =	shalt  }
0x3e: {  	_ =	shalt  }
0x3f: {  	_ =	shalt  }
0x40: {  	_ =	shalt  }
0x41: {  	_ =	shalt  }
0x42: {  	_ =	shalt  }
0x43: {  	_ =	shalt  }
0x44: {  	_ =	shalt  }
0x45: {  	_ =	shalt  }
0x46: {  	_ =	shalt  }
0x47: {  	_ =	shalt  }
0x48: {  	_ =	shalt  }
0x49: {  	_ =	shalt  }
0x4a: {  	_ =	shalt  }
0x4b: {  	_ =	shalt  }
0x4c: {  	_ =	shalt  }
0x4d: {  	_ =	shalt  }
0x4e: {  	_ =	shalt  }
0x4f: {  	_ =	shalt  }
0x50: {  	_ =	shalt  }
0x51: {  	_ =	shalt  }
0x52: {  	_ =	shalt  }
0x53: {  	_ =	shalt  }
0x54: {  	_ =	shalt  }
0x55: {  	_ =	shalt  }
0x56: {  	_ =	shalt  }
0x57: {  	_ =	shalt  }
0x58: {  	_ =	shalt  }
0x59: {  	_ =	shalt  }
0x5a: {  	_ =	shalt  }
0x5b: {  	_ =	shalt  }
0x5c: {  	_ =	shalt  }
0x5d: {  	_ =	shalt  }
0x5e: {  	_ =	shalt  }
0x5f: {  	_ =	shalt  }
0x60: {  	_ =	shalt  }
0x61: {  	_ =	shalt  }
0x62: {  	_ =	shalt  }
0x63: {  	_ =	shalt  }
0x64: {  	_ =	shalt  }
0x65: {  	_ =	shalt  }
0x66: {  	_ =	shalt  }
0x67: {  	_ =	shalt  }
0x68: {  	_ =	shalt  }
0x69: {  	_ =	shalt  }
0x6a: {  	_ =	shalt  }
0x6b: {  	_ =	shalt  }
0x6c: {  	_ =	shalt  }
0x6d: {  	_ =	shalt  }
0x6e: {  	_ =	shalt  }
0x6f: {  	_ =	shalt  }
0x70: {  	_ =	shalt  }
0x71: {  	_ =	shalt  }
0x72: {  	_ =	shalt  }
0x73: {  	_ =	shalt  }
0x74: {  	_ =	shalt  }
0x75: {  	_ =	shalt  }
0x76: {  	_ =	shalt  }
0x77: {  	_ =	shalt  }
0x78: {  	_ =	shalt  }
0x79: {  	_ =	shalt  }
0x7a: {  	_ =	shalt  }
0x7b: {  	_ =	shalt  }
0x7c: {  	_ =	shalt  }
0x7d: {  	_ =	shalt  }
0x7e: {  	_ =	shalt  }
0x7f: {  	_ =	shalt  }
0x80: {  	_ =	shalt  }
0x81: {  	_ =	shalt  }
0x82: {  	_ =	shalt  }
0x83: {  	_ =	shalt  }
0x84: {  	_ =	shalt  }
0x85: {  	_ =	shalt  }
0x86: {  	_ =	shalt  }
0x87: {  	_ =	shalt  }
.Lfunc_end0:
.L_simem_size_0:
called_computation_lowered:
.L_overlay_start_0:
0x88: {  	s2 =	sld [smem:$0x3FD9]  }
0x89: {  	s3 =	sld [smem:$0x3FFE];
	_ =	sdelay $0x1  }
0x8a: {  	s1 =	srdreg.scid  }
0x8b: {  	s0 =	sand.u32 $0x1, s1  }
0x8c: {  	s17 =	sshll.u32 s0, $0xA;
	s2 =	sadd.s32 s3, s2  }
0x8d: {  	s2 =	sadd.s32 s2, s17  }
0x8e: {  	[smem:$0x3F9B] =	sst s2  }
0x8f: {  	_ = 	snop  }
0x90: {  	s2 =	sld [smem:$0x3FA1]  }
0x91: {  	s18 =	sld [smem:$0x3FD0];
	(tm) =	ssettm $0x1  }
0x92: {  	s4 =	sld [smem:$0x3FFB];
	_ =	sdelay $0x3  }
0x93: {  	_ =	strace s4  }
0x94: {  	s4 =	sld [smem:$0x3FFC];
	_ =	sdelay $0x3  }
0x95: {  	_ =	strace s4  }
0x96: {  	s4 =	sld [smem:$0x3FFD];
	_ =	sdelay $0x3  }
0x97: {  	_ =	strace s4  }
0x98: {  	_ =	strace $0x8FFFFFFF  }
0x99: {  	s19 =	sld [smem:$0x3FDB];
	_ =	sdelay $0x1  }
0x9a: {  	s5 =	simm.s32 $_scs_section_size  }
0x9b: {  	s6 =	simm.s32 $_size__tile_overlayer_lowered;
	s7 =	simm.s32 $_tile_overlayer_lowered  }
0x9c: {  	s22 =	simm.s32 $0x1BFF;
	s21 =	sshll.u32 s7, $0x1;
	s4 =	sadd.s32 s5, s19  }
0x9d: {  	s8 =	simm.s32 $0x0;
	s20 =	sshll.u32 s6, $0x1;
	s6 =	sadd.s32 s21, s4  }
0x9e: {  	[timem:s8], [sflag:s22] =	dma.local [hbm:s6], s20  }
0x9f: {  	_ =	swait.ge [sflag:s22], s20  }
0xa0: {  	s5 =	ssub.s32 $0x0, s20;
	[sflag:s22] =	ssyncset.done $0x0  }
0xa1: {  	[sflag:s22] =	ssyncadd.s32 s5;
	_ =	sdelay $0x1  }
0xa2: {  	s23 =	simm.s32 $0x1B8B  }
0xa3: {  	_ =	swait.ge [sflag:s23], $0x1  }
0xa4: {  	[sflag:s23] =	ssyncset.done $0x0  }
0xa5: {  	s25 =	simm.s32 $0x1B8E;
	s24 =	sld [smem:$0x3FFE];
	[sflag:s23] =	ssyncadd.s32 $0xFFFFFFFF  }
0xa6: {  	s26 =	simm.s32 $execute0_lowered;
	[smem:$0x3FD2] =	sst s25  }
0xa7: {  	s6 =	sshll.u32 s26, $0x1;
	_ =	strace $0x80000046;
	[dreg:$0x1] =	wrdreg $0xFFFFFFFF  }
0xa8: {  	s28 =	simm.s32 $_size_execute0_lowered;
	s4 =	sadd.s32 s4, s6;
	[dreg:$0x0] =	wrdreg $0x0  }
0xa9: {  	s6 =	sshll.u32 s28, $0x1;
	[dreg:$0x2] =	wrdreg s4  }
0xaa: {  	[dreg:$0x3] =	wrdreg s6  }
0xab: {  	[dreg:$0x4] =	wrdreg $0xC0  }
0xac: {  	_ =	task [dreg:s8], $0x5FFFF  }
0xad: {  	[dreg:$0x1] =	wrdreg $0xFFFFFFFF  }
0xae: {  	[dreg:$0x0] =	wrdreg $0x60  }
0xaf: {  	[dreg:$0x2] =	wrdreg s24  }
0xb0: {  	[dreg:$0x3] =	wrdreg s2  }
0xb1: {  	[dreg:$0x4] =	wrdreg s18  }
0xb2: {  	[dreg:$0x5] =	wrdreg $0x9  }
0xb3: {  	_ =	task.clear_ibuf [dreg:s8], $0x6FFFF;
	_ =	strace $0x90000046  }
0xb4: {  	s29 =	simm.s32 $0x9;
	_ =	strace $0x80000048  }
0xb5: {  	_ =	swait.ge [sflag:s29], $0x1  }
0xb6: {  	[sflag:s29] =	ssyncadd.s32 $0xFFFFFFFF  }
0xb7: {  	_ =	strace $0x90000048  }
0xb8: {  	_ =	sfence  }
0xb9: {  	s30 =	sld [smem:$0x0];
	_ =	sdelay $0x2  }
0xba: {  	s31 =	sshll.u32 s1, $0xD;
	s1 =	sshrl.u32 s1, $0x2  }
0xbb: {  	s3 =	sand.u32 $0x4000, s31;
	s1 =	sadd.s32 s1, s30  }
0xbc: {  	s0 =	sor.u32 s3, s0;
	s1 =	sshll.u32 s1, $0x11  }
0xbd: {  	s0 =	sor.u32 s1, s0  }
0xbe: {  	s0 =	sadd.s32 $0x8F2B, s0  }
0xbf: {  	[sflag:s0] =	ssyncadd.remote.s32 $0x1  }
0xc0: {  	_ =	sfence.sel $0xFFFF  }
0xc1: {  	[dreg:$0x0] =	wrdreg $0xFFFFFFFF;
	(pc) =	sbr.abs _section_cstart, $3  }
0xc2: {  	[dreg:$0x1] =	wrdreg $0xFFFFFFFF  }
0xc3: {  	_ =	task.clear_ibuf [dreg:s8], $0x2FFFF;
	_ =	strace $0x9FFFFFFF  }
0xc4: {  	(tm) =	ssettm $0x7FFFFFFF  }
0xc5: {  	_ =	shalt  }
tec
execute0_lowered:
.L_overlay_start_1:
0x0: {  	(tag) =	ssettag $0x1  }
0x1: {  	s0 =	rddreg [dreg:$0x0]  }
0x2: {  	s1 =	rddreg [dreg:$0x1]  }
0x3: {  	s5 =	rddreg [dreg:$0x2];
	s2 =	simm.s32 $0x0;
	s3 =	srdreg.scid  }
0x4: {  	s4 =	stileid.u32;
	s12 =	simm.s32 $0x100;
	s13 =	simm.s32 $0x400  }
0x5: {  	s15 =	simm.s32 $0x5;
	s16 =	simm.s32 $0x80;
	s18 =	simm.s32 $0x600  }
0x6: {  	s19 =	simm.s32 $0x1;
	s20 =	simm.s32 $0x8A00;
	s21 =	simm.s32 $0x2  }
0x7: {  	s22 =	simm.s32 $0xCA00;
	s23 =	simm.s32 $0x3;
	s24 =	simm.s32 $0x4  }
0x8: {  	s25 =	simm.s32 $0x0;
	[smem:$0x7FF] =	sst s2;
	s6 =	sand.u32 $0x1, s3  }
0x9: {  	s3 =	sadd.s32 $0x1800, s0;
	s7 =	sshll.u32 s4, $0xA;
	s4 =	sadd.s32 $0x9800, s0  }
0xa: {  	s28 =	sadd.s32 $0x15800, s0;
	s8 =	sshll.u32 s6, $0x9;
	s6 =	ssub.s32 $0x2, s6  }
0xb: {  	_ =	strace $0x80000047;
	s9 =	sor.u32 s8, s7;
	s29 =	sshrl.u32 s6, $0x1  }
0xc: {  	[dreg:$0x4] =	wrdreg s28;
	s0 =	sadd.s32 s9, s0;
	s11 =	ssub.s32 s6, s29  }
0xd: {  	v2 =	vlaneseq.u32;
	s8 =	sshrl.u32 s9, $0x2;
	s31 =	sshll.u32 s9, $0x6;
	s30 =	sadd.s32 $0x11800, s0  }
0xe: {  	vm0 =	vmmov $0xffff;
	v1 =	vshrl.u32 v2, $0x3;
	s7 =	sadd.s32 $0x11810, s0;
	s8 =	sadd.s32 s1, s8;
	s10 =	sadd.s32 s5, s31  }
0xf: {  	v0 =	vand.u32 $0x7, v2;
	v2 =	vor.u32 $0x8, v2;
	v1 =	vmul.u32 $0x8, v1;
	s11 =	smax.u32 s11, $0x1;
	[dreg:$0x5] =	wrdreg s30;
	s9 =	sadd.s32 $0x10, s8  }
.LBB2_1:
0x10: {  	s0 =	rddreg [dreg:$0x4];
	s1 =	simm.s32 $0x800  }
0x11: {  	[tilespmem:s1], [sflag:$0x5] =	stream.strided.gather [hbm4b:s0+s12], $0x200, s13, s12, $0x38;
	[tilespmem:$0x10A00] =	vst v63  }
0x12: {  	_ =	swait.ge [sflag:s15], $0x200  }
0x13: {  	[sflag:s15] =	ssyncset.done $0x0  }
0x14: {  	s30 =	rddreg [dreg:$0x5];
	[sflag:s15] =	ssyncadd.s32 $0xFFFFFE00  }
0x15: {  	[tilespmem:s2], [sflag:$0x5] =	stream.strided.gather [hbm4b:s30+s16], $0x200, s13, s16, $0x38;
	[tilespmem:$0x10A00] =	vst v63  }
0x16: {  	_ =	swait.ge [sflag:s15], $0x200  }
0x17: {  	[sflag:s15] =	ssyncset.done $0x0  }
0x18: {  	s31 =	simm.s32 $0x200;
	[sflag:s15] =	ssyncadd.s32 $0xFFFFFE00  }
0x19: {  	[tilespmem:s31], [sflag:$0x5] =	stream.strided.gather [hbm4b:s7+s16], $0x200, s13, s16, $0x38;
	[tilespmem:$0x10A00] =	vst v63  }
0x1a: {  	_ =	swait.ge [sflag:s15], $0x200  }
0x1b: {  	[sflag:s15] =	ssyncset.done $0x0  }
0x1c: {  	[sflag:s15] =	ssyncadd.s32 $0xFFFFFE00  }
0x1d: {  	[tilespmem:s13], [sflag:$0x5] =	stream.strided.gather [hbm4b:s8+s16], $0x200, s12, s16, $0x38;
	[tilespmem:$0x10A00] =	vst v63  }
0x1e: {  	_ =	swait.ge [sflag:s15], $0x200  }
0x1f: {  	[sflag:s15] =	ssyncset.done $0x0  }
0x20: {  	[sflag:s15] =	ssyncadd.s32 $0xFFFFFE00  }
0x21: {  	[tilespmem:s18], [sflag:$0x5] =	stream.strided.gather [hbm4b:s9+s16], $0x200, s12, s16, $0x38;
	[tilespmem:$0x10A00] =	vst v63  }
0x22: {  	_ =	swait.ge [sflag:s15], $0x200  }
0x23: {  	[sflag:s15] =	ssyncset.done $0x0  }
0x24: {  	[sflag:s15] =	ssyncadd.s32 $0xFFFFFE00  }
0x25: {  	v3 =	vld [tilespmem:$0x0];
	_ =	sdelay $0x4  }
0x26: {  	v4 =	vshll.u32 v3, $0x1  }
0x27: {  	v3 =	vand.u32 $0x7, v3;
	v4 =	vand.u32 $0xFFFFFFF0, v4  }
0x28: {  	v3 =	vor.u32 v3, v4  }
0x29: {  	v4 =	vperm.xlane v3, v0;
	_ =	sdelay $0x1  }
0x2a: {  	v3 =	vperm.xlane v3, v2;
	v4 =	vadd.s32 v1, v4;
	_ =	sdelay $0x1  }
0x2b: {  	v3 =	vadd.s32 v1, v3;
	_ =	sdelay $0x1  }
0x2c: {  	s1 =	simm.s32 $0xA00  }
0x2d: {  	[tilespmem:s1], [sflag:$0x1] =	stream.indirect_vreg.gather [hbm4b:s3+s2], $0x80, v4, vm0, $0xb8;
	[tilespmem:$0x10A00] =	vst v63  }
0x2e: {  	s5 =	simm.s32 $0x1200  }
0x2f: {  	[tilespmem:s5], [sflag:$0x1] =	stream.indirect_vreg.gather [hbm4b:s3+s2], $0x80, v3, vm0, $0xb8;
	[tilespmem:$0x10A00] =	vst v63  }
0x30: {  	v3 =	vld [tilespmem:$0x10];
	_ =	sdelay $0x4  }
0x31: {  	v57 =	vshll.u32 v3, $0x1  }
0x32: {  	v3 =	vand.u32 $0x7, v3;
	v4 =	vand.u32 $0xFFFFFFF0, v57  }
0x33: {  	v3 =	vor.u32 v3, v4  }
0x34: {  	v4 =	vperm.xlane v3, v0;
	_ =	sdelay $0x1  }
0x35: {  	v3 =	vperm.xlane v3, v2;
	v4 =	vadd.s32 v1, v4;
	_ =	sdelay $0x1  }
0x36: {  	v3 =	vadd.s32 v1, v3;
	_ =	sdelay $0x1  }
0x37: {  	s6 =	simm.s32 $0x1A00  }
0x38: {  	[tilespmem:s6], [sflag:$0x1] =	stream.indirect_vreg.gather [hbm4b:s3+s2], $0x80, v4, vm0, $0xb8;
	[tilespmem:$0x10A00] =	vst v63  }
0x39: {  	s14 =	simm.s32 $0x2200  }
0x3a: {  	[tilespmem:s14], [sflag:$0x1] =	stream.indirect_vreg.gather [hbm4b:s3+s2], $0x80, v3, vm0, $0xb8;
	[tilespmem:$0x10A00] =	vst v63  }
0x3b: {  	v3 =	vld [tilespmem:$0x200];
	_ =	sdelay $0x4  }
0x3c: {  	v58 =	vshll.u32 v3, $0x1  }
0x3d: {  	v3 =	vand.u32 $0x7, v3;
	v4 =	vand.u32 $0xFFFFFFF0, v58  }
0x3e: {  	v3 =	vor.u32 v3, v4  }
0x3f: {  	v4 =	vperm.xlane v3, v0;
	_ =	sdelay $0x1  }
0x40: {  	v3 =	vperm.xlane v3, v2;
	v4 =	vadd.s32 v1, v4;
	_ =	sdelay $0x1  }
0x41: {  	v3 =	vadd.s32 v1, v3;
	_ =	sdelay $0x1  }
0x42: {  	s17 =	simm.s32 $0x2A00  }
0x43: {  	[tilespmem:s17], [sflag:$0x1] =	stream.indirect_vreg.gather [hbm4b:s4+s2], $0x80, v4, vm0, $0xb8;
	[tilespmem:$0x10A00] =	vst v63  }
0x44: {  	s26 =	simm.s32 $0x3200  }
0x45: {  	[tilespmem:s26], [sflag:$0x1] =	stream.indirect_vreg.gather [hbm4b:s4+s2], $0x80, v3, vm0, $0xb8;
	[tilespmem:$0x10A00] =	vst v63  }
0x46: {  	v3 =	vld [tilespmem:$0x210];
	_ =	sdelay $0x4  }
0x47: {  	v59 =	vshll.u32 v3, $0x1  }
0x48: {  	v3 =	vand.u32 $0x7, v3;
	v4 =	vand.u32 $0xFFFFFFF0, v59  }
0x49: {  	v3 =	vor.u32 v3, v4  }
0x4a: {  	v4 =	vperm.xlane v3, v0;
	_ =	sdelay $0x1  }
0x4b: {  	v3 =	vperm.xlane v3, v2;
	v4 =	vadd.s32 v1, v4;
	_ =	sdelay $0x1  }
0x4c: {  	v3 =	vadd.s32 v1, v3;
	_ =	sdelay $0x1  }
0x4d: {  	s30 =	simm.s32 $0x3A00  }
0x4e: {  	[tilespmem:s30], [sflag:$0x1] =	stream.indirect_vreg.gather [hbm4b:s4+s2], $0x80, v4, vm0, $0xb8;
	[tilespmem:$0x10A00] =	vst v63  }
0x4f: {  	s31 =	simm.s32 $0x4200  }
0x50: {  	[tilespmem:s31], [sflag:$0x1] =	stream.indirect_vreg.gather [hbm4b:s4+s2], $0x80, v3, vm0, $0xb8;
	[tilespmem:$0x10A00] =	vst v63  }
0x51: {  	v3 =	vld [tilespmem:$0x20];
	_ =	sdelay $0x4  }
0x52: {  	v60 =	vshll.u32 v3, $0x1  }
0x53: {  	v3 =	vand.u32 $0x7, v3;
	v4 =	vand.u32 $0xFFFFFFF0, v60  }
0x54: {  	v3 =	vor.u32 v3, v4  }
0x55: {  	v4 =	vperm.xlane v3, v0;
	_ =	sdelay $0x1  }
0x56: {  	v3 =	vperm.xlane v3, v2;
	v4 =	vadd.s32 v1, v4;
	_ =	sdelay $0x1  }
0x57: {  	v3 =	vadd.s32 v1, v3;
	_ =	sdelay $0x1  }
0x58: {  	s1 =	simm.s32 $0x4A00  }
0x59: {  	[tilespmem:s1], [sflag:$0x2] =	stream.indirect_vreg.gather [hbm4b:s3+s2], $0x80, v4, vm0, $0xb8;
	[tilespmem:$0x10A00] =	vst v63  }
0x5a: {  	s5 =	simm.s32 $0x5200  }
0x5b: {  	[tilespmem:s5], [sflag:$0x2] =	stream.indirect_vreg.gather [hbm4b:s3+s2], $0x80, v3, vm0, $0xb8;
	[tilespmem:$0x10A00] =	vst v63  }
0x5c: {  	v3 =	vld [tilespmem:$0x30];
	_ =	sdelay $0x4  }
0x5d: {  	v61 =	vshll.u32 v3, $0x1  }
0x5e: {  	v3 =	vand.u32 $0x7, v3;
	v4 =	vand.u32 $0xFFFFFFF0, v61  }
0x5f: {  	v3 =	vor.u32 v3, v4  }
0x60: {  	v4 =	vperm.xlane v3, v0;
	_ =	sdelay $0x1  }
0x61: {  	v3 =	vperm.xlane v3, v2;
	v4 =	vadd.s32 v1, v4;
	_ =	sdelay $0x1  }
0x62: {  	v3 =	vadd.s32 v1, v3;
	_ =	sdelay $0x1  }
0x63: {  	s6 =	simm.s32 $0x5A00  }
0x64: {  	[tilespmem:s6], [sflag:$0x2] =	stream.indirect_vreg.gather [hbm4b:s3+s2], $0x80, v4, vm0, $0xb8;
	[tilespmem:$0x10A00] =	vst v63  }
0x65: {  	s14 =	simm.s32 $0x6200  }
0x66: {  	[tilespmem:s14], [sflag:$0x2] =	stream.indirect_vreg.gather [hbm4b:s3+s2], $0x80, v3, vm0, $0xb8;
	[tilespmem:$0x10A00] =	vst v63  }
0x67: {  	v3 =	vld [tilespmem:$0x220];
	_ =	sdelay $0x4  }
0x68: {  	v62 =	vshll.u32 v3, $0x1  }
0x69: {  	v3 =	vand.u32 $0x7, v3;
	v4 =	vand.u32 $0xFFFFFFF0, v62  }
0x6a: {  	v3 =	vor.u32 v3, v4  }
0x6b: {  	v4 =	vperm.xlane v3, v0;
	_ =	sdelay $0x1  }
0x6c: {  	v3 =	vperm.xlane v3, v2;
	v4 =	vadd.s32 v1, v4;
	_ =	sdelay $0x1  }
0x6d: {  	v3 =	vadd.s32 v1, v3;
	_ =	sdelay $0x1  }
0x6e: {  	s17 =	simm.s32 $0x6A00  }
0x6f: {  	[tilespmem:s17], [sflag:$0x2] =	stream.indirect_vreg.gather [hbm4b:s4+s2], $0x80, v4, vm0, $0xb8;
	[tilespmem:$0x10A00] =	vst v63  }
0x70: {  	s26 =	simm.s32 $0x7200  }
0x71: {  	[tilespmem:s26], [sflag:$0x2] =	stream.indirect_vreg.gather [hbm4b:s4+s2], $0x80, v3, vm0, $0xb8;
	[tilespmem:$0x10A00] =	vst v63  }
0x72: {  	v3 =	vld [tilespmem:$0x230];
	_ =	sdelay $0x4  }
0x73: {  	v63 =	vshll.u32 v3, $0x1  }
0x74: {  	v3 =	vand.u32 $0x7, v3;
	v4 =	vand.u32 $0xFFFFFFF0, v63  }
0x75: {  	v3 =	vor.u32 v3, v4  }
0x76: {  	v4 =	vperm.xlane v3, v0;
	_ =	sdelay $0x1  }
0x77: {  	v3 =	vperm.xlane v3, v2;
	v4 =	vadd.s32 v1, v4;
	_ =	sdelay $0x1  }
0x78: {  	v3 =	vadd.s32 v1, v3;
	_ =	sdelay $0x1  }
0x79: {  	s28 =	simm.s32 $0x0;
	s30 =	simm.s32 $0x7A00  }
0x7a: {  	[tilespmem:s30], [sflag:$0x2] =	stream.indirect_vreg.gather [hbm4b:s4+s2], $0x80, v4, vm0, $0xb8;
	[tilespmem:$0x10A00] =	vst v63  }
0x7b: {  	s29 =	simm.s32 $0x0;
	s31 =	simm.s32 $0x8200;
	s26 =	simm.s32 $0x20  }
0x7c: {  	[tilespmem:s31], [sflag:$0x2] =	stream.indirect_vreg.gather [hbm4b:s4+s2], $0x80, v3, vm0, $0xb8;
	[tilespmem:$0x10A00] =	vst v63  }
.LBB2_2:
0x7d: {  	p1 =	seq.s32 s29, $0x0  }
0x7e: {  	s0 =	simm.s32 @!p1 $0x3  }
0x7f: {  	_ =	swait.ge @!p1 [sflag:s0], $0x4000  }
0x80: {  	[sflag:s0] =	ssyncset.done @!p1 $0x0  }
0x81: {  	[sflag:s0] =	ssyncadd.s32 @!p1 $0xFFFFC000  }
0x82: {  	_ =	swait.ge [sflag:s19], $0x2000  }
0x83: {  	[sflag:s19] =	ssyncset.done $0x0  }
0x84: {  	[sflag:s19] =	ssyncadd.s32 $0xFFFFE000  }
0x85: {  	_ =	swait.ge [sflag:s19], $0x2000  }
0x86: {  	[sflag:s19] =	ssyncset.done $0x0  }
0x87: {  	[sflag:s19] =	ssyncadd.s32 $0xFFFFE000  }
0x88: {  	v3 =	vld [tilespmem:$0x800]  }
0x89: {  	v4 =	vld [tilespmem:$0x880]  }
0x8a: {  	s17 =	sadd.s32 $0x0, s28;
	v7 =	vld [tilespmem:$0x810]  }
0x8b: {  	v14 =	vmov s17;
	v8 =	vld [tilespmem:$0x890]  }
0x8c: {  	s1 =	simm.s32 $0x0;
	s0 =	simm.s32 $0x0;
	v9 =	vld [tilespmem:$0x820]  }
0x8d: {  	s1 =	sand.u32 $0xFFFFF800, s1;
	s5 =	sand.u32 $0x380, s0;
	v11 =	vld [tilespmem:$0x830]  }
0x8e: {  	s1 =	sor.u32 s5, s1;
	v12 =	vld [tilespmem:$0x8B0]  }
0x8f: {  	v15 =	vld [tilespmem:s1+$0x2A20]  }
0x90: {  	v16 =	vld.idx.msk [tilespmem:v14+s13+$0x0], $0xffff  }
0x91: {  	v14 =	vld.idx.msk [tilespmem:v14+s18+$0x0], $0xffff  }
0x92: {  	v17 =	vld [tilespmem:s1+$0xA20]  }
0x93: {  	v18 =	vld [tilespmem:s1+$0x2A00]  }
0x94: {  	v20 =	vld [tilespmem:s1+$0xA00]  }
0x95: {  	v21 =	vld [tilespmem:s1+$0xA30]  }
0x96: {  	v22 =	vld [tilespmem:s1+$0x2A30]  }
0x97: {  	v24 =	vld [tilespmem:s1+$0x2A10]  }
0x98: {  	v26 =	vld [tilespmem:s1+$0xA10]  }
0x99: {  	v10 =	vld [tilespmem:$0x8A0];
	v19 =	vpack.i.f32.bf16 v16, v16;
	v23 =	vpack.i.f32.bf16 v14, v14  }
0x9a: {  	v5 =	vld [tilespmem:$0x840];
	v28 =	vadd.bf16 v15, v17;
	v14 =	vmul.bf16 v19, v3;
	v25 =	vmul.bf16 v23, v4  }
0x9b: {  	v13 =	vld [tilespmem:$0x8C0];
	v18 =	vadd.bf16 v18, v20;
	v21 =	vadd.bf16 v22, v21  }
0x9c: {  	v6 =	vld [tilespmem:$0x850];
	v22 =	vmul.bf16 v19, v7;
	v30 =	vmul.bf16 v23, v8;
	v20 =	vadd.bf16 v25, v14  }
0x9d: {  	v16 =	vld [tilespmem:$0x8D0];
	v24 =	vadd.bf16 v24, v26;
	v27 =	vmul.bf16 v19, v11;
	v15 =	vmul.bf16 v23, v12  }
0x9e: {  	s14 =	simm.s32 $0x0;
	v17 =	vld [tilespmem:$0x8E0];
	v22 =	vadd.bf16 v30, v22;
	v20 =	vadd.bf16 v18, v20  }
0x9f: {  	s14 =	sand.u32 $0x3FFFF000, s14;
	v29 =	vmul.bf16 v23, v10;
	v14 =	vld [tilespmem:$0x860];
	v25 =	vmul.bf16 v19, v9;
	v27 =	vadd.bf16 v15, v27  }
0xa0: {  	s14 =	sor.u32 s5, s14;
	v15 =	vld [tilespmem:$0x870];
	v22 =	vadd.bf16 v24, v22;
	v26 =	vunpack.i.l.bf16.f32 v20  }
0xa1: {  	v25 =	vadd.bf16 v29, v25;
	v18 =	vld [tilespmem:$0x8F0];
	v21 =	vadd.bf16 v21, v27;
	v20 =	vunpack.i.u.bf16.f32 v20;
	[tilespmem:s14+$0x8A00] =	vst v26  }
0xa2: {  	v24 =	vunpack.i.u.bf16.f32 v22;
	[tilespmem:s14+$0x9200] =	vst v20  }
0xa3: {  	v25 =	vadd.bf16 v28, v25;
	v20 =	vunpack.i.l.bf16.f32 v21;
	[tilespmem:s14+$0x9210] =	vst v24  }
0xa4: {  	v24 =	vunpack.i.l.bf16.f32 v22;
	[tilespmem:s14+$0x8A30] =	vst v20  }
0xa5: {  	v26 =	vunpack.i.u.bf16.f32 v25;
	[tilespmem:s14+$0x8A10] =	vst v24  }
0xa6: {  	v20 =	vunpack.i.l.bf16.f32 v25;
	[tilespmem:s14+$0x9220] =	vst v26  }
0xa7: {  	[tilespmem:s14+$0x8A20] =	vst v20;
	v20 =	vunpack.i.u.bf16.f32 v21  }
0xa8: {  	v22 =	vmul.bf16 v23, v13;
	v21 =	vmul.bf16 v23, v17;
	[tilespmem:s14+$0x9230] =	vst v20  }
0xa9: {  	s31 =	sshll.u32 s29, $0x1;
	s30 =	sshll.u32 s29, $0x6;
	s17 =	simm.s32 $0x1;
	v20 =	vmul.bf16 v23, v18;
	v23 =	vmul.bf16 v23, v16;
	v24 =	vld [tilespmem:s1+$0x2A60]  }
.LBB2_3:
0xaa: {  	p0 =	sne.s32 s17, $0x1F  }
0xab: {  	v25 =	vld [tilespmem:s1+$0xA40];
	s0 =	sadd.s32 $0x80, s0;
	s5 =	smov.u32 s17;
	s17 =	sadd.s32 $0x1, s17  }
0xac: {  	v26 =	vld [tilespmem:s1+$0xA60]  }
0xad: {  	v27 =	vld [tilespmem:s1+$0x2A40]  }
0xae: {  	v28 =	vld [tilespmem:s1+$0x2A70]  }
0xaf: {  	v30 =	vmul.bf16 v19, v14;
	v29 =	vld [tilespmem:s1+$0xA70]  }
0xb0: {  	v32 =	vmul.bf16 v19, v5;
	v33 =	vmul.bf16 v19, v6;
	v31 =	vld [tilespmem:s1+$0xA50]  }
0xb1: {  	v21 =	vadd.bf16 v21, v30;
	v34 =	vld [tilespmem:s1+$0x2A50];
	v24 =	vadd.bf16 v24, v26  }
0xb2: {  	v19 =	vmul.bf16 v19, v15;
	v22 =	vadd.bf16 v22, v32;
	v23 =	vadd.bf16 v23, v33  }
0xb3: {  	v25 =	vadd.bf16 v27, v25;
	v21 =	vadd.bf16 v24, v21  }
0xb4: {  	v19 =	vadd.bf16 v20, v19;
	v24 =	vadd.bf16 v28, v29  }
0xb5: {  	v20 =	vadd.bf16 v25, v22;
	v22 =	vunpack.i.u.bf16.f32 v21;
	v21 =	vunpack.i.l.bf16.f32 v21  }
0xb6: {  	v25 =	vadd.bf16 v34, v31;
	[tilespmem:s14+$0x8A60] =	vst v21;
	v19 =	vadd.bf16 v24, v19  }
0xb7: {  	v21 =	vunpack.i.u.bf16.f32 v20;
	v20 =	vunpack.i.l.bf16.f32 v20;
	[tilespmem:s14+$0x9260] =	vst v22  }
0xb8: {  	[tilespmem:s14+$0x8A40] =	vst v20;
	v20 =	vadd.bf16 v25, v23;
	v22 =	vunpack.i.u.bf16.f32 v19;
	v19 =	vunpack.i.l.bf16.f32 v19  }
0xb9: {  	s1 =	sadd.s32 s5, s28;
	[tilespmem:s14+$0x8A70] =	vst v19  }
0xba: {  	v19 =	vmov s1;
	v23 =	vunpack.i.u.bf16.f32 v20;
	v20 =	vunpack.i.l.bf16.f32 v20;
	[tilespmem:s14+$0x9270] =	vst v22  }
0xbb: {  	s1 =	sshll.u32 s5, $0x8;
	[tilespmem:s14+$0x8A50] =	vst v20  }
0xbc: {  	s6 =	sand.u32 $0x380, s0;
	s1 =	sand.u32 $0xFFFFF800, s1;
	[tilespmem:s14+$0x9250] =	vst v23  }
0xbd: {  	s1 =	sor.u32 s6, s1;
	[tilespmem:s14+$0x9240] =	vst v21  }
0xbe: {  	v20 =	vld [tilespmem:s1+$0x2A20]  }
0xbf: {  	v21 =	vld.idx.msk [tilespmem:v19+s13+$0x0], $0xffff  }
0xc0: {  	v22 =	vld.idx.msk [tilespmem:v19+s18+$0x0], $0xffff  }
0xc1: {  	v23 =	vld [tilespmem:s1+$0xA20]  }
0xc2: {  	v24 =	vld [tilespmem:s1+$0x2A00]  }
0xc3: {  	v25 =	vld [tilespmem:s1+$0xA00]  }
0xc4: {  	v26 =	vld [tilespmem:s1+$0x2A10]  }
0xc5: {  	v19 =	vpack.i.f32.bf16 v21, v21;
	v27 =	vld [tilespmem:s1+$0xA30]  }
0xc6: {  	v28 =	vpack.i.f32.bf16 v22, v22;
	v21 =	vmul.bf16 v19, v3;
	v29 =	vmul.bf16 v19, v11;
	v22 =	vld [tilespmem:s1+$0xA10]  }
0xc7: {  	v31 =	vmul.bf16 v28, v4;
	v20 =	vadd.bf16 v20, v23;
	v23 =	vmul.bf16 v19, v9;
	v30 =	vld [tilespmem:s1+$0x2A30]  }
0xc8: {  	v32 =	vmul.bf16 v28, v12;
	v24 =	vadd.bf16 v24, v25;
	v25 =	vmul.bf16 v28, v10  }
0xc9: {  	v33 =	vmul.bf16 v19, v7;
	v34 =	vmul.bf16 v28, v8;
	v31 =	vadd.bf16 v31, v21  }
0xca: {  	v21 =	vmul.bf16 v28, v17;
	v23 =	vadd.bf16 v25, v23;
	v25 =	vadd.bf16 v32, v29  }
0xcb: {  	s5 =	sshll.u32 s5, $0x9;
	v24 =	vadd.bf16 v24, v31;
	v26 =	vadd.bf16 v26, v22;
	v22 =	vmul.bf16 v28, v13  }
0xcc: {  	s5 =	sand.u32 $0x3FFFF000, s5;
	v29 =	vadd.bf16 v20, v23;
	v23 =	vadd.bf16 v30, v27;
	v20 =	vmul.bf16 v28, v18  }
0xcd: {  	s14 =	sor.u32 s6, s5;
	v27 =	vunpack.i.u.bf16.f32 v24;
	v24 =	vunpack.i.l.bf16.f32 v24;
	v30 =	vadd.bf16 v34, v33  }
0xce: {  	[tilespmem:s14+$0x8A00] =	vst v24;
	v24 =	vunpack.i.u.bf16.f32 v29;
	v25 =	vadd.bf16 v23, v25;
	v23 =	vmul.bf16 v28, v16  }
0xcf: {  	v26 =	vadd.bf16 v26, v30;
	[tilespmem:s14+$0x9200] =	vst v27;
	v27 =	vunpack.i.l.bf16.f32 v29  }
0xd0: {  	v28 =	vunpack.i.u.bf16.f32 v25;
	v25 =	vunpack.i.l.bf16.f32 v25  }
0xd1: {  	v29 =	vunpack.i.u.bf16.f32 v26;
	v26 =	vunpack.i.l.bf16.f32 v26;
	[tilespmem:s14+$0x8A30] =	vst v25  }
0xd2: {  	[tilespmem:s14+$0x9220] =	vst v24  }
.Ltmp0:
0xd3: {  	[tilespmem:s14+$0x8A20] =	vst v27;
	(pc) =	sbr.rel @p0 .LBB2_3-.Ltmp0, $4  }
0xd4: {  	[tilespmem:s14+$0x9210] =	vst v29  }
0xd5: {  	[tilespmem:s14+$0x9230] =	vst v28  }
0xd6: {  	[tilespmem:s14+$0x8A10] =	vst v26  }
0xd7: {  	v24 =	vld [tilespmem:s1+$0x2A60]  }
0xd8: {  	v3 =	vld [tilespmem:s1+$0xA40]  }
0xd9: {  	v4 =	vld [tilespmem:s1+$0xA60]  }
0xda: {  	v7 =	vld [tilespmem:s1+$0x2A40]  }
0xdb: {  	v8 =	vld [tilespmem:s1+$0x2A70]  }
0xdc: {  	v9 =	vld [tilespmem:s1+$0xA70];
	v10 =	vmul.bf16 v19, v14  }
0xdd: {  	v5 =	vmul.bf16 v19, v5  }
0xde: {  	v11 =	vld [tilespmem:s1+$0xA50];
	v10 =	vadd.bf16 v21, v10;
	v4 =	vadd.bf16 v24, v4  }
0xdf: {  	v12 =	vld [tilespmem:s1+$0x2A50];
	v5 =	vadd.bf16 v22, v5  }
0xe0: {  	v13 =	vmul.bf16 v19, v15;
	v3 =	vadd.bf16 v7, v3;
	v4 =	vadd.bf16 v4, v10  }
0xe1: {  	v6 =	vmul.bf16 v19, v6;
	v7 =	vadd.bf16 v8, v9  }
0xe2: {  	v8 =	vadd.bf16 v20, v13;
	v3 =	vadd.bf16 v3, v5;
	v5 =	vunpack.i.l.bf16.f32 v4  }
0xe3: {  	v6 =	vadd.bf16 v23, v6;
	v4 =	vunpack.i.u.bf16.f32 v4;
	[tilespmem:s14+$0x8A60] =	vst v5  }
0xe4: {  	v9 =	vadd.bf16 v12, v11;
	v5 =	vadd.bf16 v7, v8;
	v7 =	vunpack.i.l.bf16.f32 v3;
	[tilespmem:s14+$0x9260] =	vst v4  }
0xe5: {  	v3 =	vunpack.i.u.bf16.f32 v3;
	[tilespmem:s14+$0x8A40] =	vst v7  }
0xe6: {  	v4 =	vadd.bf16 v9, v6;
	[tilespmem:s14+$0x9240] =	vst v3;
	v6 =	vunpack.i.l.bf16.f32 v5  }
0xe7: {  	v5 =	vunpack.i.u.bf16.f32 v5;
	[tilespmem:s14+$0x8A70] =	vst v6  }
0xe8: {  	v6 =	vunpack.i.l.bf16.f32 v4;
	[tilespmem:s14+$0x9270] =	vst v5  }
0xe9: {  	v4 =	vunpack.i.u.bf16.f32 v4;
	[tilespmem:s14+$0x8A50] =	vst v6  }
0xea: {  	[tilespmem:s14+$0x9250] =	vst v4  }
0xeb: {  	v3 =	vld [tilespmem:$0x900]  }
0xec: {  	v4 =	vld [tilespmem:$0x980]  }
0xed: {  	s0 =	sadd.s32 $0x0, s28;
	v7 =	vld [tilespmem:$0x910]  }
0xee: {  	v14 =	vmov s0;
	v8 =	vld [tilespmem:$0x990]  }
0xef: {  	s17 =	simm.s32 $0x0;
	s0 =	simm.s32 $0x0;
	v9 =	vld [tilespmem:$0x920]  }
0xf0: {  	s1 =	sand.u32 $0xFFFFF800, s17;
	s5 =	sand.u32 $0x380, s0;
	v11 =	vld [tilespmem:$0x930]  }
0xf1: {  	s1 =	sor.u32 s5, s1;
	v12 =	vld [tilespmem:$0x9B0]  }
0xf2: {  	v15 =	vld [tilespmem:s1+$0x2E20]  }
0xf3: {  	v16 =	vld.idx.msk [tilespmem:v14+s13+$0x0], $0xffff  }
0xf4: {  	v14 =	vld.idx.msk [tilespmem:v14+s18+$0x0], $0xffff  }
0xf5: {  	v17 =	vld [tilespmem:s1+$0xE20]  }
0xf6: {  	v18 =	vld [tilespmem:s1+$0x2E00]  }
0xf7: {  	v20 =	vld [tilespmem:s1+$0xE00]  }
0xf8: {  	v21 =	vld [tilespmem:s1+$0xE30]  }
0xf9: {  	v22 =	vld [tilespmem:s1+$0x2E30]  }
0xfa: {  	v24 =	vld [tilespmem:s1+$0x2E10]  }
0xfb: {  	v26 =	vld [tilespmem:s1+$0xE10]  }
0xfc: {  	v10 =	vld [tilespmem:$0x9A0];
	v19 =	vpack.i.f32.bf16 v16, v16;
	v23 =	vpack.i.f32.bf16 v14, v14  }
0xfd: {  	v5 =	vld [tilespmem:$0x940];
	v28 =	vadd.bf16 v15, v17;
	v14 =	vmul.bf16 v19, v3;
	v25 =	vmul.bf16 v23, v4  }
0xfe: {  	v13 =	vld [tilespmem:$0x9C0];
	v18 =	vadd.bf16 v18, v20;
	v21 =	vadd.bf16 v22, v21  }
0xff: {  	v6 =	vld [tilespmem:$0x950];
	v22 =	vmul.bf16 v19, v7;
	v30 =	vmul.bf16 v23, v8;
	v20 =	vadd.bf16 v25, v14  }
0x100: {  	v16 =	vld [tilespmem:$0x9D0];
	v24 =	vadd.bf16 v24, v26;
	v27 =	vmul.bf16 v19, v11;
	v15 =	vmul.bf16 v23, v12  }
0x101: {  	s6 =	simm.s32 $0x0;
	v17 =	vld [tilespmem:$0x9E0];
	v22 =	vadd.bf16 v30, v22;
	v20 =	vadd.bf16 v18, v20  }
0x102: {  	s6 =	sand.u32 $0x3FFFF000, s6;
	v29 =	vmul.bf16 v23, v10;
	v14 =	vld [tilespmem:$0x960];
	v25 =	vmul.bf16 v19, v9;
	v27 =	vadd.bf16 v15, v27  }
0x103: {  	s14 =	sor.u32 s5, s6;
	v15 =	vld [tilespmem:$0x970];
	v22 =	vadd.bf16 v24, v22;
	v26 =	vunpack.i.l.bf16.f32 v20  }
0x104: {  	v25 =	vadd.bf16 v29, v25;
	v18 =	vld [tilespmem:$0x9F0];
	v21 =	vadd.bf16 v21, v27;
	v20 =	vunpack.i.u.bf16.f32 v20;
	[tilespmem:s14+$0x8E00] =	vst v26  }
0x105: {  	v24 =	vunpack.i.u.bf16.f32 v22;
	[tilespmem:s14+$0x9600] =	vst v20  }
0x106: {  	v25 =	vadd.bf16 v28, v25;
	v20 =	vunpack.i.l.bf16.f32 v21;
	[tilespmem:s14+$0x9610] =	vst v24  }
0x107: {  	v24 =	vunpack.i.l.bf16.f32 v22;
	[tilespmem:s14+$0x8E30] =	vst v20  }
0x108: {  	v26 =	vunpack.i.u.bf16.f32 v25;
	[tilespmem:s14+$0x8E10] =	vst v24  }
0x109: {  	v20 =	vunpack.i.l.bf16.f32 v25;
	[tilespmem:s14+$0x9620] =	vst v26  }
0x10a: {  	[tilespmem:s14+$0x8E20] =	vst v20;
	v20 =	vunpack.i.u.bf16.f32 v21  }
0x10b: {  	v22 =	vmul.bf16 v23, v13;
	v21 =	vmul.bf16 v23, v17;
	[tilespmem:s14+$0x9630] =	vst v20  }
0x10c: {  	s17 =	simm.s32 $0x1;
	v20 =	vmul.bf16 v23, v18;
	v23 =	vmul.bf16 v23, v16;
	v24 =	vld [tilespmem:s1+$0x2E60]  }
.LBB2_5:
0x10d: {  	p0 =	sne.s32 s17, $0x1F  }
0x10e: {  	v25 =	vld [tilespmem:s1+$0xE40];
	s0 =	sadd.s32 $0x80, s0;
	s5 =	smov.u32 s17;
	s17 =	sadd.s32 $0x1, s17  }
0x10f: {  	v26 =	vld [tilespmem:s1+$0xE60]  }
0x110: {  	v27 =	vld [tilespmem:s1+$0x2E40]  }
0x111: {  	v28 =	vld [tilespmem:s1+$0x2E70]  }
0x112: {  	v30 =	vmul.bf16 v19, v14;
	v29 =	vld [tilespmem:s1+$0xE70]  }
0x113: {  	v32 =	vmul.bf16 v19, v5;
	v33 =	vmul.bf16 v19, v6;
	v31 =	vld [tilespmem:s1+$0xE50]  }
0x114: {  	v21 =	vadd.bf16 v21, v30;
	v34 =	vld [tilespmem:s1+$0x2E50];
	v24 =	vadd.bf16 v24, v26  }
0x115: {  	v19 =	vmul.bf16 v19, v15;
	v22 =	vadd.bf16 v22, v32;
	v23 =	vadd.bf16 v23, v33  }
0x116: {  	v25 =	vadd.bf16 v27, v25;
	v21 =	vadd.bf16 v24, v21  }
0x117: {  	v19 =	vadd.bf16 v20, v19;
	v24 =	vadd.bf16 v28, v29  }
0x118: {  	v20 =	vadd.bf16 v25, v22;
	v22 =	vunpack.i.u.bf16.f32 v21;
	v21 =	vunpack.i.l.bf16.f32 v21  }
0x119: {  	v25 =	vadd.bf16 v34, v31;
	[tilespmem:s14+$0x8E60] =	vst v21;
	v19 =	vadd.bf16 v24, v19  }
0x11a: {  	v21 =	vunpack.i.u.bf16.f32 v20;
	v20 =	vunpack.i.l.bf16.f32 v20;
	[tilespmem:s14+$0x9660] =	vst v22  }
0x11b: {  	[tilespmem:s14+$0x8E40] =	vst v20;
	v20 =	vadd.bf16 v25, v23;
	v22 =	vunpack.i.u.bf16.f32 v19;
	v19 =	vunpack.i.l.bf16.f32 v19  }
0x11c: {  	s1 =	sadd.s32 s5, s28;
	[tilespmem:s14+$0x8E70] =	vst v19  }
0x11d: {  	v19 =	vmov s1;
	v23 =	vunpack.i.u.bf16.f32 v20;
	v20 =	vunpack.i.l.bf16.f32 v20;
	[tilespmem:s14+$0x9670] =	vst v22  }
0x11e: {  	s1 =	sshll.u32 s5, $0x8;
	[tilespmem:s14+$0x8E50] =	vst v20  }
0x11f: {  	s6 =	sand.u32 $0x380, s0;
	s1 =	sand.u32 $0xFFFFF800, s1;
	[tilespmem:s14+$0x9650] =	vst v23  }
0x120: {  	s1 =	sor.u32 s6, s1;
	[tilespmem:s14+$0x9640] =	vst v21  }
0x121: {  	v20 =	vld [tilespmem:s1+$0x2E20]  }
0x122: {  	v21 =	vld.idx.msk [tilespmem:v19+s13+$0x0], $0xffff  }
0x123: {  	v22 =	vld.idx.msk [tilespmem:v19+s18+$0x0], $0xffff  }
0x124: {  	v23 =	vld [tilespmem:s1+$0xE20]  }
0x125: {  	v24 =	vld [tilespmem:s1+$0x2E00]  }
0x126: {  	v25 =	vld [tilespmem:s1+$0xE00]  }
0x127: {  	v26 =	vld [tilespmem:s1+$0x2E10]  }
0x128: {  	v19 =	vpack.i.f32.bf16 v21, v21;
	v27 =	vld [tilespmem:s1+$0xE30]  }
0x129: {  	v28 =	vpack.i.f32.bf16 v22, v22;
	v21 =	vmul.bf16 v19, v3;
	v29 =	vmul.bf16 v19, v11;
	v22 =	vld [tilespmem:s1+$0xE10]  }
0x12a: {  	v31 =	vmul.bf16 v28, v4;
	v20 =	vadd.bf16 v20, v23;
	v23 =	vmul.bf16 v19, v9;
	v30 =	vld [tilespmem:s1+$0x2E30]  }
0x12b: {  	v32 =	vmul.bf16 v28, v12;
	v24 =	vadd.bf16 v24, v25;
	v25 =	vmul.bf16 v28, v10  }
0x12c: {  	v33 =	vmul.bf16 v19, v7;
	v34 =	vmul.bf16 v28, v8;
	v31 =	vadd.bf16 v31, v21  }
0x12d: {  	v21 =	vmul.bf16 v28, v17;
	v23 =	vadd.bf16 v25, v23;
	v25 =	vadd.bf16 v32, v29  }
0x12e: {  	s5 =	sshll.u32 s5, $0x9;
	v24 =	vadd.bf16 v24, v31;
	v26 =	vadd.bf16 v26, v22;
	v22 =	vmul.bf16 v28, v13  }
0x12f: {  	s5 =	sand.u32 $0x3FFFF000, s5;
	v29 =	vadd.bf16 v20, v23;
	v23 =	vadd.bf16 v30, v27;
	v20 =	vmul.bf16 v28, v18  }
0x130: {  	s14 =	sor.u32 s6, s5;
	v27 =	vunpack.i.u.bf16.f32 v24;
	v24 =	vunpack.i.l.bf16.f32 v24;
	v30 =	vadd.bf16 v34, v33  }
0x131: {  	[tilespmem:s14+$0x8E00] =	vst v24;
	v24 =	vunpack.i.u.bf16.f32 v29;
	v25 =	vadd.bf16 v23, v25;
	v23 =	vmul.bf16 v28, v16  }
0x132: {  	v26 =	vadd.bf16 v26, v30;
	[tilespmem:s14+$0x9600] =	vst v27;
	v27 =	vunpack.i.l.bf16.f32 v29  }
0x133: {  	v28 =	vunpack.i.u.bf16.f32 v25;
	v25 =	vunpack.i.l.bf16.f32 v25  }
0x134: {  	v29 =	vunpack.i.u.bf16.f32 v26;
	v26 =	vunpack.i.l.bf16.f32 v26;
	[tilespmem:s14+$0x8E30] =	vst v25  }
0x135: {  	[tilespmem:s14+$0x9620] =	vst v24  }
.Ltmp1:
0x136: {  	[tilespmem:s14+$0x8E20] =	vst v27;
	(pc) =	sbr.rel @p0 .LBB2_5-.Ltmp1, $4  }
0x137: {  	[tilespmem:s14+$0x9610] =	vst v29  }
0x138: {  	[tilespmem:s14+$0x9630] =	vst v28  }
0x139: {  	[tilespmem:s14+$0x8E10] =	vst v26  }
0x13a: {  	v24 =	vld [tilespmem:s1+$0x2E60]  }
0x13b: {  	v3 =	vld [tilespmem:s1+$0xE40]  }
0x13c: {  	v4 =	vld [tilespmem:s1+$0xE60]  }
0x13d: {  	v7 =	vld [tilespmem:s1+$0x2E40]  }
0x13e: {  	v8 =	vld [tilespmem:s1+$0x2E70]  }
0x13f: {  	v9 =	vld [tilespmem:s1+$0xE70];
	v10 =	vmul.bf16 v19, v14  }
0x140: {  	v5 =	vmul.bf16 v19, v5  }
0x141: {  	v11 =	vld [tilespmem:s1+$0xE50];
	v10 =	vadd.bf16 v21, v10;
	v4 =	vadd.bf16 v24, v4  }
0x142: {  	v12 =	vld [tilespmem:s1+$0x2E50];
	v5 =	vadd.bf16 v22, v5  }
0x143: {  	v13 =	vmul.bf16 v19, v15;
	v3 =	vadd.bf16 v7, v3;
	v4 =	vadd.bf16 v4, v10  }
0x144: {  	v6 =	vmul.bf16 v19, v6;
	v7 =	vadd.bf16 v8, v9  }
0x145: {  	v8 =	vadd.bf16 v20, v13;
	v3 =	vadd.bf16 v3, v5;
	v5 =	vunpack.i.l.bf16.f32 v4  }
0x146: {  	v6 =	vadd.bf16 v23, v6;
	v4 =	vunpack.i.u.bf16.f32 v4;
	[tilespmem:s14+$0x8E60] =	vst v5  }
0x147: {  	v9 =	vadd.bf16 v12, v11;
	v5 =	vadd.bf16 v7, v8;
	v7 =	vunpack.i.l.bf16.f32 v3;
	[tilespmem:s14+$0x9660] =	vst v4  }
0x148: {  	v3 =	vunpack.i.u.bf16.f32 v3;
	[tilespmem:s14+$0x8E40] =	vst v7  }
0x149: {  	v4 =	vadd.bf16 v9, v6;
	[tilespmem:s14+$0x9640] =	vst v3;
	v6 =	vunpack.i.l.bf16.f32 v5  }
0x14a: {  	v5 =	vunpack.i.u.bf16.f32 v5;
	[tilespmem:s14+$0x8E70] =	vst v6  }
0x14b: {  	v6 =	vunpack.i.l.bf16.f32 v4;
	[tilespmem:s14+$0x9670] =	vst v5  }
0x14c: {  	v4 =	vunpack.i.u.bf16.f32 v4;
	[tilespmem:s14+$0x8E50] =	vst v6  }
0x14d: {  	p0 =	seq.s32 s29, $0x7;
	[tilespmem:s14+$0x9650] =	vst v4  }
0x14e: {  	v3 =	vld @!p0 [tilespmem:s30+$0x40];
	_ =	sdelay $0x4  }
0x14f: {  	v4 =	vshll.u32 @!p0 v3, $0x1  }
0x150: {  	v5 =	vlaneseq.u32 @!p0;
	v3 =	vand.u32 @!p0 $0x7, v3;
	v4 =	vand.u32 @!p0 $0xFFFFFFF0, v4  }
0x151: {  	v6 =	vshrl.u32 @!p0 v5, $0x3;
	v3 =	vor.u32 @!p0 v3, v4;
	v4 =	vand.u32 @!p0 $0x7, v5  }
0x152: {  	v6 =	vmul.u32 @!p0 $0x8, v6;
	v7 =	vperm.xlane @!p0 v3, v4  }
0x153: {  	v5 =	vor.u32 @!p0 $0x8, v5  }
0x154: {  	v3 =	vperm.xlane @!p0 v3, v5;
	v7 =	vadd.s32 @!p0 v6, v7;
	_ =	sdelay $0x1  }
0x155: {  	v3 =	vadd.s32 @!p0 v6, v3;
	_ =	sdelay $0x1  }
0x156: {  	vm1 =	vmmov @!p0 $0xffff;
	s0 =	simm.s32 @!p0 $0x0;
	s1 =	simm.s32 @!p0 $0xA00  }
0x157: {  	[tilespmem:s1], [sflag:$0x1] =	stream.indirect_vreg.gather @!p0 [hbm4b:s3+s0], $0x80, v7, vm1, $0xb8;
	[tilespmem:$0x10A00] =	vst v63  }
0x158: {  	s1 =	simm.s32 @!p0 $0x1200  }
0x159: {  	[tilespmem:s1], [sflag:$0x1] =	stream.indirect_vreg.gather @!p0 [hbm4b:s3+s0], $0x80, v3, vm1, $0xb8;
	[tilespmem:$0x10A00] =	vst v63  }
0x15a: {  	v3 =	vld @!p0 [tilespmem:s30+$0x50];
	_ =	sdelay $0x4  }
0x15b: {  	v7 =	vshll.u32 @!p0 v3, $0x1  }
0x15c: {  	v3 =	vand.u32 @!p0 $0x7, v3;
	v7 =	vand.u32 @!p0 $0xFFFFFFF0, v7  }
0x15d: {  	v3 =	vor.u32 @!p0 v3, v7  }
0x15e: {  	v7 =	vperm.xlane @!p0 v3, v4;
	_ =	sdelay $0x1  }
0x15f: {  	v3 =	vperm.xlane @!p0 v3, v5;
	v7 =	vadd.s32 @!p0 v6, v7;
	_ =	sdelay $0x1  }
0x160: {  	v3 =	vadd.s32 @!p0 v6, v3;
	_ =	sdelay $0x1  }
0x161: {  	s1 =	simm.s32 @!p0 $0x1A00  }
0x162: {  	[tilespmem:s1], [sflag:$0x1] =	stream.indirect_vreg.gather @!p0 [hbm4b:s3+s0], $0x80, v7, vm1, $0xb8;
	[tilespmem:$0x10A00] =	vst v63  }
0x163: {  	s1 =	simm.s32 @!p0 $0x2200  }
0x164: {  	[tilespmem:s1], [sflag:$0x1] =	stream.indirect_vreg.gather @!p0 [hbm4b:s3+s0], $0x80, v3, vm1, $0xb8;
	[tilespmem:$0x10A00] =	vst v63  }
0x165: {  	v3 =	vld @!p0 [tilespmem:s30+$0x240];
	_ =	sdelay $0x4  }
0x166: {  	v7 =	vshll.u32 @!p0 v3, $0x1  }
0x167: {  	v3 =	vand.u32 @!p0 $0x7, v3;
	v7 =	vand.u32 @!p0 $0xFFFFFFF0, v7  }
0x168: {  	v3 =	vor.u32 @!p0 v3, v7  }
0x169: {  	v7 =	vperm.xlane @!p0 v3, v4;
	_ =	sdelay $0x1  }
0x16a: {  	v3 =	vperm.xlane @!p0 v3, v5;
	v7 =	vadd.s32 @!p0 v6, v7;
	_ =	sdelay $0x1  }
0x16b: {  	v3 =	vadd.s32 @!p0 v6, v3;
	_ =	sdelay $0x1  }
0x16c: {  	s1 =	simm.s32 @!p0 $0x2A00  }
0x16d: {  	[tilespmem:s1], [sflag:$0x1] =	stream.indirect_vreg.gather @!p0 [hbm4b:s4+s0], $0x80, v7, vm1, $0xb8;
	[tilespmem:$0x10A00] =	vst v63  }
0x16e: {  	s1 =	simm.s32 @!p0 $0x3200  }
0x16f: {  	[tilespmem:s1], [sflag:$0x1] =	stream.indirect_vreg.gather @!p0 [hbm4b:s4+s0], $0x80, v3, vm1, $0xb8;
	[tilespmem:$0x10A00] =	vst v63  }
0x170: {  	v3 =	vld @!p0 [tilespmem:s30+$0x250];
	_ =	sdelay $0x4  }
0x171: {  	v7 =	vshll.u32 @!p0 v3, $0x1  }
0x172: {  	v3 =	vand.u32 @!p0 $0x7, v3;
	v7 =	vand.u32 @!p0 $0xFFFFFFF0, v7  }
0x173: {  	v3 =	vor.u32 @!p0 v3, v7  }
0x174: {  	v4 =	vperm.xlane @!p0 v3, v4;
	_ =	sdelay $0x1  }
0x175: {  	v3 =	vperm.xlane @!p0 v3, v5;
	v4 =	vadd.s32 @!p0 v6, v4;
	_ =	sdelay $0x1  }
0x176: {  	v3 =	vadd.s32 @!p0 v6, v3;
	_ =	sdelay $0x1  }
0x177: {  	s1 =	simm.s32 @!p0 $0x3A00  }
0x178: {  	[tilespmem:s1], [sflag:$0x1] =	stream.indirect_vreg.gather @!p0 [hbm4b:s4+s0], $0x80, v4, vm1, $0xb8;
	[tilespmem:$0x10A00] =	vst v63  }
0x179: {  	s6 =	sshll.u32 s29, $0xC;
	s1 =	simm.s32 @!p0 $0x4200  }
0x17a: {  	[tilespmem:s1], [sflag:$0x1] =	stream.indirect_vreg.gather @!p0 [hbm4b:s4+s0], $0x80, v3, vm1, $0xb8;
	[tilespmem:$0x10A00] =	vst v63  }
0x17b: {  	s0 =	sadd.s32 s6, s10  }
0x17c: {  	[hbm4b:s0+s2] =	stream.linear.scatter [tilespmem:s20], [sflag:$0x3], $0x4000, $0x38;
	[tilespmem:$0x10A00] =	vst v63  }
0x17d: {  	s0 =	simm.s32 @!p1 $0x4  }
0x17e: {  	_ =	swait.ge @!p1 [sflag:s0], $0x4000  }
0x17f: {  	[sflag:s0] =	ssyncset.done @!p1 $0x0  }
0x180: {  	[sflag:s0] =	ssyncadd.s32 @!p1 $0xFFFFC000  }
0x181: {  	_ =	swait.ge [sflag:s21], $0x2000  }
0x182: {  	[sflag:s21] =	ssyncset.done $0x0  }
0x183: {  	[sflag:s21] =	ssyncadd.s32 $0xFFFFE000  }
0x184: {  	_ =	swait.ge [sflag:s21], $0x2000  }
0x185: {  	[sflag:s21] =	ssyncset.done $0x0  }
0x186: {  	[sflag:s21] =	ssyncadd.s32 $0xFFFFE000  }
0x187: {  	v3 =	vld [tilespmem:$0x800]  }
0x188: {  	v4 =	vld [tilespmem:$0x880]  }
0x189: {  	s14 =	sadd.s32 $0x0, s26;
	v7 =	vld [tilespmem:$0x810]  }
0x18a: {  	v14 =	vmov s14;
	v8 =	vld [tilespmem:$0x890]  }
0x18b: {  	s17 =	simm.s32 $0x0;
	s0 =	simm.s32 $0x0;
	v9 =	vld [tilespmem:$0x820]  }
0x18c: {  	s1 =	sand.u32 $0xFFFFF800, s17;
	s5 =	sand.u32 $0x380, s0;
	v11 =	vld [tilespmem:$0x830]  }
0x18d: {  	s1 =	sor.u32 s5, s1;
	v12 =	vld [tilespmem:$0x8B0]  }
0x18e: {  	v15 =	vld [tilespmem:s1+$0x6A20]  }
0x18f: {  	v16 =	vld.idx.msk [tilespmem:v14+s13+$0x0], $0xffff  }
0x190: {  	v14 =	vld.idx.msk [tilespmem:v14+s18+$0x0], $0xffff  }
0x191: {  	v17 =	vld [tilespmem:s1+$0x4A20]  }
0x192: {  	v18 =	vld [tilespmem:s1+$0x6A00]  }
0x193: {  	v20 =	vld [tilespmem:s1+$0x4A00]  }
0x194: {  	v21 =	vld [tilespmem:s1+$0x4A30]  }
0x195: {  	v22 =	vld [tilespmem:s1+$0x6A30]  }
0x196: {  	v24 =	vld [tilespmem:s1+$0x6A10]  }
0x197: {  	v26 =	vld [tilespmem:s1+$0x4A10]  }
0x198: {  	v10 =	vld [tilespmem:$0x8A0];
	v19 =	vpack.i.f32.bf16 v16, v16;
	v23 =	vpack.i.f32.bf16 v14, v14  }
0x199: {  	v5 =	vld [tilespmem:$0x840];
	v28 =	vadd.bf16 v15, v17;
	v14 =	vmul.bf16 v19, v3;
	v25 =	vmul.bf16 v23, v4  }
0x19a: {  	v13 =	vld [tilespmem:$0x8C0];
	v18 =	vadd.bf16 v18, v20;
	v21 =	vadd.bf16 v22, v21  }
0x19b: {  	v6 =	vld [tilespmem:$0x850];
	v22 =	vmul.bf16 v19, v7;
	v30 =	vmul.bf16 v23, v8;
	v20 =	vadd.bf16 v25, v14  }
0x19c: {  	v16 =	vld [tilespmem:$0x8D0];
	v24 =	vadd.bf16 v24, v26;
	v27 =	vmul.bf16 v19, v11;
	v15 =	vmul.bf16 v23, v12  }
0x19d: {  	s6 =	simm.s32 $0x0;
	v17 =	vld [tilespmem:$0x8E0];
	v22 =	vadd.bf16 v30, v22;
	v20 =	vadd.bf16 v18, v20  }
0x19e: {  	s6 =	sand.u32 $0x3FFFF000, s6;
	v29 =	vmul.bf16 v23, v10;
	v14 =	vld [tilespmem:$0x860];
	v25 =	vmul.bf16 v19, v9;
	v27 =	vadd.bf16 v15, v27  }
0x19f: {  	s14 =	sor.u32 s5, s6;
	v15 =	vld [tilespmem:$0x870];
	v22 =	vadd.bf16 v24, v22;
	v26 =	vunpack.i.l.bf16.f32 v20  }
0x1a0: {  	v25 =	vadd.bf16 v29, v25;
	v18 =	vld [tilespmem:$0x8F0];
	v21 =	vadd.bf16 v21, v27;
	v20 =	vunpack.i.u.bf16.f32 v20;
	[tilespmem:s14+$0xCA00] =	vst v26  }
0x1a1: {  	v24 =	vunpack.i.u.bf16.f32 v22;
	[tilespmem:s14+$0xD200] =	vst v20  }
0x1a2: {  	v25 =	vadd.bf16 v28, v25;
	v20 =	vunpack.i.l.bf16.f32 v21;
	[tilespmem:s14+$0xD210] =	vst v24  }
0x1a3: {  	v24 =	vunpack.i.l.bf16.f32 v22;
	[tilespmem:s14+$0xCA30] =	vst v20  }
0x1a4: {  	v26 =	vunpack.i.u.bf16.f32 v25;
	[tilespmem:s14+$0xCA10] =	vst v24  }
0x1a5: {  	v20 =	vunpack.i.l.bf16.f32 v25;
	[tilespmem:s14+$0xD220] =	vst v26  }
0x1a6: {  	[tilespmem:s14+$0xCA20] =	vst v20;
	v20 =	vunpack.i.u.bf16.f32 v21  }
0x1a7: {  	v22 =	vmul.bf16 v23, v13;
	v21 =	vmul.bf16 v23, v17;
	[tilespmem:s14+$0xD230] =	vst v20  }
0x1a8: {  	s31 =	sor.u32 $0x1, s31;
	s17 =	simm.s32 $0x1;
	v20 =	vmul.bf16 v23, v18;
	v23 =	vmul.bf16 v23, v16;
	v24 =	vld [tilespmem:s1+$0x6A60]  }
.LBB2_7:
0x1a9: {  	p1 =	sne.s32 s17, $0x1F  }
0x1aa: {  	v25 =	vld [tilespmem:s1+$0x4A40];
	s0 =	sadd.s32 $0x80, s0;
	s5 =	smov.u32 s17;
	s17 =	sadd.s32 $0x1, s17  }
0x1ab: {  	v26 =	vld [tilespmem:s1+$0x4A60]  }
0x1ac: {  	v27 =	vld [tilespmem:s1+$0x6A40]  }
0x1ad: {  	v28 =	vld [tilespmem:s1+$0x6A70]  }
0x1ae: {  	v30 =	vmul.bf16 v19, v14;
	v29 =	vld [tilespmem:s1+$0x4A70]  }
0x1af: {  	v32 =	vmul.bf16 v19, v5;
	v33 =	vmul.bf16 v19, v6;
	v31 =	vld [tilespmem:s1+$0x4A50]  }
0x1b0: {  	v21 =	vadd.bf16 v21, v30;
	v34 =	vld [tilespmem:s1+$0x6A50];
	v24 =	vadd.bf16 v24, v26  }
0x1b1: {  	v19 =	vmul.bf16 v19, v15;
	v22 =	vadd.bf16 v22, v32;
	v23 =	vadd.bf16 v23, v33  }
0x1b2: {  	v25 =	vadd.bf16 v27, v25;
	v21 =	vadd.bf16 v24, v21  }
0x1b3: {  	v19 =	vadd.bf16 v20, v19;
	v24 =	vadd.bf16 v28, v29  }
0x1b4: {  	v20 =	vadd.bf16 v25, v22;
	v22 =	vunpack.i.u.bf16.f32 v21;
	v21 =	vunpack.i.l.bf16.f32 v21  }
0x1b5: {  	v25 =	vadd.bf16 v34, v31;
	[tilespmem:s14+$0xCA60] =	vst v21;
	v19 =	vadd.bf16 v24, v19  }
0x1b6: {  	v21 =	vunpack.i.u.bf16.f32 v20;
	v20 =	vunpack.i.l.bf16.f32 v20;
	[tilespmem:s14+$0xD260] =	vst v22  }
0x1b7: {  	[tilespmem:s14+$0xCA40] =	vst v20;
	v20 =	vadd.bf16 v25, v23;
	v22 =	vunpack.i.u.bf16.f32 v19;
	v19 =	vunpack.i.l.bf16.f32 v19  }
0x1b8: {  	s1 =	sadd.s32 s5, s26;
	[tilespmem:s14+$0xCA70] =	vst v19  }
0x1b9: {  	v19 =	vmov s1;
	v23 =	vunpack.i.u.bf16.f32 v20;
	v20 =	vunpack.i.l.bf16.f32 v20;
	[tilespmem:s14+$0xD270] =	vst v22  }
0x1ba: {  	s1 =	sshll.u32 s5, $0x8;
	[tilespmem:s14+$0xCA50] =	vst v20  }
0x1bb: {  	s6 =	sand.u32 $0x380, s0;
	s1 =	sand.u32 $0xFFFFF800, s1;
	[tilespmem:s14+$0xD250] =	vst v23  }
0x1bc: {  	s1 =	sor.u32 s6, s1;
	[tilespmem:s14+$0xD240] =	vst v21  }
0x1bd: {  	v20 =	vld [tilespmem:s1+$0x6A20]  }
0x1be: {  	v21 =	vld.idx.msk [tilespmem:v19+s13+$0x0], $0xffff  }
0x1bf: {  	v22 =	vld.idx.msk [tilespmem:v19+s18+$0x0], $0xffff  }
0x1c0: {  	v23 =	vld [tilespmem:s1+$0x4A20]  }
0x1c1: {  	v24 =	vld [tilespmem:s1+$0x6A00]  }
0x1c2: {  	v25 =	vld [tilespmem:s1+$0x4A00]  }
0x1c3: {  	v26 =	vld [tilespmem:s1+$0x6A10]  }
0x1c4: {  	v19 =	vpack.i.f32.bf16 v21, v21;
	v27 =	vld [tilespmem:s1+$0x4A30]  }
0x1c5: {  	v28 =	vpack.i.f32.bf16 v22, v22;
	v21 =	vmul.bf16 v19, v3;
	v29 =	vmul.bf16 v19, v11;
	v22 =	vld [tilespmem:s1+$0x4A10]  }
0x1c6: {  	v31 =	vmul.bf16 v28, v4;
	v20 =	vadd.bf16 v20, v23;
	v23 =	vmul.bf16 v19, v9;
	v30 =	vld [tilespmem:s1+$0x6A30]  }
0x1c7: {  	v32 =	vmul.bf16 v28, v12;
	v24 =	vadd.bf16 v24, v25;
	v25 =	vmul.bf16 v28, v10  }
0x1c8: {  	v33 =	vmul.bf16 v19, v7;
	v34 =	vmul.bf16 v28, v8;
	v31 =	vadd.bf16 v31, v21  }
0x1c9: {  	v21 =	vmul.bf16 v28, v17;
	v23 =	vadd.bf16 v25, v23;
	v25 =	vadd.bf16 v32, v29  }
0x1ca: {  	s5 =	sshll.u32 s5, $0x9;
	v24 =	vadd.bf16 v24, v31;
	v26 =	vadd.bf16 v26, v22;
	v22 =	vmul.bf16 v28, v13  }
0x1cb: {  	s5 =	sand.u32 $0x3FFFF000, s5;
	v29 =	vadd.bf16 v20, v23;
	v23 =	vadd.bf16 v30, v27;
	v20 =	vmul.bf16 v28, v18  }
0x1cc: {  	s14 =	sor.u32 s6, s5;
	v27 =	vunpack.i.u.bf16.f32 v24;
	v24 =	vunpack.i.l.bf16.f32 v24;
	v30 =	vadd.bf16 v34, v33  }
0x1cd: {  	[tilespmem:s14+$0xCA00] =	vst v24;
	v24 =	vunpack.i.u.bf16.f32 v29;
	v25 =	vadd.bf16 v23, v25;
	v23 =	vmul.bf16 v28, v16  }
0x1ce: {  	v26 =	vadd.bf16 v26, v30;
	[tilespmem:s14+$0xD200] =	vst v27;
	v27 =	vunpack.i.l.bf16.f32 v29  }
0x1cf: {  	v28 =	vunpack.i.u.bf16.f32 v25;
	v25 =	vunpack.i.l.bf16.f32 v25  }
0x1d0: {  	v29 =	vunpack.i.u.bf16.f32 v26;
	v26 =	vunpack.i.l.bf16.f32 v26;
	[tilespmem:s14+$0xCA30] =	vst v25  }
0x1d1: {  	[tilespmem:s14+$0xD220] =	vst v24  }
.Ltmp2:
0x1d2: {  	[tilespmem:s14+$0xCA20] =	vst v27;
	(pc) =	sbr.rel @p1 .LBB2_7-.Ltmp2, $4  }
0x1d3: {  	[tilespmem:s14+$0xD210] =	vst v29  }
0x1d4: {  	[tilespmem:s14+$0xD230] =	vst v28  }
0x1d5: {  	[tilespmem:s14+$0xCA10] =	vst v26  }
0x1d6: {  	v24 =	vld [tilespmem:s1+$0x6A60]  }
0x1d7: {  	v3 =	vld [tilespmem:s1+$0x4A40]  }
0x1d8: {  	v4 =	vld [tilespmem:s1+$0x4A60]  }
0x1d9: {  	v7 =	vld [tilespmem:s1+$0x6A40]  }
0x1da: {  	v8 =	vld [tilespmem:s1+$0x6A70]  }
0x1db: {  	v9 =	vld [tilespmem:s1+$0x4A70];
	v10 =	vmul.bf16 v19, v14  }
0x1dc: {  	v5 =	vmul.bf16 v19, v5  }
0x1dd: {  	v11 =	vld [tilespmem:s1+$0x4A50];
	v10 =	vadd.bf16 v21, v10;
	v4 =	vadd.bf16 v24, v4  }
0x1de: {  	v12 =	vld [tilespmem:s1+$0x6A50];
	v5 =	vadd.bf16 v22, v5  }
0x1df: {  	v13 =	vmul.bf16 v19, v15;
	v3 =	vadd.bf16 v7, v3;
	v4 =	vadd.bf16 v4, v10  }
0x1e0: {  	v6 =	vmul.bf16 v19, v6;
	v7 =	vadd.bf16 v8, v9  }
0x1e1: {  	v8 =	vadd.bf16 v20, v13;
	v3 =	vadd.bf16 v3, v5;
	v5 =	vunpack.i.l.bf16.f32 v4  }
0x1e2: {  	v6 =	vadd.bf16 v23, v6;
	v4 =	vunpack.i.u.bf16.f32 v4;
	[tilespmem:s14+$0xCA60] =	vst v5  }
0x1e3: {  	v9 =	vadd.bf16 v12, v11;
	v5 =	vadd.bf16 v7, v8;
	v7 =	vunpack.i.l.bf16.f32 v3;
	[tilespmem:s14+$0xD260] =	vst v4  }
0x1e4: {  	v3 =	vunpack.i.u.bf16.f32 v3;
	[tilespmem:s14+$0xCA40] =	vst v7  }
0x1e5: {  	v4 =	vadd.bf16 v9, v6;
	[tilespmem:s14+$0xD240] =	vst v3;
	v6 =	vunpack.i.l.bf16.f32 v5  }
0x1e6: {  	v5 =	vunpack.i.u.bf16.f32 v5;
	[tilespmem:s14+$0xCA70] =	vst v6  }
0x1e7: {  	v6 =	vunpack.i.l.bf16.f32 v4;
	[tilespmem:s14+$0xD270] =	vst v5  }
0x1e8: {  	v4 =	vunpack.i.u.bf16.f32 v4;
	[tilespmem:s14+$0xCA50] =	vst v6  }
0x1e9: {  	[tilespmem:s14+$0xD250] =	vst v4  }
0x1ea: {  	v3 =	vld [tilespmem:$0x900]  }
0x1eb: {  	v4 =	vld [tilespmem:$0x980]  }
0x1ec: {  	s0 =	sadd.s32 $0x0, s26;
	v7 =	vld [tilespmem:$0x910]  }
0x1ed: {  	v14 =	vmov s0;
	v8 =	vld [tilespmem:$0x990]  }
0x1ee: {  	s17 =	simm.s32 $0x0;
	s0 =	simm.s32 $0x0;
	v9 =	vld [tilespmem:$0x920]  }
0x1ef: {  	s1 =	sand.u32 $0xFFFFF800, s17;
	s5 =	sand.u32 $0x380, s0;
	v11 =	vld [tilespmem:$0x930]  }
0x1f0: {  	s1 =	sor.u32 s5, s1;
	v12 =	vld [tilespmem:$0x9B0]  }
0x1f1: {  	v15 =	vld [tilespmem:s1+$0x6E20]  }
0x1f2: {  	v16 =	vld.idx.msk [tilespmem:v14+s13+$0x0], $0xffff  }
0x1f3: {  	v14 =	vld.idx.msk [tilespmem:v14+s18+$0x0], $0xffff  }
0x1f4: {  	v17 =	vld [tilespmem:s1+$0x4E20]  }
0x1f5: {  	v18 =	vld [tilespmem:s1+$0x6E00]  }
0x1f6: {  	v20 =	vld [tilespmem:s1+$0x4E00]  }
0x1f7: {  	v21 =	vld [tilespmem:s1+$0x4E30]  }
0x1f8: {  	v22 =	vld [tilespmem:s1+$0x6E30]  }
0x1f9: {  	v24 =	vld [tilespmem:s1+$0x6E10]  }
0x1fa: {  	v26 =	vld [tilespmem:s1+$0x4E10]  }
0x1fb: {  	v10 =	vld [tilespmem:$0x9A0];
	v19 =	vpack.i.f32.bf16 v16, v16;
	v23 =	vpack.i.f32.bf16 v14, v14  }
0x1fc: {  	v5 =	vld [tilespmem:$0x940];
	v28 =	vadd.bf16 v15, v17;
	v14 =	vmul.bf16 v19, v3;
	v25 =	vmul.bf16 v23, v4  }
0x1fd: {  	v13 =	vld [tilespmem:$0x9C0];
	v18 =	vadd.bf16 v18, v20;
	v21 =	vadd.bf16 v22, v21  }
0x1fe: {  	v6 =	vld [tilespmem:$0x950];
	v22 =	vmul.bf16 v19, v7;
	v30 =	vmul.bf16 v23, v8;
	v20 =	vadd.bf16 v25, v14  }
0x1ff: {  	v16 =	vld [tilespmem:$0x9D0];
	v24 =	vadd.bf16 v24, v26;
	v27 =	vmul.bf16 v19, v11;
	v15 =	vmul.bf16 v23, v12  }
0x200: {  	s6 =	simm.s32 $0x0;
	v17 =	vld [tilespmem:$0x9E0];
	v22 =	vadd.bf16 v30, v22;
	v20 =	vadd.bf16 v18, v20  }
0x201: {  	s6 =	sand.u32 $0x3FFFF000, s6;
	v29 =	vmul.bf16 v23, v10;
	v14 =	vld [tilespmem:$0x960];
	v25 =	vmul.bf16 v19, v9;
	v27 =	vadd.bf16 v15, v27  }
0x202: {  	s14 =	sor.u32 s5, s6;
	v15 =	vld [tilespmem:$0x970];
	v22 =	vadd.bf16 v24, v22;
	v26 =	vunpack.i.l.bf16.f32 v20  }
0x203: {  	v25 =	vadd.bf16 v29, v25;
	v18 =	vld [tilespmem:$0x9F0];
	v21 =	vadd.bf16 v21, v27;
	v20 =	vunpack.i.u.bf16.f32 v20;
	[tilespmem:s14+$0xCE00] =	vst v26  }
0x204: {  	v24 =	vunpack.i.u.bf16.f32 v22;
	[tilespmem:s14+$0xD600] =	vst v20  }
0x205: {  	v25 =	vadd.bf16 v28, v25;
	v20 =	vunpack.i.l.bf16.f32 v21;
	[tilespmem:s14+$0xD610] =	vst v24  }
0x206: {  	v24 =	vunpack.i.l.bf16.f32 v22;
	[tilespmem:s14+$0xCE30] =	vst v20  }
0x207: {  	v26 =	vunpack.i.u.bf16.f32 v25;
	[tilespmem:s14+$0xCE10] =	vst v24  }
0x208: {  	v20 =	vunpack.i.l.bf16.f32 v25;
	[tilespmem:s14+$0xD620] =	vst v26  }
0x209: {  	[tilespmem:s14+$0xCE20] =	vst v20;
	v20 =	vunpack.i.u.bf16.f32 v21  }
0x20a: {  	v22 =	vmul.bf16 v23, v13;
	v21 =	vmul.bf16 v23, v17;
	[tilespmem:s14+$0xD630] =	vst v20  }
0x20b: {  	s17 =	simm.s32 $0x1;
	v20 =	vmul.bf16 v23, v18;
	v23 =	vmul.bf16 v23, v16;
	v24 =	vld [tilespmem:s1+$0x6E60]  }
.LBB2_9:
0x20c: {  	p1 =	sne.s32 s17, $0x1F  }
0x20d: {  	v25 =	vld [tilespmem:s1+$0x4E40];
	s0 =	sadd.s32 $0x80, s0;
	s5 =	smov.u32 s17;
	s17 =	sadd.s32 $0x1, s17  }
0x20e: {  	v26 =	vld [tilespmem:s1+$0x4E60]  }
0x20f: {  	v27 =	vld [tilespmem:s1+$0x6E40]  }
0x210: {  	v28 =	vld [tilespmem:s1+$0x6E70]  }
0x211: {  	v30 =	vmul.bf16 v19, v14;
	v29 =	vld [tilespmem:s1+$0x4E70]  }
0x212: {  	v32 =	vmul.bf16 v19, v5;
	v33 =	vmul.bf16 v19, v6;
	v31 =	vld [tilespmem:s1+$0x4E50]  }
0x213: {  	v21 =	vadd.bf16 v21, v30;
	v34 =	vld [tilespmem:s1+$0x6E50];
	v24 =	vadd.bf16 v24, v26  }
0x214: {  	v19 =	vmul.bf16 v19, v15;
	v22 =	vadd.bf16 v22, v32;
	v23 =	vadd.bf16 v23, v33  }
0x215: {  	v25 =	vadd.bf16 v27, v25;
	v21 =	vadd.bf16 v24, v21  }
0x216: {  	v19 =	vadd.bf16 v20, v19;
	v24 =	vadd.bf16 v28, v29  }
0x217: {  	v20 =	vadd.bf16 v25, v22;
	v22 =	vunpack.i.u.bf16.f32 v21;
	v21 =	vunpack.i.l.bf16.f32 v21  }
0x218: {  	v25 =	vadd.bf16 v34, v31;
	[tilespmem:s14+$0xCE60] =	vst v21;
	v19 =	vadd.bf16 v24, v19  }
0x219: {  	v21 =	vunpack.i.u.bf16.f32 v20;
	v20 =	vunpack.i.l.bf16.f32 v20;
	[tilespmem:s14+$0xD660] =	vst v22  }
0x21a: {  	[tilespmem:s14+$0xCE40] =	vst v20;
	v20 =	vadd.bf16 v25, v23;
	v22 =	vunpack.i.u.bf16.f32 v19;
	v19 =	vunpack.i.l.bf16.f32 v19  }
0x21b: {  	s1 =	sadd.s32 s5, s26;
	[tilespmem:s14+$0xCE70] =	vst v19  }
0x21c: {  	v19 =	vmov s1;
	v23 =	vunpack.i.u.bf16.f32 v20;
	v20 =	vunpack.i.l.bf16.f32 v20;
	[tilespmem:s14+$0xD670] =	vst v22  }
0x21d: {  	s1 =	sshll.u32 s5, $0x8;
	[tilespmem:s14+$0xCE50] =	vst v20  }
0x21e: {  	s6 =	sand.u32 $0x380, s0;
	s1 =	sand.u32 $0xFFFFF800, s1;
	[tilespmem:s14+$0xD650] =	vst v23  }
0x21f: {  	s1 =	sor.u32 s6, s1;
	[tilespmem:s14+$0xD640] =	vst v21  }
0x220: {  	v20 =	vld [tilespmem:s1+$0x6E20]  }
0x221: {  	v21 =	vld.idx.msk [tilespmem:v19+s13+$0x0], $0xffff  }
0x222: {  	v22 =	vld.idx.msk [tilespmem:v19+s18+$0x0], $0xffff  }
0x223: {  	v23 =	vld [tilespmem:s1+$0x4E20]  }
0x224: {  	v24 =	vld [tilespmem:s1+$0x6E00]  }
0x225: {  	v25 =	vld [tilespmem:s1+$0x4E00]  }
0x226: {  	v26 =	vld [tilespmem:s1+$0x6E10]  }
0x227: {  	v19 =	vpack.i.f32.bf16 v21, v21;
	v27 =	vld [tilespmem:s1+$0x4E30]  }
0x228: {  	v28 =	vpack.i.f32.bf16 v22, v22;
	v21 =	vmul.bf16 v19, v3;
	v29 =	vmul.bf16 v19, v11;
	v22 =	vld [tilespmem:s1+$0x4E10]  }
0x229: {  	v31 =	vmul.bf16 v28, v4;
	v20 =	vadd.bf16 v20, v23;
	v23 =	vmul.bf16 v19, v9;
	v30 =	vld [tilespmem:s1+$0x6E30]  }
0x22a: {  	v32 =	vmul.bf16 v28, v12;
	v24 =	vadd.bf16 v24, v25;
	v25 =	vmul.bf16 v28, v10  }
0x22b: {  	v33 =	vmul.bf16 v19, v7;
	v34 =	vmul.bf16 v28, v8;
	v31 =	vadd.bf16 v31, v21  }
0x22c: {  	v21 =	vmul.bf16 v28, v17;
	v23 =	vadd.bf16 v25, v23;
	v25 =	vadd.bf16 v32, v29  }
0x22d: {  	s5 =	sshll.u32 s5, $0x9;
	v24 =	vadd.bf16 v24, v31;
	v26 =	vadd.bf16 v26, v22;
	v22 =	vmul.bf16 v28, v13  }
0x22e: {  	s5 =	sand.u32 $0x3FFFF000, s5;
	v29 =	vadd.bf16 v20, v23;
	v23 =	vadd.bf16 v30, v27;
	v20 =	vmul.bf16 v28, v18  }
0x22f: {  	s14 =	sor.u32 s6, s5;
	v27 =	vunpack.i.u.bf16.f32 v24;
	v24 =	vunpack.i.l.bf16.f32 v24;
	v30 =	vadd.bf16 v34, v33  }
0x230: {  	[tilespmem:s14+$0xCE00] =	vst v24;
	v24 =	vunpack.i.u.bf16.f32 v29;
	v25 =	vadd.bf16 v23, v25;
	v23 =	vmul.bf16 v28, v16  }
0x231: {  	v26 =	vadd.bf16 v26, v30;
	[tilespmem:s14+$0xD600] =	vst v27;
	v27 =	vunpack.i.l.bf16.f32 v29  }
0x232: {  	v28 =	vunpack.i.u.bf16.f32 v25;
	v25 =	vunpack.i.l.bf16.f32 v25  }
0x233: {  	v29 =	vunpack.i.u.bf16.f32 v26;
	v26 =	vunpack.i.l.bf16.f32 v26;
	[tilespmem:s14+$0xCE30] =	vst v25  }
0x234: {  	[tilespmem:s14+$0xD620] =	vst v24  }
.Ltmp3:
0x235: {  	[tilespmem:s14+$0xCE20] =	vst v27;
	(pc) =	sbr.rel @p1 .LBB2_9-.Ltmp3, $4  }
0x236: {  	[tilespmem:s14+$0xD610] =	vst v29  }
0x237: {  	[tilespmem:s14+$0xD630] =	vst v28  }
0x238: {  	[tilespmem:s14+$0xCE10] =	vst v26  }
0x239: {  	v24 =	vld [tilespmem:s1+$0x6E60]  }
0x23a: {  	v3 =	vld [tilespmem:s1+$0x4E40]  }
0x23b: {  	v4 =	vld [tilespmem:s1+$0x4E60]  }
0x23c: {  	v7 =	vld [tilespmem:s1+$0x6E40]  }
0x23d: {  	v8 =	vld [tilespmem:s1+$0x6E70]  }
0x23e: {  	v9 =	vld [tilespmem:s1+$0x4E70];
	v10 =	vmul.bf16 v19, v14  }
0x23f: {  	v11 =	vld [tilespmem:s1+$0x4E50];
	v5 =	vmul.bf16 v19, v5  }
0x240: {  	v12 =	vld [tilespmem:s1+$0x6E50];
	v10 =	vadd.bf16 v21, v10;
	v4 =	vadd.bf16 v24, v4  }
0x241: {  	v13 =	vmul.bf16 v19, v15;
	v5 =	vadd.bf16 v22, v5  }
0x242: {  	v6 =	vmul.bf16 v19, v6;
	v3 =	vadd.bf16 v7, v3;
	v4 =	vadd.bf16 v4, v10  }
0x243: {  	v56 =	vadd.bf16 v20, v13;
	v55 =	vadd.bf16 v8, v9  }
0x244: {  	v6 =	vadd.bf16 v23, v6;
	v3 =	vadd.bf16 v3, v5;
	v57 =	vunpack.i.l.bf16.f32 v4  }
0x245: {  	v58 =	vadd.bf16 v12, v11;
	v59 =	vadd.bf16 v55, v56;
	v4 =	vunpack.i.u.bf16.f32 v4;
	[tilespmem:s14+$0xCE60] =	vst v57  }
0x246: {  	v60 =	vunpack.i.l.bf16.f32 v3;
	[tilespmem:s14+$0xD660] =	vst v4  }
0x247: {  	v61 =	vadd.bf16 v58, v6;
	v62 =	vunpack.i.l.bf16.f32 v59;
	[tilespmem:s14+$0xCE40] =	vst v60  }
0x248: {  	v5 =	vunpack.i.u.bf16.f32 v59;
	[tilespmem:s14+$0xCE70] =	vst v62  }
0x249: {  	v63 =	vunpack.i.l.bf16.f32 v61;
	[tilespmem:s14+$0xD670] =	vst v5  }
0x24a: {  	v3 =	vunpack.i.u.bf16.f32 v3;
	[tilespmem:s14+$0xCE50] =	vst v63  }
0x24b: {  	v4 =	vunpack.i.u.bf16.f32 v61;
	[tilespmem:s14+$0xD640] =	vst v3  }
0x24c: {  	[tilespmem:s14+$0xD650] =	vst v4  }
0x24d: {  	v3 =	vld @!p0 [tilespmem:s30+$0x60];
	_ =	sdelay $0x4  }
0x24e: {  	v4 =	vshll.u32 @!p0 v3, $0x1  }
0x24f: {  	v5 =	vlaneseq.u32 @!p0;
	v3 =	vand.u32 @!p0 $0x7, v3;
	v4 =	vand.u32 @!p0 $0xFFFFFFF0, v4  }
0x250: {  	v6 =	vshrl.u32 @!p0 v5, $0x3;
	v3 =	vor.u32 @!p0 v3, v4;
	v4 =	vand.u32 @!p0 $0x7, v5  }
0x251: {  	v6 =	vmul.u32 @!p0 $0x8, v6;
	v7 =	vperm.xlane @!p0 v3, v4  }
0x252: {  	v5 =	vor.u32 @!p0 $0x8, v5  }
0x253: {  	v3 =	vperm.xlane @!p0 v3, v5;
	v7 =	vadd.s32 @!p0 v6, v7;
	_ =	sdelay $0x1  }
0x254: {  	v3 =	vadd.s32 @!p0 v6, v3;
	_ =	sdelay $0x1  }
0x255: {  	s0 =	simm.s32 @!p0 $0x0;
	s1 =	simm.s32 @!p0 $0x4A00  }
0x256: {  	[tilespmem:s1], [sflag:$0x2] =	stream.indirect_vreg.gather @!p0 [hbm4b:s3+s0], $0x80, v7, vm1, $0xb8;
	[tilespmem:$0x10A00] =	vst v63  }
0x257: {  	s1 =	simm.s32 @!p0 $0x5200  }
0x258: {  	[tilespmem:s1], [sflag:$0x2] =	stream.indirect_vreg.gather @!p0 [hbm4b:s3+s0], $0x80, v3, vm1, $0xb8;
	[tilespmem:$0x10A00] =	vst v63  }
0x259: {  	v3 =	vld @!p0 [tilespmem:s30+$0x70];
	_ =	sdelay $0x4  }
0x25a: {  	v7 =	vshll.u32 @!p0 v3, $0x1  }
0x25b: {  	v3 =	vand.u32 @!p0 $0x7, v3;
	v7 =	vand.u32 @!p0 $0xFFFFFFF0, v7  }
0x25c: {  	v3 =	vor.u32 @!p0 v3, v7  }
0x25d: {  	v7 =	vperm.xlane @!p0 v3, v4;
	_ =	sdelay $0x1  }
0x25e: {  	v3 =	vperm.xlane @!p0 v3, v5;
	v7 =	vadd.s32 @!p0 v6, v7;
	_ =	sdelay $0x1  }
0x25f: {  	v3 =	vadd.s32 @!p0 v6, v3;
	_ =	sdelay $0x1  }
0x260: {  	s1 =	simm.s32 @!p0 $0x5A00  }
0x261: {  	[tilespmem:s1], [sflag:$0x2] =	stream.indirect_vreg.gather @!p0 [hbm4b:s3+s0], $0x80, v7, vm1, $0xb8;
	[tilespmem:$0x10A00] =	vst v63  }
0x262: {  	s1 =	simm.s32 @!p0 $0x6200  }
0x263: {  	[tilespmem:s1], [sflag:$0x2] =	stream.indirect_vreg.gather @!p0 [hbm4b:s3+s0], $0x80, v3, vm1, $0xb8;
	[tilespmem:$0x10A00] =	vst v63  }
0x264: {  	v3 =	vld @!p0 [tilespmem:s30+$0x260];
	_ =	sdelay $0x4  }
0x265: {  	v7 =	vshll.u32 @!p0 v3, $0x1  }
0x266: {  	v3 =	vand.u32 @!p0 $0x7, v3;
	v7 =	vand.u32 @!p0 $0xFFFFFFF0, v7  }
0x267: {  	v3 =	vor.u32 @!p0 v3, v7  }
0x268: {  	v7 =	vperm.xlane @!p0 v3, v4;
	_ =	sdelay $0x1  }
0x269: {  	v3 =	vperm.xlane @!p0 v3, v5;
	v7 =	vadd.s32 @!p0 v6, v7;
	_ =	sdelay $0x1  }
0x26a: {  	v3 =	vadd.s32 @!p0 v6, v3;
	_ =	sdelay $0x1  }
0x26b: {  	s1 =	simm.s32 @!p0 $0x6A00  }
0x26c: {  	[tilespmem:s1], [sflag:$0x2] =	stream.indirect_vreg.gather @!p0 [hbm4b:s4+s0], $0x80, v7, vm1, $0xb8;
	[tilespmem:$0x10A00] =	vst v63  }
0x26d: {  	s1 =	simm.s32 @!p0 $0x7200  }
0x26e: {  	[tilespmem:s1], [sflag:$0x2] =	stream.indirect_vreg.gather @!p0 [hbm4b:s4+s0], $0x80, v3, vm1, $0xb8;
	[tilespmem:$0x10A00] =	vst v63  }
0x26f: {  	v3 =	vld @!p0 [tilespmem:s30+$0x270];
	_ =	sdelay $0x4  }
0x270: {  	v7 =	vshll.u32 @!p0 v3, $0x1  }
0x271: {  	v3 =	vand.u32 @!p0 $0x7, v3;
	v7 =	vand.u32 @!p0 $0xFFFFFFF0, v7  }
0x272: {  	v3 =	vor.u32 @!p0 v3, v7  }
0x273: {  	v4 =	vperm.xlane @!p0 v3, v4;
	_ =	sdelay $0x1  }
0x274: {  	v3 =	vperm.xlane @!p0 v3, v5;
	v4 =	vadd.s32 @!p0 v6, v4;
	_ =	sdelay $0x1  }
0x275: {  	v3 =	vadd.s32 @!p0 v6, v3;
	_ =	sdelay $0x1  }
0x276: {  	s1 =	simm.s32 @!p0 $0x7A00  }
0x277: {  	[tilespmem:s1], [sflag:$0x2] =	stream.indirect_vreg.gather @!p0 [hbm4b:s4+s0], $0x80, v4, vm1, $0xb8;
	[tilespmem:$0x10A00] =	vst v63  }
0x278: {  	s29 =	sadd.s32 $0x1, s29;
	s1 =	simm.s32 @!p0 $0x8200  }
0x279: {  	[tilespmem:s1], [sflag:$0x2] =	stream.indirect_vreg.gather @!p0 [hbm4b:s4+s0], $0x80, v3, vm1, $0xb8;
	[tilespmem:$0x10A00] =	vst v63  }
0x27a: {  	p0 =	sne.s32 s29, $0x8  }
.Ltmp4:
0x27b: {  	_ = 	snop;
	(pc) =	sbr.rel @p0 .LBB2_2-.Ltmp4, $4  }
0x27c: {  	_ = 	snop  }
0x27d: {  	s31 =	sshll.u32 s31, $0xB  }
0x27e: {  	s28 =	sadd.s32 $0x40, s28;
	s26 =	sadd.s32 $0x40, s26;
	s0 =	sadd.s32 s31, s10  }
0x27f: {  	[hbm4b:s0+s2] =	stream.linear.scatter [tilespmem:s22], [sflag:$0x4], $0x4000, $0x38;
	[tilespmem:$0x10A00] =	vst v63  }
0x280: {  	s25 =	sadd.s32 $0x1, s25  }
0x281: {  	_ =	swait.ge [sflag:s23], $0x4000;
	p0 =	sne.s32 s25, s11  }
.Ltmp5:
0x282: {  	[sflag:s23] =	ssyncset.done $0x0;
	(pc) =	sbr.rel @p0 .LBB2_1-.Ltmp5, $4  }
0x283: {  	[sflag:s23] =	ssyncadd.s32 $0xFFFFC000  }
0x284: {  	_ =	swait.ge [sflag:s24], $0x4000  }
0x285: {  	[sflag:s24] =	ssyncset.done $0x0  }
0x286: {  	[sflag:s24] =	ssyncadd.s32 $0xFFFFC000  }
0x287: {  	_ =	sfence.sel $0x180000  }
0x288: {  	[bflag:$0x0] =	sbarrier.arrive $0xFFFF  }
0x289: {  	_ =	strace $0x90000047  }
0x28a: {  	s0 =	stileid.u32;
	[bflag:$0x2] =	sbarrier.arrive $0xFFFF  }
0x28b: {  	p0 =	sne.s32 s0, $0x0;
	s0 =	rddreg [dreg:$0x3]  }
0x28c: {  	s0 =	sadd.s32 @!p0 $0x100000, s0  }
0x28d: {  	[sflag:s0] =	ssyncadd.tile.s32 @!p0 $0x1;
	_ =	shalt  }
.Lfunc_end2:
_tile_overlayer_lowered:
.L_overlay_start_2:
0x28e: {  	(tag) =	ssettag $0x2  }
0x28f: {  	s0 =	rddreg [dreg:$0x0];
	s2 =	stileid.u32  }
0x290: {  	s1 =	rddreg [dreg:$0x1];
	p0 =	sne.s32 s2, $0x0  }
0x291: {  	s3 =	rddreg [dreg:$0x2];
	[bflag:$0x3] =	sbarrier.arrive $0xFFFF;
	s2 =	simm.s32 @!p0 $0x1C05  }
0x292: {  	[timem:s3], [sflag:s2] =	dma.local @!p0 [hbm:s0], s1  }
0x293: {  	s0 =	simm.s32 @!p0 $0x5  }
0x294: {  	_ =	swait.ge @!p0 [sflag:s0], s1  }
0x295: {  	s1 =	ssub.s32 @!p0 $0x0, s1;
	[sflag:s0] =	ssyncset.done @!p0 $0x0  }
0x296: {  	[sflag:s0] =	ssyncadd.s32 @!p0 s1  }
0x297: {  	[bflag:$0x3] =	sbarrier.arrive $0xFFFF  }
0x298: {  	_ =	shalt  }

</sc_bundles>
